<compile_context>
chip_gen: v7x
topology: tpu7x:2x2x1
jax: 0.10.2.dev20260603
libtpu: 0.0.44.dev20260713+nightly
codegen_flags: <defaults>
</compile_context>

<pallas_src>
import jax
import jax.numpy as jnp
from jax import lax
from jax.experimental import pallas as pl
from jax.experimental.pallas import tpu as pltpu
from jax.experimental.pallas import tpu_sc as plsc

CAP = 1000000
FEAT = 32
B = 16384
NC = 2
NS = 16
L = 16
NW = NC * NS
NA = 24
RPA = 31248
RPB = 31256
NIDX = B // L
CAPL = 1024
CAPW = 512
LISTN = CAPL + 2 * L
PSHIFT = 16384


def _sc_body(by, y, idx, oby, pkw, mcnt,
             llist, plist, wl, wp, pk, ywin, u_buf, big_buf, mstage, sem_d):
  sid = lax.axis_index("s")
  cid = lax.axis_index("c")
  wid = cid * NS + sid
  base = wid * RPA + jnp.maximum(wid - NA, 0) * (RPB - RPA)
  is_b = wid >= NA
  rpw = jnp.where(is_b, RPB, RPA)
  iota = lax.iota(jnp.int32, L)
  zeros = jnp.zeros((L,), jnp.int32)

  tab = big_buf
  pltpu.sync_copy(idx, u_buf)

  def _zero(j, _):
    llist[pl.ds(j * L, L)] = zeros
    plist[pl.ds(j * L, L)] = zeros
    return 0
  lax.fori_loop(0, LISTN // L, _zero, 0)

  def _filter(k, cnt):
    v = u_buf[pl.ds(k * L, L)]
    inr = jnp.logical_and(v >= base, v < base + rpw)
    pos = k * L + iota
    inr_i = inr.astype(jnp.int32)
    cum = plsc.cumsum(inr_i)
    offs = cnt + cum - inr_i
    plsc.store_scatter(llist, [offs], v - base, mask=inr)
    plsc.store_scatter(plist, [offs], pos, mask=inr)
    return jnp.minimum(cnt + cum[L - 1], CAPL)
  n = lax.fori_loop(0, NIDX, _filter, jnp.int32(0))

  def _ded1(g, _):
    lanes = g * L + iota
    valid = lanes < n
    iv = llist[pl.ds(g * L, L)]
    pv = plist[pl.ds(g * L, L)]
    for l in range(L):
      plsc.store_scatter(tab, [iv], pv,
                         mask=jnp.logical_and(valid, iota == l))
    return 0
  lax.fori_loop(0, (n + L - 1) // L, _ded1, 0)

  def _ded2(g, m):
    lanes = g * L + iota
    valid = lanes < n
    iv = llist[pl.ds(g * L, L)]
    pv = plist[pl.ds(g * L, L)]
    w = plsc.load_gather(tab, [iv], mask=valid)
    win = jnp.logical_and(valid, w == pv)
    win_i = win.astype(jnp.int32)
    cum = plsc.cumsum(win_i)
    offs = m + cum - win_i
    plsc.store_scatter(wl, [offs], iv, mask=win)
    plsc.store_scatter(wp, [offs], pv, mask=win)
    return jnp.minimum(m + cum[L - 1], CAPW)
  m = lax.fori_loop(0, (n + L - 1) // L, _ded2, jnp.int32(0))

  @pl.when(m > 0)
  def _():
    def _pack(g, _):
      lv = wl[pl.ds(g * L, L)]
      pv = wp[pl.ds(g * L, L)]
      pk[pl.ds(g * L, L)] = jnp.bitwise_or(lv * PSHIFT, pv)
      return 0
    lax.fori_loop(0, (m + L - 1) // L, _pack, 0)

    pltpu.sync_copy(y, u_buf)

    def _ygat(g, _):
      lanes = g * L + iota
      msk = lanes < m
      pv = wp[pl.ds(g * L, L)]
      ywin[pl.ds(g * L, L)] = plsc.load_gather(u_buf, [pv], mask=msk)
      return 0
    lax.fori_loop(0, (m + L - 1) // L, _ygat, 0)

  pltpu.sync_copy(pk.at[pl.ds(0, CAPW)], pkw.at[wid])
  mstage[pl.ds(0, L)] = jnp.where(iota == 0, m, 0)
  pltpu.sync_copy(mstage, mcnt.at[wid])

  by_buf = big_buf

  @pl.when(jnp.logical_not(is_b))
  def _():
    pltpu.sync_copy(by.at[pl.ds(base, RPA)], by_buf.at[pl.ds(0, RPA)])

  @pl.when(is_b)
  def _():
    pltpu.sync_copy(by.at[pl.ds(base, RPB)], by_buf.at[pl.ds(0, RPB)])

  @pl.when(m > 0)
  def _():
    def _appy(g, _):
      lanes = g * L + iota
      msk = lanes < m
      iv = wl[pl.ds(g * L, L)]
      yvv = ywin[pl.ds(g * L, L)]
      plsc.store_scatter(by_buf, [iv], yvv, mask=msk)
      return 0
    lax.fori_loop(0, (m + L - 1) // L, _appy, 0)

  @pl.when(jnp.logical_not(is_b))
  def _():
    pltpu.sync_copy(by_buf.at[pl.ds(0, RPA)], oby.at[pl.ds(base, RPA)])

  @pl.when(is_b)
  def _():
    pltpu.sync_copy(by_buf.at[pl.ds(0, RPB)], oby.at[pl.ds(base, RPB)])


_mesh = plsc.VectorSubcoreMesh(core_axis_name="c", subcore_axis_name="s",
                               num_cores=NC, num_subcores=NS)

_sc_call = pl.kernel(
    _sc_body,
    out_type=(jax.ShapeDtypeStruct((CAP,), jnp.int32),
              jax.ShapeDtypeStruct((NW, CAPW), jnp.int32),
              jax.ShapeDtypeStruct((NW, L), jnp.int32)),
    mesh=_mesh,
    compiler_params=pltpu.CompilerParams(needs_layout_passes=False),
    scratch_types=[
        pltpu.VMEM((LISTN,), jnp.int32),
        pltpu.VMEM((LISTN,), jnp.int32),
        pltpu.VMEM((LISTN,), jnp.int32),
        pltpu.VMEM((LISTN,), jnp.int32),
        pltpu.VMEM((LISTN,), jnp.int32),
        pltpu.VMEM((LISTN,), jnp.int32),
        pltpu.VMEM((B,), jnp.int32),
        pltpu.VMEM((RPB,), jnp.int32),
        pltpu.VMEM((L,), jnp.int32),
        pltpu.SemaphoreType.DMA,
    ],
)


def _tc_body(bx_hbm, x_hbm, pkw_sm, mcnt_sm, out_hbm, sem_d):
  for w in range(NW):
    base_w = w * RPA + max(w - NA, 0) * (RPB - RPA)
    mw = mcnt_sm[w, 0]

    def _issue(k, _):
      e = pkw_sm[w, k]
      p = jax.lax.rem(e, PSHIFT)
      r = jax.lax.div(e, PSHIFT)
      pltpu.make_async_copy(x_hbm.at[pl.ds(p, 1)],
                            out_hbm.at[pl.ds(base_w + r, 1)], sem_d).start()
      return 0
    lax.fori_loop(0, mw, _issue, 0)

    def _drain(k, _):
      e = pkw_sm[w, k]
      p = jax.lax.rem(e, PSHIFT)
      r = jax.lax.div(e, PSHIFT)
      pltpu.make_async_copy(x_hbm.at[pl.ds(p, 1)],
                            out_hbm.at[pl.ds(base_w + r, 1)], sem_d).wait()
      return 0
    lax.fori_loop(0, mw, _drain, 0)


_tc_call = pl.pallas_call(
    _tc_body,
    out_shape=jax.ShapeDtypeStruct((CAP, FEAT), jnp.float32),
    in_specs=[
        pl.BlockSpec(memory_space=pltpu.HBM),
        pl.BlockSpec(memory_space=pltpu.HBM),
        pl.BlockSpec(memory_space=pltpu.SMEM),
        pl.BlockSpec(memory_space=pltpu.SMEM),
    ],
    out_specs=pl.BlockSpec(memory_space=pltpu.HBM),
    input_output_aliases={0: 0},
    scratch_shapes=[pltpu.SemaphoreType.DMA],
)


def kernel(bx, by, x, y, idx):
  oby, pkw, mcnt = _sc_call(by, y, idx)
  obx = _tc_call(bx, x, pkw, mcnt)
  return obx, oby

# --- scband reference (transcript-rebuilt; emitter-appended) ---
"""Pipeline reference for scband-buffer-51685636440793 (READ-ONLY COPY).

The authoritative reference and input builder live on the scoring server;
editing this copy changes nothing except your own understanding.
"""

import jax, jax.numpy as jnp
import numpy as np

CAPACITY = 1000000
FEAT = 32
BATCH = 16384
N_SEEN = 2000000  # Buffer.n_seen_so_far at time of this reservoir step


def setup_inputs(seed: int = 0) -> dict:
    key = jax.random.key(seed)
    k1, k2, k3 = jax.random.split(key, 3)
    # Buffer state (registered buffers in the torch module, zero-initialized)
    bx = jnp.zeros((CAPACITY, FEAT), dtype=jnp.float32)
    by = jnp.zeros((CAPACITY,), dtype=jnp.int32)
    # Incoming batch
    x = jax.random.normal(k1, (BATCH, FEAT), dtype=jnp.float32)
    y = jax.random.randint(k2, (BATCH,), 0, 1000, dtype=jnp.int32)
    # Reservoir indices: torch code draws uniform_(0, n_seen_so_far).long().
    # Passed explicitly for determinism; values >= CAPACITY are invalid and dropped.
    idx = jax.random.randint(k3, (BATCH,), 0, N_SEEN, dtype=jnp.int32)
    return {"bx": bx, "by": by, "x": x, "y": y, "idx": idx}


def reference(bx, by, x, y, idx):
    # Faithful translation of Buffer.add_reservoir buffer-full path:
    #   indices = uniform(0, n_seen_so_far); valid = indices < capacity
    #   bx[idx[valid]] = x[valid]; by[idx[valid]] = y[valid]
    # jax scatter-overwrite with mode='drop' drops out-of-bounds indices,
    # exactly matching the torch validity mask (idx < capacity).
    new_bx = bx.at[idx].set(x, mode='drop')
    new_by = by.at[idx].set(y, mode='drop')
    return new_bx, new_by

if __name__ == "__main__":
    import jax
    _d = setup_inputs()
    print(jax.jit(kernel)(*tuple(_d.values())))

</pallas_src>

<mosaic_0001>
#map = affine_map<(d0, d1) -> (0)>
#map1 = affine_map<(d0, d1) -> (0, 0)>
module attributes {stable_mosaic.version = 14 : i64} {
  func.func @_sc_body(%arg0: i32, %arg1: i32, %arg2: memref<1000000xi32, #tpu.memory_space<hbm>>, %arg3: memref<16384xi32, #tpu.memory_space<hbm>>, %arg4: memref<16384xi32, #tpu.memory_space<hbm>>, %arg5: memref<1000000xi32, #tpu.memory_space<hbm>>, %arg6: memref<32x512xi32, #tpu.memory_space<hbm>>, %arg7: memref<32x16xi32, #tpu.memory_space<hbm>>, %arg8: memref<1056xi32, #tpu.memory_space<vmem>>, %arg9: memref<1056xi32, #tpu.memory_space<vmem>>, %arg10: memref<1056xi32, #tpu.memory_space<vmem>>, %arg11: memref<1056xi32, #tpu.memory_space<vmem>>, %arg12: memref<1056xi32, #tpu.memory_space<vmem>>, %arg13: memref<1056xi32, #tpu.memory_space<vmem>>, %arg14: memref<16384xi32, #tpu.memory_space<vmem>>, %arg15: memref<31256xi32, #tpu.memory_space<vmem>>, %arg16: memref<16xi32, #tpu.memory_space<vmem>>, %arg17: memref<!tpu.dma_semaphore, #tpu.memory_space<semaphore_mem>>) attributes {dimension_semantics = [#tpu.dimension_semantics<core_parallel>, #tpu.dimension_semantics<subcore_parallel>], iteration_bounds = array<i64: 2, 16>, scalar_prefetch = 0 : i64, scratch_operands = 10 : i64, tpu.core_type = #tpu.core_type<sc_vector_subcore>, window_params = [{transform_indices = #map}, {transform_indices = #map}, {transform_indices = #map}, {transform_indices = #map}, {transform_indices = #map1}, {transform_indices = #map1}]} {
    %mul3A = arith.constant 16 : i32
    %mul3A_0 = arith.muli %arg0, %mul3A : i32
    %add3A = arith.addi %mul3A_0, %arg1 : i32
    %mul3A_1 = arith.constant 31248 : i32
    %mul3A_2 = arith.muli %add3A, %mul3A_1 : i32
    %sub3A = arith.constant 24 : i32
    %sub3A_3 = arith.subi %add3A, %sub3A : i32
    %max3A = arith.constant 0 : i32
    %max3A_4 = arith.maxsi %sub3A_3, %max3A : i32
    %mul3A_5 = arith.constant 8 : i32
    %mul3A_6 = arith.muli %max3A_4, %mul3A_5 : i32
    %add3A_7 = arith.addi %mul3A_2, %mul3A_6 : i32
    %ge3A = arith.constant 24 : i32
    %ge3A_8 = arith.cmpi sge, %add3A, %ge3A : i32
    %jit3A = arith.constant 31256 : i32
    %jit3A_9 = arith.constant 31248 : i32
    %select_n3A = arith.select %ge3A_8, %jit3A, %jit3A_9 : i32
    %iota3A = tpu.iota {dimensions = array<i32: 0>} : vector<16xi32>
    %broadcast_in_dim3A = arith.constant 0 : i32
    %broadcast_in_dim3A_10 = vector.broadcast %broadcast_in_dim3A : i32 to vector<16xi32>
    "tpu.region"() ({
      %run_scoped3A = tpu.sem_alloc : memref<!tpu.dma_semaphore, #tpu.memory_space<semaphore_mem>>
      tpu.enqueue_dma source(%arg4 : memref<16384xi32, #tpu.memory_space<hbm>>) target(%arg14 : memref<16384xi32, #tpu.memory_space<vmem>>) target_semaphore(%run_scoped3A : memref<!tpu.dma_semaphore, #tpu.memory_space<semaphore_mem>>)
      tpu.wait_dma2 semaphore(%run_scoped3A : memref<!tpu.dma_semaphore, #tpu.memory_space<semaphore_mem>>) src(%arg4 : memref<16384xi32, #tpu.memory_space<hbm>>) dst(%arg14 : memref<16384xi32, #tpu.memory_space<vmem>>)
      tpu.yield
    }) : () -> ()
    %scan3A = arith.constant 0 : i32
    %scan3A_11 = arith.constant 0 : i32
    %scan3A_12 = arith.constant 66 : i32
    %scan3A_13 = arith.addi %scan3A_11, %scan3A_12 : i32
    %scan3A_14 = arith.constant 1 : i32
    %scan3A_15 = scf.for %scan3A_127 = %scan3A_11 to %scan3A_13 step %scan3A_14 iter_args(%scan3A_128 = %scan3A) -> (i32)  : i32 {
      %mul3A_129 = arith.constant 16 : i32
      %mul3A_130 = arith.muli %scan3A_127, %mul3A_129 : i32
      %swap3A_131 = arith.index_cast %mul3A_130 : i32 to index
      %swap3A_132 = tpu.vector_load %arg8[%swap3A_131] {strides = array<i32>} : memref<1056xi32, #tpu.memory_space<vmem>>, vector<16xi32>,
      tpu.vector_store %arg8[%swap3A_131], %broadcast_in_dim3A_10 {strides = array<i32>} : memref<1056xi32, #tpu.memory_space<vmem>>, vector<16xi32>,
      %mul3A_133 = arith.constant 16 : i32
      %mul3A_134 = arith.muli %scan3A_127, %mul3A_133 : i32
      %swap3A_135 = arith.index_cast %mul3A_134 : i32 to index
      %swap3A_136 = tpu.vector_load %arg9[%swap3A_135] {strides = array<i32>} : memref<1056xi32, #tpu.memory_space<vmem>>, vector<16xi32>,
      tpu.vector_store %arg9[%swap3A_135], %broadcast_in_dim3A_10 {strides = array<i32>} : memref<1056xi32, #tpu.memory_space<vmem>>, vector<16xi32>,
      %scan3A_137 = arith.constant 0 : i32
      scf.yield %scan3A_137 : i32
    }
    %scan3A_16 = arith.constant 66 : i32
    %scan3A_17 = arith.constant 0 : i32
    %scan3A_18 = arith.constant 0 : i32
    %scan3A_19 = arith.constant 1024 : i32
    %scan3A_20 = arith.addi %scan3A_18, %scan3A_19 : i32
    %scan3A_21 = arith.constant 1 : i32
    %scan3A_22 = scf.for %scan3A_127 = %scan3A_18 to %scan3A_20 step %scan3A_21 iter_args(%scan3A_128 = %scan3A_17) -> (i32)  : i32 {
      %mul3A_129 = arith.constant 16 : i32
      %mul3A_130 = arith.muli %scan3A_127, %mul3A_129 : i32
      %get3A = arith.index_cast %mul3A_130 : i32 to index
      %get3A_131 = tpu.vector_load %arg14[%get3A] {strides = array<i32>} : memref<16384xi32, #tpu.memory_space<vmem>>, vector<16xi32>,
      %ge3A_132 = vector.broadcast %add3A_7 : i32 to vector<16xi32>
      %ge3A_133 = arith.cmpi sge, %get3A_131, %ge3A_132 : vector<16xi32>
      %add3A_134 = arith.addi %add3A_7, %select_n3A : i32
      %lt3A = vector.broadcast %add3A_134 : i32 to vector<16xi32>
      %lt3A_135 = arith.cmpi slt, %get3A_131, %lt3A : vector<16xi32>
      %and3A_136 = arith.andi %ge3A_133, %lt3A_135 : vector<16xi1>
      %mul3A_137 = arith.constant 16 : i32
      %mul3A_138 = arith.muli %scan3A_127, %mul3A_137 : i32
      %add3A_139 = vector.broadcast %mul3A_138 : i32 to vector<16xi32>
      %add3A_140 = arith.addi %add3A_139, %iota3A : vector<16xi32>
      %convert_element_type3A_141 = arith.extui %and3A_136 : vector<16xi1> to vector<16xi32>
      %broadcast_in_dim3A_142 = arith.constant true
      %broadcast_in_dim3A_143 = vector.broadcast %broadcast_in_dim3A_142 : i1 to vector<16xi1>
      %masked_cumsum3A = tpu.scan <sum>, %convert_element_type3A_141 masked %broadcast_in_dim3A_143 : vector<16xi32>, vector<16xi1> -> vector<16xi32>
      %add3A_144 = vector.broadcast %scan3A_128 : i32 to vector<16xi32>
      %add3A_145 = arith.addi %add3A_144, %masked_cumsum3A : vector<16xi32>
      %sub3A_146 = arith.subi %add3A_145, %convert_element_type3A_141 : vector<16xi32>
      %sub3A_147 = vector.broadcast %add3A_7 : i32 to vector<16xi32>
      %sub3A_148 = arith.subi %get3A_131, %sub3A_147 : vector<16xi32>
      tpu.vector_store_idx %arg8[%sub3A_146], %sub3A_148 masked %and3A_136 : memref<1056xi32, #tpu.memory_space<vmem>>[vector<16xi32>], vector<16xi32>, vector<16xi1>
      tpu.vector_store_idx %arg9[%sub3A_146], %add3A_140 masked %and3A_136 : memref<1056xi32, #tpu.memory_space<vmem>>[vector<16xi32>], vector<16xi32>, vector<16xi1>
      %slice3A = vector.extract_strided_slice %masked_cumsum3A {offsets = [15], sizes = [1], strides = [1]} : vector<16xi32> to vector<1xi32>
      %squeeze3A = vector.extract %slice3A[0] : i32 from vector<1xi32>
      %add3A_149 = arith.addi %scan3A_128, %squeeze3A : i32
      %min3A = arith.constant 1024 : i32
      %min3A_150 = arith.minsi %add3A_149, %min3A : i32
      scf.yield %min3A_150 : i32
    }
    %scan3A_23 = arith.constant 1024 : i32
    %add3A_24 = arith.constant 16 : i32
    %add3A_25 = arith.addi %scan3A_22, %add3A_24 : i32
    %sub3A_26 = arith.constant 1 : i32
    %sub3A_27 = arith.subi %add3A_25, %sub3A_26 : i32
    %jit3A_28 = arith.constant 16 : i32
    %div3A = arith.divsi %sub3A_27, %jit3A_28 : i32
    %sign3A = arith.constant 0 : i32
    %sign3A_29 = arith.cmpi sgt, %sub3A_27, %sign3A : i32
    %sign3A_30 = arith.extui %sign3A_29 : i1 to i32
    %sign3A_31 = arith.constant 0 : i32
    %sign3A_32 = arith.cmpi slt, %sub3A_27, %sign3A_31 : i32
    %sign3A_33 = arith.extui %sign3A_32 : i1 to i32
    %sign3A_34 = arith.subi %sign3A_30, %sign3A_33 : i32
    %sign3A_35 = arith.constant 0 : i32
    %sign3A_36 = arith.cmpi sgt, %jit3A_28, %sign3A_35 : i32
    %sign3A_37 = arith.extui %sign3A_36 : i1 to i32
    %sign3A_38 = arith.constant 0 : i32
    %sign3A_39 = arith.cmpi slt, %jit3A_28, %sign3A_38 : i32
    %sign3A_40 = arith.extui %sign3A_39 : i1 to i32
    %sign3A_41 = arith.subi %sign3A_37, %sign3A_40 : i32
    %ne3A = arith.cmpi ne, %sign3A_34, %sign3A_41 : i32
    %rem3A = arith.remsi %sub3A_27, %jit3A_28 : i32
    %ne3A_42 = arith.constant 0 : i32
    %ne3A_43 = arith.cmpi ne, %rem3A, %ne3A_42 : i32
    %and3A = arith.andi %ne3A, %ne3A_43 : i1
    %sub3A_44 = arith.constant 1 : i32
    %sub3A_45 = arith.subi %div3A, %sub3A_44 : i32
    %select_n3A_46 = arith.select %and3A, %sub3A_45, %div3A : i32
    %while3A = arith.constant 0 : i32
    %while3A_47 = arith.constant 0 : i32
    %while3A_48 = arith.subi %select_n3A_46, %while3A : i32
    %while3A_49 = arith.addi %while3A, %while3A_48 : i32
    %while3A_50 = arith.constant 1 : i32
    %while3A_51 = arith.divsi %while3A_48, %while3A_50 : i32
    %while3A_52 = arith.muli %while3A_51, %while3A_50 : i32
    %while3A_53 = arith.addi %while3A, %while3A_52 : i32
    %while3A_54 = arith.constant 1 : i32
    %while3A_55 = scf.for %while3A_127 = %while3A to %while3A_53 step %while3A_54 iter_args(%while3A_128 = %while3A_47) -> (i32)  : i32 {
      %mul3A_129 = arith.constant 16 : i32
      %mul3A_130 = arith.muli %while3A_127, %mul3A_129 : i32
      %add3A_131 = vector.broadcast %mul3A_130 : i32 to vector<16xi32>
      %add3A_132 = arith.addi %add3A_131, %iota3A : vector<16xi32>
      %lt3A = vector.broadcast %scan3A_22 : i32 to vector<16xi32>
      %lt3A_133 = arith.cmpi slt, %add3A_132, %lt3A : vector<16xi32>
      %mul3A_134 = arith.constant 16 : i32
      %mul3A_135 = arith.muli %while3A_127, %mul3A_134 : i32
      %get3A = arith.index_cast %mul3A_135 : i32 to index
      %get3A_136 = tpu.vector_load %arg8[%get3A] {strides = array<i32>} : memref<1056xi32, #tpu.memory_space<vmem>>, vector<16xi32>,
      %mul3A_137 = arith.constant 16 : i32
      %mul3A_138 = arith.muli %while3A_127, %mul3A_137 : i32
      %get3A_139 = arith.index_cast %mul3A_138 : i32 to index
      %get3A_140 = tpu.vector_load %arg9[%get3A_139] {strides = array<i32>} : memref<1056xi32, #tpu.memory_space<vmem>>, vector<16xi32>,
      %eq3A_141 = arith.constant 0 : i32
      %eq3A_142 = vector.broadcast %eq3A_141 : i32 to vector<16xi32>
      %eq3A_143 = arith.cmpi eq, %iota3A, %eq3A_142 : vector<16xi32>
      %and3A_144 = arith.andi %lt3A_133, %eq3A_143 : vector<16xi1>
      tpu.vector_store_idx %arg15[%get3A_136], %get3A_140 masked %and3A_144 : memref<31256xi32, #tpu.memory_space<vmem>>[vector<16xi32>], vector<16xi32>, vector<16xi1>
      %eq3A_145 = arith.constant 1 : i32
      %eq3A_146 = vector.broadcast %eq3A_145 : i32 to vector<16xi32>
      %eq3A_147 = arith.cmpi eq, %iota3A, %eq3A_146 : vector<16xi32>
      %and3A_148 = arith.andi %lt3A_133, %eq3A_147 : vector<16xi1>
      tpu.vector_store_idx %arg15[%get3A_136], %get3A_140 masked %and3A_148 : memref<31256xi32, #tpu.memory_space<vmem>>[vector<16xi32>], vector<16xi32>, vector<16xi1>
      %eq3A_149 = arith.constant 2 : i32
      %eq3A_150 = vector.broadcast %eq3A_149 : i32 to vector<16xi32>
      %eq3A_151 = arith.cmpi eq, %iota3A, %eq3A_150 : vector<16xi32>
      %and3A_152 = arith.andi %lt3A_133, %eq3A_151 : vector<16xi1>
      tpu.vector_store_idx %arg15[%get3A_136], %get3A_140 masked %and3A_152 : memref<31256xi32, #tpu.memory_space<vmem>>[vector<16xi32>], vector<16xi32>, vector<16xi1>
      %eq3A_153 = arith.constant 3 : i32
      %eq3A_154 = vector.broadcast %eq3A_153 : i32 to vector<16xi32>
      %eq3A_155 = arith.cmpi eq, %iota3A, %eq3A_154 : vector<16xi32>
      %and3A_156 = arith.andi %lt3A_133, %eq3A_155 : vector<16xi1>
      tpu.vector_store_idx %arg15[%get3A_136], %get3A_140 masked %and3A_156 : memref<31256xi32, #tpu.memory_space<vmem>>[vector<16xi32>], vector<16xi32>, vector<16xi1>
      %eq3A_157 = arith.constant 4 : i32
      %eq3A_158 = vector.broadcast %eq3A_157 : i32 to vector<16xi32>
      %eq3A_159 = arith.cmpi eq, %iota3A, %eq3A_158 : vector<16xi32>
      %and3A_160 = arith.andi %lt3A_133, %eq3A_159 : vector<16xi1>
      tpu.vector_store_idx %arg15[%get3A_136], %get3A_140 masked %and3A_160 : memref<31256xi32, #tpu.memory_space<vmem>>[vector<16xi32>], vector<16xi32>, vector<16xi1>
      %eq3A_161 = arith.constant 5 : i32
      %eq3A_162 = vector.broadcast %eq3A_161 : i32 to vector<16xi32>
      %eq3A_163 = arith.cmpi eq, %iota3A, %eq3A_162 : vector<16xi32>
      %and3A_164 = arith.andi %lt3A_133, %eq3A_163 : vector<16xi1>
      tpu.vector_store_idx %arg15[%get3A_136], %get3A_140 masked %and3A_164 : memref<31256xi32, #tpu.memory_space<vmem>>[vector<16xi32>], vector<16xi32>, vector<16xi1>
      %eq3A_165 = arith.constant 6 : i32
      %eq3A_166 = vector.broadcast %eq3A_165 : i32 to vector<16xi32>
      %eq3A_167 = arith.cmpi eq, %iota3A, %eq3A_166 : vector<16xi32>
      %and3A_168 = arith.andi %lt3A_133, %eq3A_167 : vector<16xi1>
      tpu.vector_store_idx %arg15[%get3A_136], %get3A_140 masked %and3A_168 : memref<31256xi32, #tpu.memory_space<vmem>>[vector<16xi32>], vector<16xi32>, vector<16xi1>
      %eq3A_169 = arith.constant 7 : i32
      %eq3A_170 = vector.broadcast %eq3A_169 : i32 to vector<16xi32>
      %eq3A_171 = arith.cmpi eq, %iota3A, %eq3A_170 : vector<16xi32>
      %and3A_172 = arith.andi %lt3A_133, %eq3A_171 : vector<16xi1>
      tpu.vector_store_idx %arg15[%get3A_136], %get3A_140 masked %and3A_172 : memref<31256xi32, #tpu.memory_space<vmem>>[vector<16xi32>], vector<16xi32>, vector<16xi1>
      %eq3A_173 = arith.constant 8 : i32
      %eq3A_174 = vector.broadcast %eq3A_173 : i32 to vector<16xi32>
      %eq3A_175 = arith.cmpi eq, %iota3A, %eq3A_174 : vector<16xi32>
      %and3A_176 = arith.andi %lt3A_133, %eq3A_175 : vector<16xi1>
      tpu.vector_store_idx %arg15[%get3A_136], %get3A_140 masked %and3A_176 : memref<31256xi32, #tpu.memory_space<vmem>>[vector<16xi32>], vector<16xi32>, vector<16xi1>
      %eq3A_177 = arith.constant 9 : i32
      %eq3A_178 = vector.broadcast %eq3A_177 : i32 to vector<16xi32>
      %eq3A_179 = arith.cmpi eq, %iota3A, %eq3A_178 : vector<16xi32>
      %and3A_180 = arith.andi %lt3A_133, %eq3A_179 : vector<16xi1>
      tpu.vector_store_idx %arg15[%get3A_136], %get3A_140 masked %and3A_180 : memref<31256xi32, #tpu.memory_space<vmem>>[vector<16xi32>], vector<16xi32>, vector<16xi1>
      %eq3A_181 = arith.constant 10 : i32
      %eq3A_182 = vector.broadcast %eq3A_181 : i32 to vector<16xi32>
      %eq3A_183 = arith.cmpi eq, %iota3A, %eq3A_182 : vector<16xi32>
      %and3A_184 = arith.andi %lt3A_133, %eq3A_183 : vector<16xi1>
      tpu.vector_store_idx %arg15[%get3A_136], %get3A_140 masked %and3A_184 : memref<31256xi32, #tpu.memory_space<vmem>>[vector<16xi32>], vector<16xi32>, vector<16xi1>
      %eq3A_185 = arith.constant 11 : i32
      %eq3A_186 = vector.broadcast %eq3A_185 : i32 to vector<16xi32>
      %eq3A_187 = arith.cmpi eq, %iota3A, %eq3A_186 : vector<16xi32>
      %and3A_188 = arith.andi %lt3A_133, %eq3A_187 : vector<16xi1>
      tpu.vector_store_idx %arg15[%get3A_136], %get3A_140 masked %and3A_188 : memref<31256xi32, #tpu.memory_space<vmem>>[vector<16xi32>], vector<16xi32>, vector<16xi1>
      %eq3A_189 = arith.constant 12 : i32
      %eq3A_190 = vector.broadcast %eq3A_189 : i32 to vector<16xi32>
      %eq3A_191 = arith.cmpi eq, %iota3A, %eq3A_190 : vector<16xi32>
      %and3A_192 = arith.andi %lt3A_133, %eq3A_191 : vector<16xi1>
      tpu.vector_store_idx %arg15[%get3A_136], %get3A_140 masked %and3A_192 : memref<31256xi32, #tpu.memory_space<vmem>>[vector<16xi32>], vector<16xi32>, vector<16xi1>
      %eq3A_193 = arith.constant 13 : i32
      %eq3A_194 = vector.broadcast %eq3A_193 : i32 to vector<16xi32>
      %eq3A_195 = arith.cmpi eq, %iota3A, %eq3A_194 : vector<16xi32>
      %and3A_196 = arith.andi %lt3A_133, %eq3A_195 : vector<16xi1>
      tpu.vector_store_idx %arg15[%get3A_136], %get3A_140 masked %and3A_196 : memref<31256xi32, #tpu.memory_space<vmem>>[vector<16xi32>], vector<16xi32>, vector<16xi1>
      %eq3A_197 = arith.constant 14 : i32
      %eq3A_198 = vector.broadcast %eq3A_197 : i32 to vector<16xi32>
      %eq3A_199 = arith.cmpi eq, %iota3A, %eq3A_198 : vector<16xi32>
      %and3A_200 = arith.andi %lt3A_133, %eq3A_199 : vector<16xi1>
      tpu.vector_store_idx %arg15[%get3A_136], %get3A_140 masked %and3A_200 : memref<31256xi32, #tpu.memory_space<vmem>>[vector<16xi32>], vector<16xi32>, vector<16xi1>
      %eq3A_201 = arith.constant 15 : i32
      %eq3A_202 = vector.broadcast %eq3A_201 : i32 to vector<16xi32>
      %eq3A_203 = arith.cmpi eq, %iota3A, %eq3A_202 : vector<16xi32>
      %and3A_204 = arith.andi %lt3A_133, %eq3A_203 : vector<16xi1>
      tpu.vector_store_idx %arg15[%get3A_136], %get3A_140 masked %and3A_204 : memref<31256xi32, #tpu.memory_space<vmem>>[vector<16xi32>], vector<16xi32>, vector<16xi1>
      %while3A_205 = arith.constant 0 : i32
      scf.yield %while3A_205 : i32
    }
    %while3A_56 = arith.constant 1 : i32
    %while3A_57 = scf.for %while3A_127 = %while3A_53 to %while3A_49 step %while3A_56 iter_args(%while3A_128 = %while3A_55) -> (i32)  : i32 {
      %mul3A_129 = arith.constant 16 : i32
      %mul3A_130 = arith.muli %while3A_127, %mul3A_129 : i32
      %add3A_131 = vector.broadcast %mul3A_130 : i32 to vector<16xi32>
      %add3A_132 = arith.addi %add3A_131, %iota3A : vector<16xi32>
      %lt3A = vector.broadcast %scan3A_22 : i32 to vector<16xi32>
      %lt3A_133 = arith.cmpi slt, %add3A_132, %lt3A : vector<16xi32>
      %mul3A_134 = arith.constant 16 : i32
      %mul3A_135 = arith.muli %while3A_127, %mul3A_134 : i32
      %get3A = arith.index_cast %mul3A_135 : i32 to index
      %get3A_136 = tpu.vector_load %arg8[%get3A] {strides = array<i32>} : memref<1056xi32, #tpu.memory_space<vmem>>, vector<16xi32>,
      %mul3A_137 = arith.constant 16 : i32
      %mul3A_138 = arith.muli %while3A_127, %mul3A_137 : i32
      %get3A_139 = arith.index_cast %mul3A_138 : i32 to index
      %get3A_140 = tpu.vector_load %arg9[%get3A_139] {strides = array<i32>} : memref<1056xi32, #tpu.memory_space<vmem>>, vector<16xi32>,
      %eq3A_141 = arith.constant 0 : i32
      %eq3A_142 = vector.broadcast %eq3A_141 : i32 to vector<16xi32>
      %eq3A_143 = arith.cmpi eq, %iota3A, %eq3A_142 : vector<16xi32>
      %and3A_144 = arith.andi %lt3A_133, %eq3A_143 : vector<16xi1>
      tpu.vector_store_idx %arg15[%get3A_136], %get3A_140 masked %and3A_144 : memref<31256xi32, #tpu.memory_space<vmem>>[vector<16xi32>], vector<16xi32>, vector<16xi1>
      %eq3A_145 = arith.constant 1 : i32
      %eq3A_146 = vector.broadcast %eq3A_145 : i32 to vector<16xi32>
      %eq3A_147 = arith.cmpi eq, %iota3A, %eq3A_146 : vector<16xi32>
      %and3A_148 = arith.andi %lt3A_133, %eq3A_147 : vector<16xi1>
      tpu.vector_store_idx %arg15[%get3A_136], %get3A_140 masked %and3A_148 : memref<31256xi32, #tpu.memory_space<vmem>>[vector<16xi32>], vector<16xi32>, vector<16xi1>
      %eq3A_149 = arith.constant 2 : i32
      %eq3A_150 = vector.broadcast %eq3A_149 : i32 to vector<16xi32>
      %eq3A_151 = arith.cmpi eq, %iota3A, %eq3A_150 : vector<16xi32>
      %and3A_152 = arith.andi %lt3A_133, %eq3A_151 : vector<16xi1>
      tpu.vector_store_idx %arg15[%get3A_136], %get3A_140 masked %and3A_152 : memref<31256xi32, #tpu.memory_space<vmem>>[vector<16xi32>], vector<16xi32>, vector<16xi1>
      %eq3A_153 = arith.constant 3 : i32
      %eq3A_154 = vector.broadcast %eq3A_153 : i32 to vector<16xi32>
      %eq3A_155 = arith.cmpi eq, %iota3A, %eq3A_154 : vector<16xi32>
      %and3A_156 = arith.andi %lt3A_133, %eq3A_155 : vector<16xi1>
      tpu.vector_store_idx %arg15[%get3A_136], %get3A_140 masked %and3A_156 : memref<31256xi32, #tpu.memory_space<vmem>>[vector<16xi32>], vector<16xi32>, vector<16xi1>
      %eq3A_157 = arith.constant 4 : i32
      %eq3A_158 = vector.broadcast %eq3A_157 : i32 to vector<16xi32>
      %eq3A_159 = arith.cmpi eq, %iota3A, %eq3A_158 : vector<16xi32>
      %and3A_160 = arith.andi %lt3A_133, %eq3A_159 : vector<16xi1>
      tpu.vector_store_idx %arg15[%get3A_136], %get3A_140 masked %and3A_160 : memref<31256xi32, #tpu.memory_space<vmem>>[vector<16xi32>], vector<16xi32>, vector<16xi1>
      %eq3A_161 = arith.constant 5 : i32
      %eq3A_162 = vector.broadcast %eq3A_161 : i32 to vector<16xi32>
      %eq3A_163 = arith.cmpi eq, %iota3A, %eq3A_162 : vector<16xi32>
      %and3A_164 = arith.andi %lt3A_133, %eq3A_163 : vector<16xi1>
      tpu.vector_store_idx %arg15[%get3A_136], %get3A_140 masked %and3A_164 : memref<31256xi32, #tpu.memory_space<vmem>>[vector<16xi32>], vector<16xi32>, vector<16xi1>
      %eq3A_165 = arith.constant 6 : i32
      %eq3A_166 = vector.broadcast %eq3A_165 : i32 to vector<16xi32>
      %eq3A_167 = arith.cmpi eq, %iota3A, %eq3A_166 : vector<16xi32>
      %and3A_168 = arith.andi %lt3A_133, %eq3A_167 : vector<16xi1>
      tpu.vector_store_idx %arg15[%get3A_136], %get3A_140 masked %and3A_168 : memref<31256xi32, #tpu.memory_space<vmem>>[vector<16xi32>], vector<16xi32>, vector<16xi1>
      %eq3A_169 = arith.constant 7 : i32
      %eq3A_170 = vector.broadcast %eq3A_169 : i32 to vector<16xi32>
      %eq3A_171 = arith.cmpi eq, %iota3A, %eq3A_170 : vector<16xi32>
      %and3A_172 = arith.andi %lt3A_133, %eq3A_171 : vector<16xi1>
      tpu.vector_store_idx %arg15[%get3A_136], %get3A_140 masked %and3A_172 : memref<31256xi32, #tpu.memory_space<vmem>>[vector<16xi32>], vector<16xi32>, vector<16xi1>
      %eq3A_173 = arith.constant 8 : i32
      %eq3A_174 = vector.broadcast %eq3A_173 : i32 to vector<16xi32>
      %eq3A_175 = arith.cmpi eq, %iota3A, %eq3A_174 : vector<16xi32>
      %and3A_176 = arith.andi %lt3A_133, %eq3A_175 : vector<16xi1>
      tpu.vector_store_idx %arg15[%get3A_136], %get3A_140 masked %and3A_176 : memref<31256xi32, #tpu.memory_space<vmem>>[vector<16xi32>], vector<16xi32>, vector<16xi1>
      %eq3A_177 = arith.constant 9 : i32
      %eq3A_178 = vector.broadcast %eq3A_177 : i32 to vector<16xi32>
      %eq3A_179 = arith.cmpi eq, %iota3A, %eq3A_178 : vector<16xi32>
      %and3A_180 = arith.andi %lt3A_133, %eq3A_179 : vector<16xi1>
      tpu.vector_store_idx %arg15[%get3A_136], %get3A_140 masked %and3A_180 : memref<31256xi32, #tpu.memory_space<vmem>>[vector<16xi32>], vector<16xi32>, vector<16xi1>
      %eq3A_181 = arith.constant 10 : i32
      %eq3A_182 = vector.broadcast %eq3A_181 : i32 to vector<16xi32>
      %eq3A_183 = arith.cmpi eq, %iota3A, %eq3A_182 : vector<16xi32>
      %and3A_184 = arith.andi %lt3A_133, %eq3A_183 : vector<16xi1>
      tpu.vector_store_idx %arg15[%get3A_136], %get3A_140 masked %and3A_184 : memref<31256xi32, #tpu.memory_space<vmem>>[vector<16xi32>], vector<16xi32>, vector<16xi1>
      %eq3A_185 = arith.constant 11 : i32
      %eq3A_186 = vector.broadcast %eq3A_185 : i32 to vector<16xi32>
      %eq3A_187 = arith.cmpi eq, %iota3A, %eq3A_186 : vector<16xi32>
      %and3A_188 = arith.andi %lt3A_133, %eq3A_187 : vector<16xi1>
      tpu.vector_store_idx %arg15[%get3A_136], %get3A_140 masked %and3A_188 : memref<31256xi32, #tpu.memory_space<vmem>>[vector<16xi32>], vector<16xi32>, vector<16xi1>
      %eq3A_189 = arith.constant 12 : i32
      %eq3A_190 = vector.broadcast %eq3A_189 : i32 to vector<16xi32>
      %eq3A_191 = arith.cmpi eq, %iota3A, %eq3A_190 : vector<16xi32>
      %and3A_192 = arith.andi %lt3A_133, %eq3A_191 : vector<16xi1>
      tpu.vector_store_idx %arg15[%get3A_136], %get3A_140 masked %and3A_192 : memref<31256xi32, #tpu.memory_space<vmem>>[vector<16xi32>], vector<16xi32>, vector<16xi1>
      %eq3A_193 = arith.constant 13 : i32
      %eq3A_194 = vector.broadcast %eq3A_193 : i32 to vector<16xi32>
      %eq3A_195 = arith.cmpi eq, %iota3A, %eq3A_194 : vector<16xi32>
      %and3A_196 = arith.andi %lt3A_133, %eq3A_195 : vector<16xi1>
      tpu.vector_store_idx %arg15[%get3A_136], %get3A_140 masked %and3A_196 : memref<31256xi32, #tpu.memory_space<vmem>>[vector<16xi32>], vector<16xi32>, vector<16xi1>
      %eq3A_197 = arith.constant 14 : i32
      %eq3A_198 = vector.broadcast %eq3A_197 : i32 to vector<16xi32>
      %eq3A_199 = arith.cmpi eq, %iota3A, %eq3A_198 : vector<16xi32>
      %and3A_200 = arith.andi %lt3A_133, %eq3A_199 : vector<16xi1>
      tpu.vector_store_idx %arg15[%get3A_136], %get3A_140 masked %and3A_200 : memref<31256xi32, #tpu.memory_space<vmem>>[vector<16xi32>], vector<16xi32>, vector<16xi1>
      %eq3A_201 = arith.constant 15 : i32
      %eq3A_202 = vector.broadcast %eq3A_201 : i32 to vector<16xi32>
      %eq3A_203 = arith.cmpi eq, %iota3A, %eq3A_202 : vector<16xi32>
      %and3A_204 = arith.andi %lt3A_133, %eq3A_203 : vector<16xi1>
      tpu.vector_store_idx %arg15[%get3A_136], %get3A_140 masked %and3A_204 : memref<31256xi32, #tpu.memory_space<vmem>>[vector<16xi32>], vector<16xi32>, vector<16xi1>
      %while3A_205 = arith.constant 0 : i32
      scf.yield %while3A_205 : i32
    }
    %add3A_58 = arith.constant 16 : i32
    %add3A_59 = arith.addi %scan3A_22, %add3A_58 : i32
    %sub3A_60 = arith.constant 1 : i32
    %sub3A_61 = arith.subi %add3A_59, %sub3A_60 : i32
    %jit3A_62 = arith.constant 16 : i32
    %div3A_63 = arith.divsi %sub3A_61, %jit3A_62 : i32
    %sign3A_64 = arith.constant 0 : i32
    %sign3A_65 = arith.cmpi sgt, %sub3A_61, %sign3A_64 : i32
    %sign3A_66 = arith.extui %sign3A_65 : i1 to i32
    %sign3A_67 = arith.constant 0 : i32
    %sign3A_68 = arith.cmpi slt, %sub3A_61, %sign3A_67 : i32
    %sign3A_69 = arith.extui %sign3A_68 : i1 to i32
    %sign3A_70 = arith.subi %sign3A_66, %sign3A_69 : i32
    %sign3A_71 = arith.constant 0 : i32
    %sign3A_72 = arith.cmpi sgt, %jit3A_62, %sign3A_71 : i32
    %sign3A_73 = arith.extui %sign3A_72 : i1 to i32
    %sign3A_74 = arith.constant 0 : i32
    %sign3A_75 = arith.cmpi slt, %jit3A_62, %sign3A_74 : i32
    %sign3A_76 = arith.extui %sign3A_75 : i1 to i32
    %sign3A_77 = arith.subi %sign3A_73, %sign3A_76 : i32
    %ne3A_78 = arith.cmpi ne, %sign3A_70, %sign3A_77 : i32
    %rem3A_79 = arith.remsi %sub3A_61, %jit3A_62 : i32
    %ne3A_80 = arith.constant 0 : i32
    %ne3A_81 = arith.cmpi ne, %rem3A_79, %ne3A_80 : i32
    %and3A_82 = arith.andi %ne3A_78, %ne3A_81 : i1
    %sub3A_83 = arith.constant 1 : i32
    %sub3A_84 = arith.subi %div3A_63, %sub3A_83 : i32
    %select_n3A_85 = arith.select %and3A_82, %sub3A_84, %div3A_63 : i32
    %while3A_86 = arith.constant 0 : i32
    %while3A_87 = arith.constant 0 : i32
    %while3A_88 = arith.subi %select_n3A_85, %while3A_86 : i32
    %while3A_89 = arith.addi %while3A_86, %while3A_88 : i32
    %while3A_90 = arith.constant 1 : i32
    %while3A_91 = arith.divsi %while3A_88, %while3A_90 : i32
    %while3A_92 = arith.muli %while3A_91, %while3A_90 : i32
    %while3A_93 = arith.addi %while3A_86, %while3A_92 : i32
    %while3A_94 = arith.constant 1 : i32
    %while3A_95 = scf.for %while3A_127 = %while3A_86 to %while3A_93 step %while3A_94 iter_args(%while3A_128 = %while3A_87) -> (i32)  : i32 {
      %mul3A_129 = arith.constant 16 : i32
      %mul3A_130 = arith.muli %while3A_127, %mul3A_129 : i32
      %add3A_131 = vector.broadcast %mul3A_130 : i32 to vector<16xi32>
      %add3A_132 = arith.addi %add3A_131, %iota3A : vector<16xi32>
      %lt3A = vector.broadcast %scan3A_22 : i32 to vector<16xi32>
      %lt3A_133 = arith.cmpi slt, %add3A_132, %lt3A : vector<16xi32>
      %mul3A_134 = arith.constant 16 : i32
      %mul3A_135 = arith.muli %while3A_127, %mul3A_134 : i32
      %get3A = arith.index_cast %mul3A_135 : i32 to index
      %get3A_136 = tpu.vector_load %arg8[%get3A] {strides = array<i32>} : memref<1056xi32, #tpu.memory_space<vmem>>, vector<16xi32>,
      %mul3A_137 = arith.constant 16 : i32
      %mul3A_138 = arith.muli %while3A_127, %mul3A_137 : i32
      %get3A_139 = arith.index_cast %mul3A_138 : i32 to index
      %get3A_140 = tpu.vector_load %arg9[%get3A_139] {strides = array<i32>} : memref<1056xi32, #tpu.memory_space<vmem>>, vector<16xi32>,
      %gather3A = tpu.vector_load_idx %arg15[%get3A_136] masked %lt3A_133 : memref<31256xi32, #tpu.memory_space<vmem>>[vector<16xi32>], vector<16xi32>, vector<16xi1>
      %eq3A_141 = arith.cmpi eq, %gather3A, %get3A_140 : vector<16xi32>
      %and3A_142 = arith.andi %lt3A_133, %eq3A_141 : vector<16xi1>
      %convert_element_type3A_143 = arith.extui %and3A_142 : vector<16xi1> to vector<16xi32>
      %broadcast_in_dim3A_144 = arith.constant true
      %broadcast_in_dim3A_145 = vector.broadcast %broadcast_in_dim3A_144 : i1 to vector<16xi1>
      %masked_cumsum3A = tpu.scan <sum>, %convert_element_type3A_143 masked %broadcast_in_dim3A_145 : vector<16xi32>, vector<16xi1> -> vector<16xi32>
      %add3A_146 = vector.broadcast %while3A_128 : i32 to vector<16xi32>
      %add3A_147 = arith.addi %add3A_146, %masked_cumsum3A : vector<16xi32>
      %sub3A_148 = arith.subi %add3A_147, %convert_element_type3A_143 : vector<16xi32>
      tpu.vector_store_idx %arg10[%sub3A_148], %get3A_136 masked %and3A_142 : memref<1056xi32, #tpu.memory_space<vmem>>[vector<16xi32>], vector<16xi32>, vector<16xi1>
      tpu.vector_store_idx %arg11[%sub3A_148], %get3A_140 masked %and3A_142 : memref<1056xi32, #tpu.memory_space<vmem>>[vector<16xi32>], vector<16xi32>, vector<16xi1>
      %slice3A = vector.extract_strided_slice %masked_cumsum3A {offsets = [15], sizes = [1], strides = [1]} : vector<16xi32> to vector<1xi32>
      %squeeze3A = vector.extract %slice3A[0] : i32 from vector<1xi32>
      %add3A_149 = arith.addi %while3A_128, %squeeze3A : i32
      %min3A = arith.constant 512 : i32
      %min3A_150 = arith.minsi %add3A_149, %min3A : i32
      scf.yield %min3A_150 : i32
    }
    %while3A_96 = arith.constant 1 : i32
    %while3A_97 = scf.for %while3A_127 = %while3A_93 to %while3A_89 step %while3A_96 iter_args(%while3A_128 = %while3A_95) -> (i32)  : i32 {
      %mul3A_129 = arith.constant 16 : i32
      %mul3A_130 = arith.muli %while3A_127, %mul3A_129 : i32
      %add3A_131 = vector.broadcast %mul3A_130 : i32 to vector<16xi32>
      %add3A_132 = arith.addi %add3A_131, %iota3A : vector<16xi32>
      %lt3A = vector.broadcast %scan3A_22 : i32 to vector<16xi32>
      %lt3A_133 = arith.cmpi slt, %add3A_132, %lt3A : vector<16xi32>
      %mul3A_134 = arith.constant 16 : i32
      %mul3A_135 = arith.muli %while3A_127, %mul3A_134 : i32
      %get3A = arith.index_cast %mul3A_135 : i32 to index
      %get3A_136 = tpu.vector_load %arg8[%get3A] {strides = array<i32>} : memref<1056xi32, #tpu.memory_space<vmem>>, vector<16xi32>,
      %mul3A_137 = arith.constant 16 : i32
      %mul3A_138 = arith.muli %while3A_127, %mul3A_137 : i32
      %get3A_139 = arith.index_cast %mul3A_138 : i32 to index
      %get3A_140 = tpu.vector_load %arg9[%get3A_139] {strides = array<i32>} : memref<1056xi32, #tpu.memory_space<vmem>>, vector<16xi32>,
      %gather3A = tpu.vector_load_idx %arg15[%get3A_136] masked %lt3A_133 : memref<31256xi32, #tpu.memory_space<vmem>>[vector<16xi32>], vector<16xi32>, vector<16xi1>
      %eq3A_141 = arith.cmpi eq, %gather3A, %get3A_140 : vector<16xi32>
      %and3A_142 = arith.andi %lt3A_133, %eq3A_141 : vector<16xi1>
      %convert_element_type3A_143 = arith.extui %and3A_142 : vector<16xi1> to vector<16xi32>
      %broadcast_in_dim3A_144 = arith.constant true
      %broadcast_in_dim3A_145 = vector.broadcast %broadcast_in_dim3A_144 : i1 to vector<16xi1>
      %masked_cumsum3A = tpu.scan <sum>, %convert_element_type3A_143 masked %broadcast_in_dim3A_145 : vector<16xi32>, vector<16xi1> -> vector<16xi32>
      %add3A_146 = vector.broadcast %while3A_128 : i32 to vector<16xi32>
      %add3A_147 = arith.addi %add3A_146, %masked_cumsum3A : vector<16xi32>
      %sub3A_148 = arith.subi %add3A_147, %convert_element_type3A_143 : vector<16xi32>
      tpu.vector_store_idx %arg10[%sub3A_148], %get3A_136 masked %and3A_142 : memref<1056xi32, #tpu.memory_space<vmem>>[vector<16xi32>], vector<16xi32>, vector<16xi1>
      tpu.vector_store_idx %arg11[%sub3A_148], %get3A_140 masked %and3A_142 : memref<1056xi32, #tpu.memory_space<vmem>>[vector<16xi32>], vector<16xi32>, vector<16xi1>
      %slice3A = vector.extract_strided_slice %masked_cumsum3A {offsets = [15], sizes = [1], strides = [1]} : vector<16xi32> to vector<1xi32>
      %squeeze3A = vector.extract %slice3A[0] : i32 from vector<1xi32>
      %add3A_149 = arith.addi %while3A_128, %squeeze3A : i32
      %min3A = arith.constant 512 : i32
      %min3A_150 = arith.minsi %add3A_149, %min3A : i32
      scf.yield %min3A_150 : i32
    }
    %gt3A = arith.constant 0 : i32
    %gt3A_98 = arith.cmpi sgt, %while3A_97, %gt3A : i32
    %convert_element_type3A = arith.extui %gt3A_98 : i1 to i32
    %cond3A = arith.constant 0 : i32
    %cond3A_99 = arith.cmpi ne, %convert_element_type3A, %cond3A : i32
    scf.if %cond3A_99 {
      %add3A_127 = arith.constant 16 : i32
      %add3A_128 = arith.addi %while3A_97, %add3A_127 : i32
      %sub3A_129 = arith.constant 1 : i32
      %sub3A_130 = arith.subi %add3A_128, %sub3A_129 : i32
      %jit3A_131 = arith.constant 16 : i32
      %div3A_132 = arith.divsi %sub3A_130, %jit3A_131 : i32
      %sign3A_133 = arith.constant 0 : i32
      %sign3A_134 = arith.cmpi sgt, %sub3A_130, %sign3A_133 : i32
      %sign3A_135 = arith.extui %sign3A_134 : i1 to i32
      %sign3A_136 = arith.constant 0 : i32
      %sign3A_137 = arith.cmpi slt, %sub3A_130, %sign3A_136 : i32
      %sign3A_138 = arith.extui %sign3A_137 : i1 to i32
      %sign3A_139 = arith.subi %sign3A_135, %sign3A_138 : i32
      %sign3A_140 = arith.constant 0 : i32
      %sign3A_141 = arith.cmpi sgt, %jit3A_131, %sign3A_140 : i32
      %sign3A_142 = arith.extui %sign3A_141 : i1 to i32
      %sign3A_143 = arith.constant 0 : i32
      %sign3A_144 = arith.cmpi slt, %jit3A_131, %sign3A_143 : i32
      %sign3A_145 = arith.extui %sign3A_144 : i1 to i32
      %sign3A_146 = arith.subi %sign3A_142, %sign3A_145 : i32
      %ne3A_147 = arith.cmpi ne, %sign3A_139, %sign3A_146 : i32
      %rem3A_148 = arith.remsi %sub3A_130, %jit3A_131 : i32
      %ne3A_149 = arith.constant 0 : i32
      %ne3A_150 = arith.cmpi ne, %rem3A_148, %ne3A_149 : i32
      %and3A_151 = arith.andi %ne3A_147, %ne3A_150 : i1
      %sub3A_152 = arith.constant 1 : i32
      %sub3A_153 = arith.subi %div3A_132, %sub3A_152 : i32
      %select_n3A_154 = arith.select %and3A_151, %sub3A_153, %div3A_132 : i32
      %while3A_155 = arith.constant 0 : i32
      %while3A_156 = arith.constant 0 : i32
      %while3A_157 = arith.subi %select_n3A_154, %while3A_155 : i32
      %while3A_158 = arith.addi %while3A_155, %while3A_157 : i32
      %while3A_159 = arith.constant 1 : i32
      %while3A_160 = arith.divsi %while3A_157, %while3A_159 : i32
      %while3A_161 = arith.muli %while3A_160, %while3A_159 : i32
      %while3A_162 = arith.addi %while3A_155, %while3A_161 : i32
      %while3A_163 = arith.constant 1 : i32
      %while3A_164 = scf.for %while3A_207 = %while3A_155 to %while3A_162 step %while3A_163 iter_args(%while3A_208 = %while3A_156) -> (i32)  : i32 {
        %mul3A_209 = arith.constant 16 : i32
        %mul3A_210 = arith.muli %while3A_207, %mul3A_209 : i32
        %get3A = arith.index_cast %mul3A_210 : i32 to index
        %get3A_211 = tpu.vector_load %arg10[%get3A] {strides = array<i32>} : memref<1056xi32, #tpu.memory_space<vmem>>, vector<16xi32>,
        %mul3A_212 = arith.constant 16 : i32
        %mul3A_213 = arith.muli %while3A_207, %mul3A_212 : i32
        %get3A_214 = arith.index_cast %mul3A_213 : i32 to index
        %get3A_215 = tpu.vector_load %arg11[%get3A_214] {strides = array<i32>} : memref<1056xi32, #tpu.memory_space<vmem>>, vector<16xi32>,
        %mul3A_216 = arith.constant 16384 : i32
        %mul3A_217 = vector.broadcast %mul3A_216 : i32 to vector<16xi32>
        %mul3A_218 = arith.muli %get3A_211, %mul3A_217 : vector<16xi32>
        %or3A = arith.ori %mul3A_218, %get3A_215 : vector<16xi32>
        %mul3A_219 = arith.constant 16 : i32
        %mul3A_220 = arith.muli %while3A_207, %mul3A_219 : i32
        %swap3A_221 = arith.index_cast %mul3A_220 : i32 to index
        %swap3A_222 = tpu.vector_load %arg12[%swap3A_221] {strides = array<i32>} : memref<1056xi32, #tpu.memory_space<vmem>>, vector<16xi32>,
        tpu.vector_store %arg12[%swap3A_221], %or3A {strides = array<i32>} : memref<1056xi32, #tpu.memory_space<vmem>>, vector<16xi32>,
        %while3A_223 = arith.constant 0 : i32
        scf.yield %while3A_223 : i32
      }
      %while3A_165 = arith.constant 1 : i32
      %while3A_166 = scf.for %while3A_207 = %while3A_162 to %while3A_158 step %while3A_165 iter_args(%while3A_208 = %while3A_164) -> (i32)  : i32 {
        %mul3A_209 = arith.constant 16 : i32
        %mul3A_210 = arith.muli %while3A_207, %mul3A_209 : i32
        %get3A = arith.index_cast %mul3A_210 : i32 to index
        %get3A_211 = tpu.vector_load %arg10[%get3A] {strides = array<i32>} : memref<1056xi32, #tpu.memory_space<vmem>>, vector<16xi32>,
        %mul3A_212 = arith.constant 16 : i32
        %mul3A_213 = arith.muli %while3A_207, %mul3A_212 : i32
        %get3A_214 = arith.index_cast %mul3A_213 : i32 to index
        %get3A_215 = tpu.vector_load %arg11[%get3A_214] {strides = array<i32>} : memref<1056xi32, #tpu.memory_space<vmem>>, vector<16xi32>,
        %mul3A_216 = arith.constant 16384 : i32
        %mul3A_217 = vector.broadcast %mul3A_216 : i32 to vector<16xi32>
        %mul3A_218 = arith.muli %get3A_211, %mul3A_217 : vector<16xi32>
        %or3A = arith.ori %mul3A_218, %get3A_215 : vector<16xi32>
        %mul3A_219 = arith.constant 16 : i32
        %mul3A_220 = arith.muli %while3A_207, %mul3A_219 : i32
        %swap3A_221 = arith.index_cast %mul3A_220 : i32 to index
        %swap3A_222 = tpu.vector_load %arg12[%swap3A_221] {strides = array<i32>} : memref<1056xi32, #tpu.memory_space<vmem>>, vector<16xi32>,
        tpu.vector_store %arg12[%swap3A_221], %or3A {strides = array<i32>} : memref<1056xi32, #tpu.memory_space<vmem>>, vector<16xi32>,
        %while3A_223 = arith.constant 0 : i32
        scf.yield %while3A_223 : i32
      }
      "tpu.region"() ({
        %run_scoped3A = tpu.sem_alloc : memref<!tpu.dma_semaphore, #tpu.memory_space<semaphore_mem>>
        tpu.enqueue_dma source(%arg3 : memref<16384xi32, #tpu.memory_space<hbm>>) target(%arg14 : memref<16384xi32, #tpu.memory_space<vmem>>) target_semaphore(%run_scoped3A : memref<!tpu.dma_semaphore, #tpu.memory_space<semaphore_mem>>)
        tpu.wait_dma2 semaphore(%run_scoped3A : memref<!tpu.dma_semaphore, #tpu.memory_space<semaphore_mem>>) src(%arg3 : memref<16384xi32, #tpu.memory_space<hbm>>) dst(%arg14 : memref<16384xi32, #tpu.memory_space<vmem>>)
        tpu.yield
      }) : () -> ()
      %add3A_167 = arith.constant 16 : i32
      %add3A_168 = arith.addi %while3A_97, %add3A_167 : i32
      %sub3A_169 = arith.constant 1 : i32
      %sub3A_170 = arith.subi %add3A_168, %sub3A_169 : i32
      %jit3A_171 = arith.constant 16 : i32
      %div3A_172 = arith.divsi %sub3A_170, %jit3A_171 : i32
      %sign3A_173 = arith.constant 0 : i32
      %sign3A_174 = arith.cmpi sgt, %sub3A_170, %sign3A_173 : i32
      %sign3A_175 = arith.extui %sign3A_174 : i1 to i32
      %sign3A_176 = arith.constant 0 : i32
      %sign3A_177 = arith.cmpi slt, %sub3A_170, %sign3A_176 : i32
      %sign3A_178 = arith.extui %sign3A_177 : i1 to i32
      %sign3A_179 = arith.subi %sign3A_175, %sign3A_178 : i32
      %sign3A_180 = arith.constant 0 : i32
      %sign3A_181 = arith.cmpi sgt, %jit3A_171, %sign3A_180 : i32
      %sign3A_182 = arith.extui %sign3A_181 : i1 to i32
      %sign3A_183 = arith.constant 0 : i32
      %sign3A_184 = arith.cmpi slt, %jit3A_171, %sign3A_183 : i32
      %sign3A_185 = arith.extui %sign3A_184 : i1 to i32
      %sign3A_186 = arith.subi %sign3A_182, %sign3A_185 : i32
      %ne3A_187 = arith.cmpi ne, %sign3A_179, %sign3A_186 : i32
      %rem3A_188 = arith.remsi %sub3A_170, %jit3A_171 : i32
      %ne3A_189 = arith.constant 0 : i32
      %ne3A_190 = arith.cmpi ne, %rem3A_188, %ne3A_189 : i32
      %and3A_191 = arith.andi %ne3A_187, %ne3A_190 : i1
      %sub3A_192 = arith.constant 1 : i32
      %sub3A_193 = arith.subi %div3A_172, %sub3A_192 : i32
      %select_n3A_194 = arith.select %and3A_191, %sub3A_193, %div3A_172 : i32
      %while3A_195 = arith.constant 0 : i32
      %while3A_196 = arith.constant 0 : i32
      %while3A_197 = arith.subi %select_n3A_194, %while3A_195 : i32
      %while3A_198 = arith.addi %while3A_195, %while3A_197 : i32
      %while3A_199 = arith.constant 1 : i32
      %while3A_200 = arith.divsi %while3A_197, %while3A_199 : i32
      %while3A_201 = arith.muli %while3A_200, %while3A_199 : i32
      %while3A_202 = arith.addi %while3A_195, %while3A_201 : i32
      %while3A_203 = arith.constant 1 : i32
      %while3A_204 = scf.for %while3A_207 = %while3A_195 to %while3A_202 step %while3A_203 iter_args(%while3A_208 = %while3A_196) -> (i32)  : i32 {
        %mul3A_209 = arith.constant 16 : i32
        %mul3A_210 = arith.muli %while3A_207, %mul3A_209 : i32
        %add3A_211 = vector.broadcast %mul3A_210 : i32 to vector<16xi32>
        %add3A_212 = arith.addi %add3A_211, %iota3A : vector<16xi32>
        %lt3A = vector.broadcast %while3A_97 : i32 to vector<16xi32>
        %lt3A_213 = arith.cmpi slt, %add3A_212, %lt3A : vector<16xi32>
        %mul3A_214 = arith.constant 16 : i32
        %mul3A_215 = arith.muli %while3A_207, %mul3A_214 : i32
        %get3A = arith.index_cast %mul3A_215 : i32 to index
        %get3A_216 = tpu.vector_load %arg11[%get3A] {strides = array<i32>} : memref<1056xi32, #tpu.memory_space<vmem>>, vector<16xi32>,
        %gather3A = tpu.vector_load_idx %arg14[%get3A_216] masked %lt3A_213 : memref<16384xi32, #tpu.memory_space<vmem>>[vector<16xi32>], vector<16xi32>, vector<16xi1>
        %mul3A_217 = arith.constant 16 : i32
        %mul3A_218 = arith.muli %while3A_207, %mul3A_217 : i32
        %swap3A_219 = arith.index_cast %mul3A_218 : i32 to index
        %swap3A_220 = tpu.vector_load %arg13[%swap3A_219] {strides = array<i32>} : memref<1056xi32, #tpu.memory_space<vmem>>, vector<16xi32>,
        tpu.vector_store %arg13[%swap3A_219], %gather3A {strides = array<i32>} : memref<1056xi32, #tpu.memory_space<vmem>>, vector<16xi32>,
        %while3A_221 = arith.constant 0 : i32
        scf.yield %while3A_221 : i32
      }
      %while3A_205 = arith.constant 1 : i32
      %while3A_206 = scf.for %while3A_207 = %while3A_202 to %while3A_198 step %while3A_205 iter_args(%while3A_208 = %while3A_204) -> (i32)  : i32 {
        %mul3A_209 = arith.constant 16 : i32
        %mul3A_210 = arith.muli %while3A_207, %mul3A_209 : i32
        %add3A_211 = vector.broadcast %mul3A_210 : i32 to vector<16xi32>
        %add3A_212 = arith.addi %add3A_211, %iota3A : vector<16xi32>
        %lt3A = vector.broadcast %while3A_97 : i32 to vector<16xi32>
        %lt3A_213 = arith.cmpi slt, %add3A_212, %lt3A : vector<16xi32>
        %mul3A_214 = arith.constant 16 : i32
        %mul3A_215 = arith.muli %while3A_207, %mul3A_214 : i32
        %get3A = arith.index_cast %mul3A_215 : i32 to index
        %get3A_216 = tpu.vector_load %arg11[%get3A] {strides = array<i32>} : memref<1056xi32, #tpu.memory_space<vmem>>, vector<16xi32>,
        %gather3A = tpu.vector_load_idx %arg14[%get3A_216] masked %lt3A_213 : memref<16384xi32, #tpu.memory_space<vmem>>[vector<16xi32>], vector<16xi32>, vector<16xi1>
        %mul3A_217 = arith.constant 16 : i32
        %mul3A_218 = arith.muli %while3A_207, %mul3A_217 : i32
        %swap3A_219 = arith.index_cast %mul3A_218 : i32 to index
        %swap3A_220 = tpu.vector_load %arg13[%swap3A_219] {strides = array<i32>} : memref<1056xi32, #tpu.memory_space<vmem>>, vector<16xi32>,
        tpu.vector_store %arg13[%swap3A_219], %gather3A {strides = array<i32>} : memref<1056xi32, #tpu.memory_space<vmem>>, vector<16xi32>,
        %while3A_221 = arith.constant 0 : i32
        scf.yield %while3A_221 : i32
      }
    } else {
    }
    "tpu.region"() ({
      %run_scoped3A = tpu.sem_alloc : memref<!tpu.dma_semaphore, #tpu.memory_space<semaphore_mem>>
      %dma_start3A = arith.constant 0 : i32
      %dma_start3A_127 = tpu.memref_slice %arg12[%dma_start3A] : memref<1056xi32, #tpu.memory_space<vmem>> -> memref<512xi32, #tpu.memory_space<vmem>>
      %dma_start3A_128 = arith.constant 0 : i32
      %dma_start3A_129 = tpu.memref_slice %arg6[%add3A, %dma_start3A_128] : memref<32x512xi32, #tpu.memory_space<hbm>> -> memref<1x512xi32, #tpu.memory_space<hbm>>
      %dma_start3A_130 = tpu.memref_squeeze %dma_start3A_129 : memref<1x512xi32, #tpu.memory_space<hbm>> -> memref<512xi32, #tpu.memory_space<hbm>>
      %dma_start3A_131 = arith.constant 0 : i32
      %dma_start3A_132 = tpu.memref_slice %arg6[%add3A, %dma_start3A_131] : memref<32x512xi32, #tpu.memory_space<hbm>> -> memref<1x512xi32, #tpu.memory_space<hbm>>
      %dma_start3A_133 = tpu.memref_squeeze %dma_start3A_132 : memref<1x512xi32, #tpu.memory_space<hbm>> -> memref<512xi32, #tpu.memory_space<hbm>>
      %dma_start3A_134 = arith.constant 0 : i32
      %dma_start3A_135 = tpu.memref_slice %arg12[%dma_start3A_134] : memref<1056xi32, #tpu.memory_space<vmem>> -> memref<512xi32, #tpu.memory_space<vmem>>
      tpu.enqueue_dma source(%dma_start3A_135 : memref<512xi32, #tpu.memory_space<vmem>>) target(%dma_start3A_133 : memref<512xi32, #tpu.memory_space<hbm>>) target_semaphore(%run_scoped3A : memref<!tpu.dma_semaphore, #tpu.memory_space<semaphore_mem>>)
      %dma_wait3A = arith.constant 0 : i32
      %dma_wait3A_136 = tpu.memref_slice %arg12[%dma_wait3A] : memref<1056xi32, #tpu.memory_space<vmem>> -> memref<512xi32, #tpu.memory_space<vmem>>
      %dma_wait3A_137 = arith.constant 0 : i32
      %dma_wait3A_138 = tpu.memref_slice %arg6[%add3A, %dma_wait3A_137] : memref<32x512xi32, #tpu.memory_space<hbm>> -> memref<1x512xi32, #tpu.memory_space<hbm>>
      %dma_wait3A_139 = tpu.memref_squeeze %dma_wait3A_138 : memref<1x512xi32, #tpu.memory_space<hbm>> -> memref<512xi32, #tpu.memory_space<hbm>>
      %dma_wait3A_140 = arith.constant 0 : i32
      %dma_wait3A_141 = tpu.memref_slice %arg6[%add3A, %dma_wait3A_140] : memref<32x512xi32, #tpu.memory_space<hbm>> -> memref<1x512xi32, #tpu.memory_space<hbm>>
      %dma_wait3A_142 = tpu.memref_squeeze %dma_wait3A_141 : memref<1x512xi32, #tpu.memory_space<hbm>> -> memref<512xi32, #tpu.memory_space<hbm>>
      %dma_wait3A_143 = arith.constant 0 : i32
      %dma_wait3A_144 = tpu.memref_slice %arg12[%dma_wait3A_143] : memref<1056xi32, #tpu.memory_space<vmem>> -> memref<512xi32, #tpu.memory_space<vmem>>
      tpu.wait_dma2 semaphore(%run_scoped3A : memref<!tpu.dma_semaphore, #tpu.memory_space<semaphore_mem>>) src(%dma_wait3A_144 : memref<512xi32, #tpu.memory_space<vmem>>) dst(%dma_wait3A_142 : memref<512xi32, #tpu.memory_space<hbm>>)
      tpu.yield
    }) : () -> ()
    %eq3A = arith.constant 0 : i32
    %eq3A_100 = vector.broadcast %eq3A : i32 to vector<16xi32>
    %eq3A_101 = arith.cmpi eq, %iota3A, %eq3A_100 : vector<16xi32>
    %jit3A_102 = arith.constant 0 : i32
    %broadcast_in_dim3A_103 = vector.broadcast %while3A_97 : i32 to vector<16xi32>
    %broadcast_in_dim3A_104 = vector.broadcast %jit3A_102 : i32 to vector<16xi32>
    %select_n3A_105 = arith.select %eq3A_101, %broadcast_in_dim3A_103, %broadcast_in_dim3A_104 : vector<16xi1>, vector<16xi32>
    %swap3A = arith.constant 0 : index
    %swap3A_106 = tpu.vector_load %arg16[%swap3A] {strides = array<i32>} : memref<16xi32, #tpu.memory_space<vmem>>, vector<16xi32>,
    tpu.vector_store %arg16[%swap3A], %select_n3A_105 {strides = array<i32>} : memref<16xi32, #tpu.memory_space<vmem>>, vector<16xi32>,
    "tpu.region"() ({
      %run_scoped3A = tpu.sem_alloc : memref<!tpu.dma_semaphore, #tpu.memory_space<semaphore_mem>>
      %dma_start3A = arith.constant 0 : i32
      %dma_start3A_127 = tpu.memref_slice %arg7[%add3A, %dma_start3A] : memref<32x16xi32, #tpu.memory_space<hbm>> -> memref<1x16xi32, #tpu.memory_space<hbm>>
      %dma_start3A_128 = tpu.memref_squeeze %dma_start3A_127 : memref<1x16xi32, #tpu.memory_space<hbm>> -> memref<16xi32, #tpu.memory_space<hbm>>
      %dma_start3A_129 = arith.constant 0 : i32
      %dma_start3A_130 = tpu.memref_slice %arg7[%add3A, %dma_start3A_129] : memref<32x16xi32, #tpu.memory_space<hbm>> -> memref<1x16xi32, #tpu.memory_space<hbm>>
      %dma_start3A_131 = tpu.memref_squeeze %dma_start3A_130 : memref<1x16xi32, #tpu.memory_space<hbm>> -> memref<16xi32, #tpu.memory_space<hbm>>
      tpu.enqueue_dma source(%arg16 : memref<16xi32, #tpu.memory_space<vmem>>) target(%dma_start3A_131 : memref<16xi32, #tpu.memory_space<hbm>>) target_semaphore(%run_scoped3A : memref<!tpu.dma_semaphore, #tpu.memory_space<semaphore_mem>>)
      %dma_wait3A = arith.constant 0 : i32
      %dma_wait3A_132 = tpu.memref_slice %arg7[%add3A, %dma_wait3A] : memref<32x16xi32, #tpu.memory_space<hbm>> -> memref<1x16xi32, #tpu.memory_space<hbm>>
      %dma_wait3A_133 = tpu.memref_squeeze %dma_wait3A_132 : memref<1x16xi32, #tpu.memory_space<hbm>> -> memref<16xi32, #tpu.memory_space<hbm>>
      %dma_wait3A_134 = arith.constant 0 : i32
      %dma_wait3A_135 = tpu.memref_slice %arg7[%add3A, %dma_wait3A_134] : memref<32x16xi32, #tpu.memory_space<hbm>> -> memref<1x16xi32, #tpu.memory_space<hbm>>
      %dma_wait3A_136 = tpu.memref_squeeze %dma_wait3A_135 : memref<1x16xi32, #tpu.memory_space<hbm>> -> memref<16xi32, #tpu.memory_space<hbm>>
      tpu.wait_dma2 semaphore(%run_scoped3A : memref<!tpu.dma_semaphore, #tpu.memory_space<semaphore_mem>>) src(%arg16 : memref<16xi32, #tpu.memory_space<vmem>>) dst(%dma_wait3A_136 : memref<16xi32, #tpu.memory_space<hbm>>)
      tpu.yield
    }) : () -> ()
    %not3A = arith.constant true
    %not3A_107 = arith.xori %ge3A_8, %not3A : i1
    %convert_element_type3A_108 = arith.extui %not3A_107 : i1 to i32
    %cond3A_109 = arith.constant 0 : i32
    %cond3A_110 = arith.cmpi ne, %convert_element_type3A_108, %cond3A_109 : i32
    scf.if %cond3A_110 {
      "tpu.region"() ({
        %run_scoped3A = tpu.sem_alloc : memref<!tpu.dma_semaphore, #tpu.memory_space<semaphore_mem>>
        %dma_start3A = arith.constant 0 : i32
        %dma_start3A_127 = tpu.memref_slice %arg15[%dma_start3A] : memref<31256xi32, #tpu.memory_space<vmem>> -> memref<31248xi32, #tpu.memory_space<vmem>>
        %dma_start3A_128 = tpu.memref_slice %arg2[%add3A_7] : memref<1000000xi32, #tpu.memory_space<hbm>> -> memref<31248xi32, #tpu.memory_space<hbm>>
        %dma_start3A_129 = arith.constant 0 : i32
        %dma_start3A_130 = tpu.memref_slice %arg15[%dma_start3A_129] : memref<31256xi32, #tpu.memory_space<vmem>> -> memref<31248xi32, #tpu.memory_space<vmem>>
        %dma_start3A_131 = tpu.memref_slice %arg2[%add3A_7] : memref<1000000xi32, #tpu.memory_space<hbm>> -> memref<31248xi32, #tpu.memory_space<hbm>>
        tpu.enqueue_dma source(%dma_start3A_131 : memref<31248xi32, #tpu.memory_space<hbm>>) target(%dma_start3A_130 : memref<31248xi32, #tpu.memory_space<vmem>>) target_semaphore(%run_scoped3A : memref<!tpu.dma_semaphore, #tpu.memory_space<semaphore_mem>>)
        %dma_wait3A = arith.constant 0 : i32
        %dma_wait3A_132 = tpu.memref_slice %arg15[%dma_wait3A] : memref<31256xi32, #tpu.memory_space<vmem>> -> memref<31248xi32, #tpu.memory_space<vmem>>
        %dma_wait3A_133 = tpu.memref_slice %arg2[%add3A_7] : memref<1000000xi32, #tpu.memory_space<hbm>> -> memref<31248xi32, #tpu.memory_space<hbm>>
        %dma_wait3A_134 = arith.constant 0 : i32
        %dma_wait3A_135 = tpu.memref_slice %arg15[%dma_wait3A_134] : memref<31256xi32, #tpu.memory_space<vmem>> -> memref<31248xi32, #tpu.memory_space<vmem>>
        %dma_wait3A_136 = tpu.memref_slice %arg2[%add3A_7] : memref<1000000xi32, #tpu.memory_space<hbm>> -> memref<31248xi32, #tpu.memory_space<hbm>>
        tpu.wait_dma2 semaphore(%run_scoped3A : memref<!tpu.dma_semaphore, #tpu.memory_space<semaphore_mem>>) src(%dma_wait3A_136 : memref<31248xi32, #tpu.memory_space<hbm>>) dst(%dma_wait3A_135 : memref<31248xi32, #tpu.memory_space<vmem>>)
        tpu.yield
      }) : () -> ()
    } else {
    }
    %convert_element_type3A_111 = arith.extui %ge3A_8 : i1 to i32
    %cond3A_112 = arith.constant 0 : i32
    %cond3A_113 = arith.cmpi ne, %convert_element_type3A_111, %cond3A_112 : i32
    scf.if %cond3A_113 {
      "tpu.region"() ({
        %run_scoped3A = tpu.sem_alloc : memref<!tpu.dma_semaphore, #tpu.memory_space<semaphore_mem>>
        %dma_start3A = arith.constant 0 : i32
        %dma_start3A_127 = tpu.memref_slice %arg15[%dma_start3A] : memref<31256xi32, #tpu.memory_space<vmem>> -> memref<31256xi32, #tpu.memory_space<vmem>>
        %dma_start3A_128 = tpu.memref_slice %arg2[%add3A_7] : memref<1000000xi32, #tpu.memory_space<hbm>> -> memref<31256xi32, #tpu.memory_space<hbm>>
        %dma_start3A_129 = arith.constant 0 : i32
        %dma_start3A_130 = tpu.memref_slice %arg15[%dma_start3A_129] : memref<31256xi32, #tpu.memory_space<vmem>> -> memref<31256xi32, #tpu.memory_space<vmem>>
        %dma_start3A_131 = tpu.memref_slice %arg2[%add3A_7] : memref<1000000xi32, #tpu.memory_space<hbm>> -> memref<31256xi32, #tpu.memory_space<hbm>>
        tpu.enqueue_dma source(%dma_start3A_131 : memref<31256xi32, #tpu.memory_space<hbm>>) target(%dma_start3A_130 : memref<31256xi32, #tpu.memory_space<vmem>>) target_semaphore(%run_scoped3A : memref<!tpu.dma_semaphore, #tpu.memory_space<semaphore_mem>>)
        %dma_wait3A = arith.constant 0 : i32
        %dma_wait3A_132 = tpu.memref_slice %arg15[%dma_wait3A] : memref<31256xi32, #tpu.memory_space<vmem>> -> memref<31256xi32, #tpu.memory_space<vmem>>
        %dma_wait3A_133 = tpu.memref_slice %arg2[%add3A_7] : memref<1000000xi32, #tpu.memory_space<hbm>> -> memref<31256xi32, #tpu.memory_space<hbm>>
        %dma_wait3A_134 = arith.constant 0 : i32
        %dma_wait3A_135 = tpu.memref_slice %arg15[%dma_wait3A_134] : memref<31256xi32, #tpu.memory_space<vmem>> -> memref<31256xi32, #tpu.memory_space<vmem>>
        %dma_wait3A_136 = tpu.memref_slice %arg2[%add3A_7] : memref<1000000xi32, #tpu.memory_space<hbm>> -> memref<31256xi32, #tpu.memory_space<hbm>>
        tpu.wait_dma2 semaphore(%run_scoped3A : memref<!tpu.dma_semaphore, #tpu.memory_space<semaphore_mem>>) src(%dma_wait3A_136 : memref<31256xi32, #tpu.memory_space<hbm>>) dst(%dma_wait3A_135 : memref<31256xi32, #tpu.memory_space<vmem>>)
        tpu.yield
      }) : () -> ()
    } else {
    }
    %gt3A_114 = arith.constant 0 : i32
    %gt3A_115 = arith.cmpi sgt, %while3A_97, %gt3A_114 : i32
    %convert_element_type3A_116 = arith.extui %gt3A_115 : i1 to i32
    %cond3A_117 = arith.constant 0 : i32
    %cond3A_118 = arith.cmpi ne, %convert_element_type3A_116, %cond3A_117 : i32
    scf.if %cond3A_118 {
      %add3A_127 = arith.constant 16 : i32
      %add3A_128 = arith.addi %while3A_97, %add3A_127 : i32
      %sub3A_129 = arith.constant 1 : i32
      %sub3A_130 = arith.subi %add3A_128, %sub3A_129 : i32
      %jit3A_131 = arith.constant 16 : i32
      %div3A_132 = arith.divsi %sub3A_130, %jit3A_131 : i32
      %sign3A_133 = arith.constant 0 : i32
      %sign3A_134 = arith.cmpi sgt, %sub3A_130, %sign3A_133 : i32
      %sign3A_135 = arith.extui %sign3A_134 : i1 to i32
      %sign3A_136 = arith.constant 0 : i32
      %sign3A_137 = arith.cmpi slt, %sub3A_130, %sign3A_136 : i32
      %sign3A_138 = arith.extui %sign3A_137 : i1 to i32
      %sign3A_139 = arith.subi %sign3A_135, %sign3A_138 : i32
      %sign3A_140 = arith.constant 0 : i32
      %sign3A_141 = arith.cmpi sgt, %jit3A_131, %sign3A_140 : i32
      %sign3A_142 = arith.extui %sign3A_141 : i1 to i32
      %sign3A_143 = arith.constant 0 : i32
      %sign3A_144 = arith.cmpi slt, %jit3A_131, %sign3A_143 : i32
      %sign3A_145 = arith.extui %sign3A_144 : i1 to i32
      %sign3A_146 = arith.subi %sign3A_142, %sign3A_145 : i32
      %ne3A_147 = arith.cmpi ne, %sign3A_139, %sign3A_146 : i32
      %rem3A_148 = arith.remsi %sub3A_130, %jit3A_131 : i32
      %ne3A_149 = arith.constant 0 : i32
      %ne3A_150 = arith.cmpi ne, %rem3A_148, %ne3A_149 : i32
      %and3A_151 = arith.andi %ne3A_147, %ne3A_150 : i1
      %sub3A_152 = arith.constant 1 : i32
      %sub3A_153 = arith.subi %div3A_132, %sub3A_152 : i32
      %select_n3A_154 = arith.select %and3A_151, %sub3A_153, %div3A_132 : i32
      %while3A_155 = arith.constant 0 : i32
      %while3A_156 = arith.constant 0 : i32
      %while3A_157 = arith.subi %select_n3A_154, %while3A_155 : i32
      %while3A_158 = arith.addi %while3A_155, %while3A_157 : i32
      %while3A_159 = arith.constant 1 : i32
      %while3A_160 = arith.divsi %while3A_157, %while3A_159 : i32
      %while3A_161 = arith.muli %while3A_160, %while3A_159 : i32
      %while3A_162 = arith.addi %while3A_155, %while3A_161 : i32
      %while3A_163 = arith.constant 1 : i32
      %while3A_164 = scf.for %while3A_167 = %while3A_155 to %while3A_162 step %while3A_163 iter_args(%while3A_168 = %while3A_156) -> (i32)  : i32 {
        %mul3A_169 = arith.constant 16 : i32
        %mul3A_170 = arith.muli %while3A_167, %mul3A_169 : i32
        %add3A_171 = vector.broadcast %mul3A_170 : i32 to vector<16xi32>
        %add3A_172 = arith.addi %add3A_171, %iota3A : vector<16xi32>
        %lt3A = vector.broadcast %while3A_97 : i32 to vector<16xi32>
        %lt3A_173 = arith.cmpi slt, %add3A_172, %lt3A : vector<16xi32>
        %mul3A_174 = arith.constant 16 : i32
        %mul3A_175 = arith.muli %while3A_167, %mul3A_174 : i32
        %get3A = arith.index_cast %mul3A_175 : i32 to index
        %get3A_176 = tpu.vector_load %arg10[%get3A] {strides = array<i32>} : memref<1056xi32, #tpu.memory_space<vmem>>, vector<16xi32>,
        %mul3A_177 = arith.constant 16 : i32
        %mul3A_178 = arith.muli %while3A_167, %mul3A_177 : i32
        %get3A_179 = arith.index_cast %mul3A_178 : i32 to index
        %get3A_180 = tpu.vector_load %arg13[%get3A_179] {strides = array<i32>} : memref<1056xi32, #tpu.memory_space<vmem>>, vector<16xi32>,
        tpu.vector_store_idx %arg15[%get3A_176], %get3A_180 masked %lt3A_173 : memref<31256xi32, #tpu.memory_space<vmem>>[vector<16xi32>], vector<16xi32>, vector<16xi1>
        %while3A_181 = arith.constant 0 : i32
        scf.yield %while3A_181 : i32
      }
      %while3A_165 = arith.constant 1 : i32
      %while3A_166 = scf.for %while3A_167 = %while3A_162 to %while3A_158 step %while3A_165 iter_args(%while3A_168 = %while3A_164) -> (i32)  : i32 {
        %mul3A_169 = arith.constant 16 : i32
        %mul3A_170 = arith.muli %while3A_167, %mul3A_169 : i32
        %add3A_171 = vector.broadcast %mul3A_170 : i32 to vector<16xi32>
        %add3A_172 = arith.addi %add3A_171, %iota3A : vector<16xi32>
        %lt3A = vector.broadcast %while3A_97 : i32 to vector<16xi32>
        %lt3A_173 = arith.cmpi slt, %add3A_172, %lt3A : vector<16xi32>
        %mul3A_174 = arith.constant 16 : i32
        %mul3A_175 = arith.muli %while3A_167, %mul3A_174 : i32
        %get3A = arith.index_cast %mul3A_175 : i32 to index
        %get3A_176 = tpu.vector_load %arg10[%get3A] {strides = array<i32>} : memref<1056xi32, #tpu.memory_space<vmem>>, vector<16xi32>,
        %mul3A_177 = arith.constant 16 : i32
        %mul3A_178 = arith.muli %while3A_167, %mul3A_177 : i32
        %get3A_179 = arith.index_cast %mul3A_178 : i32 to index
        %get3A_180 = tpu.vector_load %arg13[%get3A_179] {strides = array<i32>} : memref<1056xi32, #tpu.memory_space<vmem>>, vector<16xi32>,
        tpu.vector_store_idx %arg15[%get3A_176], %get3A_180 masked %lt3A_173 : memref<31256xi32, #tpu.memory_space<vmem>>[vector<16xi32>], vector<16xi32>, vector<16xi1>
        %while3A_181 = arith.constant 0 : i32
        scf.yield %while3A_181 : i32
      }
    } else {
    }
    %not3A_119 = arith.constant true
    %not3A_120 = arith.xori %ge3A_8, %not3A_119 : i1
    %convert_element_type3A_121 = arith.extui %not3A_120 : i1 to i32
    %cond3A_122 = arith.constant 0 : i32
    %cond3A_123 = arith.cmpi ne, %convert_element_type3A_121, %cond3A_122 : i32
    scf.if %cond3A_123 {
      "tpu.region"() ({
        %run_scoped3A = tpu.sem_alloc : memref<!tpu.dma_semaphore, #tpu.memory_space<semaphore_mem>>
        %dma_start3A = arith.constant 0 : i32
        %dma_start3A_127 = tpu.memref_slice %arg15[%dma_start3A] : memref<31256xi32, #tpu.memory_space<vmem>> -> memref<31248xi32, #tpu.memory_space<vmem>>
        %dma_start3A_128 = tpu.memref_slice %arg5[%add3A_7] : memref<1000000xi32, #tpu.memory_space<hbm>> -> memref<31248xi32, #tpu.memory_space<hbm>>
        %dma_start3A_129 = tpu.memref_slice %arg5[%add3A_7] : memref<1000000xi32, #tpu.memory_space<hbm>> -> memref<31248xi32, #tpu.memory_space<hbm>>
        %dma_start3A_130 = arith.constant 0 : i32
        %dma_start3A_131 = tpu.memref_slice %arg15[%dma_start3A_130] : memref<31256xi32, #tpu.memory_space<vmem>> -> memref<31248xi32, #tpu.memory_space<vmem>>
        tpu.enqueue_dma source(%dma_start3A_131 : memref<31248xi32, #tpu.memory_space<vmem>>) target(%dma_start3A_129 : memref<31248xi32, #tpu.memory_space<hbm>>) target_semaphore(%run_scoped3A : memref<!tpu.dma_semaphore, #tpu.memory_space<semaphore_mem>>)
        %dma_wait3A = arith.constant 0 : i32
        %dma_wait3A_132 = tpu.memref_slice %arg15[%dma_wait3A] : memref<31256xi32, #tpu.memory_space<vmem>> -> memref<31248xi32, #tpu.memory_space<vmem>>
        %dma_wait3A_133 = tpu.memref_slice %arg5[%add3A_7] : memref<1000000xi32, #tpu.memory_space<hbm>> -> memref<31248xi32, #tpu.memory_space<hbm>>
        %dma_wait3A_134 = tpu.memref_slice %arg5[%add3A_7] : memref<1000000xi32, #tpu.memory_space<hbm>> -> memref<31248xi32, #tpu.memory_space<hbm>>
        %dma_wait3A_135 = arith.constant 0 : i32
        %dma_wait3A_136 = tpu.memref_slice %arg15[%dma_wait3A_135] : memref<31256xi32, #tpu.memory_space<vmem>> -> memref<31248xi32, #tpu.memory_space<vmem>>
        tpu.wait_dma2 semaphore(%run_scoped3A : memref<!tpu.dma_semaphore, #tpu.memory_space<semaphore_mem>>) src(%dma_wait3A_136 : memref<31248xi32, #tpu.memory_space<vmem>>) dst(%dma_wait3A_134 : memref<31248xi32, #tpu.memory_space<hbm>>)
        tpu.yield
      }) : () -> ()
    } else {
    }
    %convert_element_type3A_124 = arith.extui %ge3A_8 : i1 to i32
    %cond3A_125 = arith.constant 0 : i32
    %cond3A_126 = arith.cmpi ne, %convert_element_type3A_124, %cond3A_125 : i32
    scf.if %cond3A_126 {
      "tpu.region"() ({
        %run_scoped3A = tpu.sem_alloc : memref<!tpu.dma_semaphore, #tpu.memory_space<semaphore_mem>>
        %dma_start3A = arith.constant 0 : i32
        %dma_start3A_127 = tpu.memref_slice %arg15[%dma_start3A] : memref<31256xi32, #tpu.memory_space<vmem>> -> memref<31256xi32, #tpu.memory_space<vmem>>
        %dma_start3A_128 = tpu.memref_slice %arg5[%add3A_7] : memref<1000000xi32, #tpu.memory_space<hbm>> -> memref<31256xi32, #tpu.memory_space<hbm>>
        %dma_start3A_129 = tpu.memref_slice %arg5[%add3A_7] : memref<1000000xi32, #tpu.memory_space<hbm>> -> memref<31256xi32, #tpu.memory_space<hbm>>
        %dma_start3A_130 = arith.constant 0 : i32
        %dma_start3A_131 = tpu.memref_slice %arg15[%dma_start3A_130] : memref<31256xi32, #tpu.memory_space<vmem>> -> memref<31256xi32, #tpu.memory_space<vmem>>
        tpu.enqueue_dma source(%dma_start3A_131 : memref<31256xi32, #tpu.memory_space<vmem>>) target(%dma_start3A_129 : memref<31256xi32, #tpu.memory_space<hbm>>) target_semaphore(%run_scoped3A : memref<!tpu.dma_semaphore, #tpu.memory_space<semaphore_mem>>)
        %dma_wait3A = arith.constant 0 : i32
        %dma_wait3A_132 = tpu.memref_slice %arg15[%dma_wait3A] : memref<31256xi32, #tpu.memory_space<vmem>> -> memref<31256xi32, #tpu.memory_space<vmem>>
        %dma_wait3A_133 = tpu.memref_slice %arg5[%add3A_7] : memref<1000000xi32, #tpu.memory_space<hbm>> -> memref<31256xi32, #tpu.memory_space<hbm>>
        %dma_wait3A_134 = tpu.memref_slice %arg5[%add3A_7] : memref<1000000xi32, #tpu.memory_space<hbm>> -> memref<31256xi32, #tpu.memory_space<hbm>>
        %dma_wait3A_135 = arith.constant 0 : i32
        %dma_wait3A_136 = tpu.memref_slice %arg15[%dma_wait3A_135] : memref<31256xi32, #tpu.memory_space<vmem>> -> memref<31256xi32, #tpu.memory_space<vmem>>
        tpu.wait_dma2 semaphore(%run_scoped3A : memref<!tpu.dma_semaphore, #tpu.memory_space<semaphore_mem>>) src(%dma_wait3A_136 : memref<31256xi32, #tpu.memory_space<vmem>>) dst(%dma_wait3A_134 : memref<31256xi32, #tpu.memory_space<hbm>>)
        tpu.yield
      }) : () -> ()
    } else {
    }
    return
  }
}

module attributes {stable_mosaic.version = 14 : i64} {
  func.func @_tc_body(%arg0: memref<1000000x32xf32, #tpu.memory_space<hbm>>, %arg1: memref<16384x32xf32, #tpu.memory_space<hbm>>, %arg2: memref<32x512xi32, #tpu.memory_space<smem>>, %arg3: memref<32x16xi32, #tpu.memory_space<smem>>, %arg4: memref<1000000x32xf32, #tpu.memory_space<hbm>>, %arg5: memref<!tpu.dma_semaphore, #tpu.memory_space<semaphore_mem>>) attributes {dimension_semantics = [], scalar_prefetch = 0 : i64, scratch_operands = 1 : i64, tpu.core_type = #tpu.core_type<tc>} {
    %get3A = arith.constant 0 : index
    %get3A_0 = arith.constant 0 : index
    %get3A_1 = memref.load %arg3[%get3A, %get3A_0] : memref<32x16xi32, #tpu.memory_space<smem>>
    %while3A = arith.constant 0 : i32
    %while3A_2 = arith.constant 0 : i32
    %while3A_3 = arith.subi %get3A_1, %while3A : i32
    %while3A_4 = arith.addi %while3A, %while3A_3 : i32
    %while3A_5 = arith.constant 1 : i32
    %while3A_6 = arith.divsi %while3A_3, %while3A_5 : i32
    %while3A_7 = arith.muli %while3A_6, %while3A_5 : i32
    %while3A_8 = arith.addi %while3A, %while3A_7 : i32
    %while3A_9 = arith.constant 1 : i32
    %while3A_10 = scf.for %while3A_862 = %while3A to %while3A_8 step %while3A_9 iter_args(%while3A_863 = %while3A_2) -> (i32)  : i32 {
      %get3A_864 = arith.constant 0 : index
      %get3A_865 = arith.index_cast %while3A_862 : i32 to index
      %get3A_866 = memref.load %arg2[%get3A_864, %get3A_865] : memref<32x512xi32, #tpu.memory_space<smem>>
      %rem3A = arith.constant 16384 : i32
      %rem3A_867 = arith.remsi %get3A_866, %rem3A : i32
      %div3A = arith.constant 16384 : i32
      %div3A_868 = arith.divsi %get3A_866, %div3A : i32
      %add3A = arith.constant 0 : i32
      %add3A_869 = arith.addi %add3A, %div3A_868 : i32
      %dma_start3A = arith.constant 0 : i32
      %dma_start3A_870 = tpu.memref_slice %arg4[%add3A_869, %dma_start3A] : memref<1000000x32xf32, #tpu.memory_space<hbm>> -> memref<1x32xf32, #tpu.memory_space<hbm>>
      %dma_start3A_871 = arith.constant 0 : i32
      %dma_start3A_872 = tpu.memref_slice %arg1[%rem3A_867, %dma_start3A_871] : memref<16384x32xf32, #tpu.memory_space<hbm>> -> memref<1x32xf32, #tpu.memory_space<hbm>>
      tpu.enqueue_dma source(%dma_start3A_872 : memref<1x32xf32, #tpu.memory_space<hbm>>) target(%dma_start3A_870 : memref<1x32xf32, #tpu.memory_space<hbm>>) target_semaphore(%arg5 : memref<!tpu.dma_semaphore, #tpu.memory_space<semaphore_mem>>)
      %while3A_873 = arith.constant 0 : i32
      scf.yield %while3A_873 : i32
    }
    %while3A_11 = arith.constant 1 : i32
    %while3A_12 = scf.for %while3A_862 = %while3A_8 to %while3A_4 step %while3A_11 iter_args(%while3A_863 = %while3A_10) -> (i32)  : i32 {
      %get3A_864 = arith.constant 0 : index
      %get3A_865 = arith.index_cast %while3A_862 : i32 to index
      %get3A_866 = memref.load %arg2[%get3A_864, %get3A_865] : memref<32x512xi32, #tpu.memory_space<smem>>
      %rem3A = arith.constant 16384 : i32
      %rem3A_867 = arith.remsi %get3A_866, %rem3A : i32
      %div3A = arith.constant 16384 : i32
      %div3A_868 = arith.divsi %get3A_866, %div3A : i32
      %add3A = arith.constant 0 : i32
      %add3A_869 = arith.addi %add3A, %div3A_868 : i32
      %dma_start3A = arith.constant 0 : i32
      %dma_start3A_870 = tpu.memref_slice %arg4[%add3A_869, %dma_start3A] : memref<1000000x32xf32, #tpu.memory_space<hbm>> -> memref<1x32xf32, #tpu.memory_space<hbm>>
      %dma_start3A_871 = arith.constant 0 : i32
      %dma_start3A_872 = tpu.memref_slice %arg1[%rem3A_867, %dma_start3A_871] : memref<16384x32xf32, #tpu.memory_space<hbm>> -> memref<1x32xf32, #tpu.memory_space<hbm>>
      tpu.enqueue_dma source(%dma_start3A_872 : memref<1x32xf32, #tpu.memory_space<hbm>>) target(%dma_start3A_870 : memref<1x32xf32, #tpu.memory_space<hbm>>) target_semaphore(%arg5 : memref<!tpu.dma_semaphore, #tpu.memory_space<semaphore_mem>>)
      %while3A_873 = arith.constant 0 : i32
      scf.yield %while3A_873 : i32
    }
    %while3A_13 = arith.constant 0 : i32
    %while3A_14 = arith.constant 0 : i32
    %while3A_15 = arith.subi %get3A_1, %while3A_13 : i32
    %while3A_16 = arith.addi %while3A_13, %while3A_15 : i32
    %while3A_17 = arith.constant 1 : i32
    %while3A_18 = arith.divsi %while3A_15, %while3A_17 : i32
    %while3A_19 = arith.muli %while3A_18, %while3A_17 : i32
    %while3A_20 = arith.addi %while3A_13, %while3A_19 : i32
    %while3A_21 = arith.constant 1 : i32
    %while3A_22 = scf.for %while3A_862 = %while3A_13 to %while3A_20 step %while3A_21 iter_args(%while3A_863 = %while3A_14) -> (i32)  : i32 {
      %get3A_864 = arith.constant 0 : index
      %get3A_865 = arith.index_cast %while3A_862 : i32 to index
      %get3A_866 = memref.load %arg2[%get3A_864, %get3A_865] : memref<32x512xi32, #tpu.memory_space<smem>>
      %rem3A = arith.constant 16384 : i32
      %rem3A_867 = arith.remsi %get3A_866, %rem3A : i32
      %div3A = arith.constant 16384 : i32
      %div3A_868 = arith.divsi %get3A_866, %div3A : i32
      %add3A = arith.constant 0 : i32
      %add3A_869 = arith.addi %add3A, %div3A_868 : i32
      %dma_wait3A = arith.constant 0 : i32
      %dma_wait3A_870 = tpu.memref_slice %arg4[%add3A_869, %dma_wait3A] : memref<1000000x32xf32, #tpu.memory_space<hbm>> -> memref<1x32xf32, #tpu.memory_space<hbm>>
      %dma_wait3A_871 = arith.constant 0 : i32
      %dma_wait3A_872 = tpu.memref_slice %arg1[%rem3A_867, %dma_wait3A_871] : memref<16384x32xf32, #tpu.memory_space<hbm>> -> memref<1x32xf32, #tpu.memory_space<hbm>>
      tpu.wait_dma2 semaphore(%arg5 : memref<!tpu.dma_semaphore, #tpu.memory_space<semaphore_mem>>) src(%dma_wait3A_872 : memref<1x32xf32, #tpu.memory_space<hbm>>) dst(%dma_wait3A_870 : memref<1x32xf32, #tpu.memory_space<hbm>>)
      %while3A_873 = arith.constant 0 : i32
      scf.yield %while3A_873 : i32
    }
    %while3A_23 = arith.constant 1 : i32
    %while3A_24 = scf.for %while3A_862 = %while3A_20 to %while3A_16 step %while3A_23 iter_args(%while3A_863 = %while3A_22) -> (i32)  : i32 {
      %get3A_864 = arith.constant 0 : index
      %get3A_865 = arith.index_cast %while3A_862 : i32 to index
      %get3A_866 = memref.load %arg2[%get3A_864, %get3A_865] : memref<32x512xi32, #tpu.memory_space<smem>>
      %rem3A = arith.constant 16384 : i32
      %rem3A_867 = arith.remsi %get3A_866, %rem3A : i32
      %div3A = arith.constant 16384 : i32
      %div3A_868 = arith.divsi %get3A_866, %div3A : i32
      %add3A = arith.constant 0 : i32
      %add3A_869 = arith.addi %add3A, %div3A_868 : i32
      %dma_wait3A = arith.constant 0 : i32
      %dma_wait3A_870 = tpu.memref_slice %arg4[%add3A_869, %dma_wait3A] : memref<1000000x32xf32, #tpu.memory_space<hbm>> -> memref<1x32xf32, #tpu.memory_space<hbm>>
      %dma_wait3A_871 = arith.constant 0 : i32
      %dma_wait3A_872 = tpu.memref_slice %arg1[%rem3A_867, %dma_wait3A_871] : memref<16384x32xf32, #tpu.memory_space<hbm>> -> memref<1x32xf32, #tpu.memory_space<hbm>>
      tpu.wait_dma2 semaphore(%arg5 : memref<!tpu.dma_semaphore, #tpu.memory_space<semaphore_mem>>) src(%dma_wait3A_872 : memref<1x32xf32, #tpu.memory_space<hbm>>) dst(%dma_wait3A_870 : memref<1x32xf32, #tpu.memory_space<hbm>>)
      %while3A_873 = arith.constant 0 : i32
      scf.yield %while3A_873 : i32
    }
    %get3A_25 = arith.constant 1 : index
    %get3A_26 = arith.constant 0 : index
    %get3A_27 = memref.load %arg3[%get3A_25, %get3A_26] : memref<32x16xi32, #tpu.memory_space<smem>>
    %while3A_28 = arith.constant 0 : i32
    %while3A_29 = arith.constant 0 : i32
    %while3A_30 = arith.subi %get3A_27, %while3A_28 : i32
    %while3A_31 = arith.addi %while3A_28, %while3A_30 : i32
    %while3A_32 = arith.constant 1 : i32
    %while3A_33 = arith.divsi %while3A_30, %while3A_32 : i32
    %while3A_34 = arith.muli %while3A_33, %while3A_32 : i32
    %while3A_35 = arith.addi %while3A_28, %while3A_34 : i32
    %while3A_36 = arith.constant 1 : i32
    %while3A_37 = scf.for %while3A_862 = %while3A_28 to %while3A_35 step %while3A_36 iter_args(%while3A_863 = %while3A_29) -> (i32)  : i32 {
      %get3A_864 = arith.constant 1 : index
      %get3A_865 = arith.index_cast %while3A_862 : i32 to index
      %get3A_866 = memref.load %arg2[%get3A_864, %get3A_865] : memref<32x512xi32, #tpu.memory_space<smem>>
      %rem3A = arith.constant 16384 : i32
      %rem3A_867 = arith.remsi %get3A_866, %rem3A : i32
      %div3A = arith.constant 16384 : i32
      %div3A_868 = arith.divsi %get3A_866, %div3A : i32
      %add3A = arith.constant 31248 : i32
      %add3A_869 = arith.addi %add3A, %div3A_868 : i32
      %dma_start3A = arith.constant 0 : i32
      %dma_start3A_870 = tpu.memref_slice %arg4[%add3A_869, %dma_start3A] : memref<1000000x32xf32, #tpu.memory_space<hbm>> -> memref<1x32xf32, #tpu.memory_space<hbm>>
      %dma_start3A_871 = arith.constant 0 : i32
      %dma_start3A_872 = tpu.memref_slice %arg1[%rem3A_867, %dma_start3A_871] : memref<16384x32xf32, #tpu.memory_space<hbm>> -> memref<1x32xf32, #tpu.memory_space<hbm>>
      tpu.enqueue_dma source(%dma_start3A_872 : memref<1x32xf32, #tpu.memory_space<hbm>>) target(%dma_start3A_870 : memref<1x32xf32, #tpu.memory_space<hbm>>) target_semaphore(%arg5 : memref<!tpu.dma_semaphore, #tpu.memory_space<semaphore_mem>>)
      %while3A_873 = arith.constant 0 : i32
      scf.yield %while3A_873 : i32
    }
    %while3A_38 = arith.constant 1 : i32
    %while3A_39 = scf.for %while3A_862 = %while3A_35 to %while3A_31 step %while3A_38 iter_args(%while3A_863 = %while3A_37) -> (i32)  : i32 {
      %get3A_864 = arith.constant 1 : index
      %get3A_865 = arith.index_cast %while3A_862 : i32 to index
      %get3A_866 = memref.load %arg2[%get3A_864, %get3A_865] : memref<32x512xi32, #tpu.memory_space<smem>>
      %rem3A = arith.constant 16384 : i32
      %rem3A_867 = arith.remsi %get3A_866, %rem3A : i32
      %div3A = arith.constant 16384 : i32
      %div3A_868 = arith.divsi %get3A_866, %div3A : i32
      %add3A = arith.constant 31248 : i32
      %add3A_869 = arith.addi %add3A, %div3A_868 : i32
      %dma_start3A = arith.constant 0 : i32
      %dma_start3A_870 = tpu.memref_slice %arg4[%add3A_869, %dma_start3A] : memref<1000000x32xf32, #tpu.memory_space<hbm>> -> memref<1x32xf32, #tpu.memory_space<hbm>>
      %dma_start3A_871 = arith.constant 0 : i32
      %dma_start3A_872 = tpu.memref_slice %arg1[%rem3A_867, %dma_start3A_871] : memref<16384x32xf32, #tpu.memory_space<hbm>> -> memref<1x32xf32, #tpu.memory_space<hbm>>
      tpu.enqueue_dma source(%dma_start3A_872 : memref<1x32xf32, #tpu.memory_space<hbm>>) target(%dma_start3A_870 : memref<1x32xf32, #tpu.memory_space<hbm>>) target_semaphore(%arg5 : memref<!tpu.dma_semaphore, #tpu.memory_space<semaphore_mem>>)
      %while3A_873 = arith.constant 0 : i32
      scf.yield %while3A_873 : i32
    }
    %while3A_40 = arith.constant 0 : i32
    %while3A_41 = arith.constant 0 : i32
    %while3A_42 = arith.subi %get3A_27, %while3A_40 : i32
    %while3A_43 = arith.addi %while3A_40, %while3A_42 : i32
    %while3A_44 = arith.constant 1 : i32
    %while3A_45 = arith.divsi %while3A_42, %while3A_44 : i32
    %while3A_46 = arith.muli %while3A_45, %while3A_44 : i32
    %while3A_47 = arith.addi %while3A_40, %while3A_46 : i32
    %while3A_48 = arith.constant 1 : i32
    %while3A_49 = scf.for %while3A_862 = %while3A_40 to %while3A_47 step %while3A_48 iter_args(%while3A_863 = %while3A_41) -> (i32)  : i32 {
      %get3A_864 = arith.constant 1 : index
      %get3A_865 = arith.index_cast %while3A_862 : i32 to index
      %get3A_866 = memref.load %arg2[%get3A_864, %get3A_865] : memref<32x512xi32, #tpu.memory_space<smem>>
      %rem3A = arith.constant 16384 : i32
      %rem3A_867 = arith.remsi %get3A_866, %rem3A : i32
      %div3A = arith.constant 16384 : i32
      %div3A_868 = arith.divsi %get3A_866, %div3A : i32
      %add3A = arith.constant 31248 : i32
      %add3A_869 = arith.addi %add3A, %div3A_868 : i32
      %dma_wait3A = arith.constant 0 : i32
      %dma_wait3A_870 = tpu.memref_slice %arg4[%add3A_869, %dma_wait3A] : memref<1000000x32xf32, #tpu.memory_space<hbm>> -> memref<1x32xf32, #tpu.memory_space<hbm>>
      %dma_wait3A_871 = arith.constant 0 : i32
      %dma_wait3A_872 = tpu.memref_slice %arg1[%rem3A_867, %dma_wait3A_871] : memref<16384x32xf32, #tpu.memory_space<hbm>> -> memref<1x32xf32, #tpu.memory_space<hbm>>
      tpu.wait_dma2 semaphore(%arg5 : memref<!tpu.dma_semaphore, #tpu.memory_space<semaphore_mem>>) src(%dma_wait3A_872 : memref<1x32xf32, #tpu.memory_space<hbm>>) dst(%dma_wait3A_870 : memref<1x32xf32, #tpu.memory_space<hbm>>)
      %while3A_873 = arith.constant 0 : i32
      scf.yield %while3A_873 : i32
    }
    %while3A_50 = arith.constant 1 : i32
    %while3A_51 = scf.for %while3A_862 = %while3A_47 to %while3A_43 step %while3A_50 iter_args(%while3A_863 = %while3A_49) -> (i32)  : i32 {
      %get3A_864 = arith.constant 1 : index
      %get3A_865 = arith.index_cast %while3A_862 : i32 to index
      %get3A_866 = memref.load %arg2[%get3A_864, %get3A_865] : memref<32x512xi32, #tpu.memory_space<smem>>
      %rem3A = arith.constant 16384 : i32
      %rem3A_867 = arith.remsi %get3A_866, %rem3A : i32
      %div3A = arith.constant 16384 : i32
      %div3A_868 = arith.divsi %get3A_866, %div3A : i32
      %add3A = arith.constant 31248 : i32
      %add3A_869 = arith.addi %add3A, %div3A_868 : i32
      %dma_wait3A = arith.constant 0 : i32
      %dma_wait3A_870 = tpu.memref_slice %arg4[%add3A_869, %dma_wait3A] : memref<1000000x32xf32, #tpu.memory_space<hbm>> -> memref<1x32xf32, #tpu.memory_space<hbm>>
      %dma_wait3A_871 = arith.constant 0 : i32
      %dma_wait3A_872 = tpu.memref_slice %arg1[%rem3A_867, %dma_wait3A_871] : memref<16384x32xf32, #tpu.memory_space<hbm>> -> memref<1x32xf32, #tpu.memory_space<hbm>>
      tpu.wait_dma2 semaphore(%arg5 : memref<!tpu.dma_semaphore, #tpu.memory_space<semaphore_mem>>) src(%dma_wait3A_872 : memref<1x32xf32, #tpu.memory_space<hbm>>) dst(%dma_wait3A_870 : memref<1x32xf32, #tpu.memory_space<hbm>>)
      %while3A_873 = arith.constant 0 : i32
      scf.yield %while3A_873 : i32
    }
    %get3A_52 = arith.constant 2 : index
    %get3A_53 = arith.constant 0 : index
    %get3A_54 = memref.load %arg3[%get3A_52, %get3A_53] : memref<32x16xi32, #tpu.memory_space<smem>>
    %while3A_55 = arith.constant 0 : i32
    %while3A_56 = arith.constant 0 : i32
    %while3A_57 = arith.subi %get3A_54, %while3A_55 : i32
    %while3A_58 = arith.addi %while3A_55, %while3A_57 : i32
    %while3A_59 = arith.constant 1 : i32
    %while3A_60 = arith.divsi %while3A_57, %while3A_59 : i32
    %while3A_61 = arith.muli %while3A_60, %while3A_59 : i32
    %while3A_62 = arith.addi %while3A_55, %while3A_61 : i32
    %while3A_63 = arith.constant 1 : i32
    %while3A_64 = scf.for %while3A_862 = %while3A_55 to %while3A_62 step %while3A_63 iter_args(%while3A_863 = %while3A_56) -> (i32)  : i32 {
      %get3A_864 = arith.constant 2 : index
      %get3A_865 = arith.index_cast %while3A_862 : i32 to index
      %get3A_866 = memref.load %arg2[%get3A_864, %get3A_865] : memref<32x512xi32, #tpu.memory_space<smem>>
      %rem3A = arith.constant 16384 : i32
      %rem3A_867 = arith.remsi %get3A_866, %rem3A : i32
      %div3A = arith.constant 16384 : i32
      %div3A_868 = arith.divsi %get3A_866, %div3A : i32
      %add3A = arith.constant 62496 : i32
      %add3A_869 = arith.addi %add3A, %div3A_868 : i32
      %dma_start3A = arith.constant 0 : i32
      %dma_start3A_870 = tpu.memref_slice %arg4[%add3A_869, %dma_start3A] : memref<1000000x32xf32, #tpu.memory_space<hbm>> -> memref<1x32xf32, #tpu.memory_space<hbm>>
      %dma_start3A_871 = arith.constant 0 : i32
      %dma_start3A_872 = tpu.memref_slice %arg1[%rem3A_867, %dma_start3A_871] : memref<16384x32xf32, #tpu.memory_space<hbm>> -> memref<1x32xf32, #tpu.memory_space<hbm>>
      tpu.enqueue_dma source(%dma_start3A_872 : memref<1x32xf32, #tpu.memory_space<hbm>>) target(%dma_start3A_870 : memref<1x32xf32, #tpu.memory_space<hbm>>) target_semaphore(%arg5 : memref<!tpu.dma_semaphore, #tpu.memory_space<semaphore_mem>>)
      %while3A_873 = arith.constant 0 : i32
      scf.yield %while3A_873 : i32
    }
    %while3A_65 = arith.constant 1 : i32
    %while3A_66 = scf.for %while3A_862 = %while3A_62 to %while3A_58 step %while3A_65 iter_args(%while3A_863 = %while3A_64) -> (i32)  : i32 {
      %get3A_864 = arith.constant 2 : index
      %get3A_865 = arith.index_cast %while3A_862 : i32 to index
      %get3A_866 = memref.load %arg2[%get3A_864, %get3A_865] : memref<32x512xi32, #tpu.memory_space<smem>>
      %rem3A = arith.constant 16384 : i32
      %rem3A_867 = arith.remsi %get3A_866, %rem3A : i32
      %div3A = arith.constant 16384 : i32
      %div3A_868 = arith.divsi %get3A_866, %div3A : i32
      %add3A = arith.constant 62496 : i32
      %add3A_869 = arith.addi %add3A, %div3A_868 : i32
      %dma_start3A = arith.constant 0 : i32
      %dma_start3A_870 = tpu.memref_slice %arg4[%add3A_869, %dma_start3A] : memref<1000000x32xf32, #tpu.memory_space<hbm>> -> memref<1x32xf32, #tpu.memory_space<hbm>>
      %dma_start3A_871 = arith.constant 0 : i32
      %dma_start3A_872 = tpu.memref_slice %arg1[%rem3A_867, %dma_start3A_871] : memref<16384x32xf32, #tpu.memory_space<hbm>> -> memref<1x32xf32, #tpu.memory_space<hbm>>
      tpu.enqueue_dma source(%dma_start3A_872 : memref<1x32xf32, #tpu.memory_space<hbm>>) target(%dma_start3A_870 : memref<1x32xf32, #tpu.memory_space<hbm>>) target_semaphore(%arg5 : memref<!tpu.dma_semaphore, #tpu.memory_space<semaphore_mem>>)
      %while3A_873 = arith.constant 0 : i32
      scf.yield %while3A_873 : i32
    }
    %while3A_67 = arith.constant 0 : i32
    %while3A_68 = arith.constant 0 : i32
    %while3A_69 = arith.subi %get3A_54, %while3A_67 : i32
    %while3A_70 = arith.addi %while3A_67, %while3A_69 : i32
    %while3A_71 = arith.constant 1 : i32
    %while3A_72 = arith.divsi %while3A_69, %while3A_71 : i32
    %while3A_73 = arith.muli %while3A_72, %while3A_71 : i32
    %while3A_74 = arith.addi %while3A_67, %while3A_73 : i32
    %while3A_75 = arith.constant 1 : i32
    %while3A_76 = scf.for %while3A_862 = %while3A_67 to %while3A_74 step %while3A_75 iter_args(%while3A_863 = %while3A_68) -> (i32)  : i32 {
      %get3A_864 = arith.constant 2 : index
      %get3A_865 = arith.index_cast %while3A_862 : i32 to index
      %get3A_866 = memref.load %arg2[%get3A_864, %get3A_865] : memref<32x512xi32, #tpu.memory_space<smem>>
      %rem3A = arith.constant 16384 : i32
      %rem3A_867 = arith.remsi %get3A_866, %rem3A : i32
      %div3A = arith.constant 16384 : i32
      %div3A_868 = arith.divsi %get3A_866, %div3A : i32
      %add3A = arith.constant 62496 : i32
      %add3A_869 = arith.addi %add3A, %div3A_868 : i32
      %dma_wait3A = arith.constant 0 : i32
      %dma_wait3A_870 = tpu.memref_slice %arg4[%add3A_869, %dma_wait3A] : memref<1000000x32xf32, #tpu.memory_space<hbm>> -> memref<1x32xf32, #tpu.memory_space<hbm>>
      %dma_wait3A_871 = arith.constant 0 : i32
      %dma_wait3A_872 = tpu.memref_slice %arg1[%rem3A_867, %dma_wait3A_871] : memref<16384x32xf32, #tpu.memory_space<hbm>> -> memref<1x32xf32, #tpu.memory_space<hbm>>
      tpu.wait_dma2 semaphore(%arg5 : memref<!tpu.dma_semaphore, #tpu.memory_space<semaphore_mem>>) src(%dma_wait3A_872 : memref<1x32xf32, #tpu.memory_space<hbm>>) dst(%dma_wait3A_870 : memref<1x32xf32, #tpu.memory_space<hbm>>)
      %while3A_873 = arith.constant 0 : i32
      scf.yield %while3A_873 : i32
    }
    %while3A_77 = arith.constant 1 : i32
    %while3A_78 = scf.for %while3A_862 = %while3A_74 to %while3A_70 step %while3A_77 iter_args(%while3A_863 = %while3A_76) -> (i32)  : i32 {
      %get3A_864 = arith.constant 2 : index
      %get3A_865 = arith.index_cast %while3A_862 : i32 to index
      %get3A_866 = memref.load %arg2[%get3A_864, %get3A_865] : memref<32x512xi32, #tpu.memory_space<smem>>
      %rem3A = arith.constant 16384 : i32
      %rem3A_867 = arith.remsi %get3A_866, %rem3A : i32
      %div3A = arith.constant 16384 : i32
      %div3A_868 = arith.divsi %get3A_866, %div3A : i32
      %add3A = arith.constant 62496 : i32
      %add3A_869 = arith.addi %add3A, %div3A_868 : i32
      %dma_wait3A = arith.constant 0 : i32
      %dma_wait3A_870 = tpu.memref_slice %arg4[%add3A_869, %dma_wait3A] : memref<1000000x32xf32, #tpu.memory_space<hbm>> -> memref<1x32xf32, #tpu.memory_space<hbm>>
      %dma_wait3A_871 = arith.constant 0 : i32
      %dma_wait3A_872 = tpu.memref_slice %arg1[%rem3A_867, %dma_wait3A_871] : memref<16384x32xf32, #tpu.memory_space<hbm>> -> memref<1x32xf32, #tpu.memory_space<hbm>>
      tpu.wait_dma2 semaphore(%arg5 : memref<!tpu.dma_semaphore, #tpu.memory_space<semaphore_mem>>) src(%dma_wait3A_872 : memref<1x32xf32, #tpu.memory_space<hbm>>) dst(%dma_wait3A_870 : memref<1x32xf32, #tpu.memory_space<hbm>>)
      %while3A_873 = arith.constant 0 : i32
      scf.yield %while3A_873 : i32
    }
    %get3A_79 = arith.constant 3 : index
    %get3A_80 = arith.constant 0 : index
    %get3A_81 = memref.load %arg3[%get3A_79, %get3A_80] : memref<32x16xi32, #tpu.memory_space<smem>>
    %while3A_82 = arith.constant 0 : i32
    %while3A_83 = arith.constant 0 : i32
    %while3A_84 = arith.subi %get3A_81, %while3A_82 : i32
    %while3A_85 = arith.addi %while3A_82, %while3A_84 : i32
    %while3A_86 = arith.constant 1 : i32
    %while3A_87 = arith.divsi %while3A_84, %while3A_86 : i32
    %while3A_88 = arith.muli %while3A_87, %while3A_86 : i32
    %while3A_89 = arith.addi %while3A_82, %while3A_88 : i32
    %while3A_90 = arith.constant 1 : i32
    %while3A_91 = scf.for %while3A_862 = %while3A_82 to %while3A_89 step %while3A_90 iter_args(%while3A_863 = %while3A_83) -> (i32)  : i32 {
      %get3A_864 = arith.constant 3 : index
      %get3A_865 = arith.index_cast %while3A_862 : i32 to index
      %get3A_866 = memref.load %arg2[%get3A_864, %get3A_865] : memref<32x512xi32, #tpu.memory_space<smem>>
      %rem3A = arith.constant 16384 : i32
      %rem3A_867 = arith.remsi %get3A_866, %rem3A : i32
      %div3A = arith.constant 16384 : i32
      %div3A_868 = arith.divsi %get3A_866, %div3A : i32
      %add3A = arith.constant 93744 : i32
      %add3A_869 = arith.addi %add3A, %div3A_868 : i32
      %dma_start3A = arith.constant 0 : i32
      %dma_start3A_870 = tpu.memref_slice %arg4[%add3A_869, %dma_start3A] : memref<1000000x32xf32, #tpu.memory_space<hbm>> -> memref<1x32xf32, #tpu.memory_space<hbm>>
      %dma_start3A_871 = arith.constant 0 : i32
      %dma_start3A_872 = tpu.memref_slice %arg1[%rem3A_867, %dma_start3A_871] : memref<16384x32xf32, #tpu.memory_space<hbm>> -> memref<1x32xf32, #tpu.memory_space<hbm>>
      tpu.enqueue_dma source(%dma_start3A_872 : memref<1x32xf32, #tpu.memory_space<hbm>>) target(%dma_start3A_870 : memref<1x32xf32, #tpu.memory_space<hbm>>) target_semaphore(%arg5 : memref<!tpu.dma_semaphore, #tpu.memory_space<semaphore_mem>>)
      %while3A_873 = arith.constant 0 : i32
      scf.yield %while3A_873 : i32
    }
    %while3A_92 = arith.constant 1 : i32
    %while3A_93 = scf.for %while3A_862 = %while3A_89 to %while3A_85 step %while3A_92 iter_args(%while3A_863 = %while3A_91) -> (i32)  : i32 {
      %get3A_864 = arith.constant 3 : index
      %get3A_865 = arith.index_cast %while3A_862 : i32 to index
      %get3A_866 = memref.load %arg2[%get3A_864, %get3A_865] : memref<32x512xi32, #tpu.memory_space<smem>>
      %rem3A = arith.constant 16384 : i32
      %rem3A_867 = arith.remsi %get3A_866, %rem3A : i32
      %div3A = arith.constant 16384 : i32
      %div3A_868 = arith.divsi %get3A_866, %div3A : i32
      %add3A = arith.constant 93744 : i32
      %add3A_869 = arith.addi %add3A, %div3A_868 : i32
      %dma_start3A = arith.constant 0 : i32
      %dma_start3A_870 = tpu.memref_slice %arg4[%add3A_869, %dma_start3A] : memref<1000000x32xf32, #tpu.memory_space<hbm>> -> memref<1x32xf32, #tpu.memory_space<hbm>>
      %dma_start3A_871 = arith.constant 0 : i32
      %dma_start3A_872 = tpu.memref_slice %arg1[%rem3A_867, %dma_start3A_871] : memref<16384x32xf32, #tpu.memory_space<hbm>> -> memref<1x32xf32, #tpu.memory_space<hbm>>
      tpu.enqueue_dma source(%dma_start3A_872 : memref<1x32xf32, #tpu.memory_space<hbm>>) target(%dma_start3A_870 : memref<1x32xf32, #tpu.memory_space<hbm>>) target_semaphore(%arg5 : memref<!tpu.dma_semaphore, #tpu.memory_space<semaphore_mem>>)
      %while3A_873 = arith.constant 0 : i32
      scf.yield %while3A_873 : i32
    }
    %while3A_94 = arith.constant 0 : i32
    %while3A_95 = arith.constant 0 : i32
    %while3A_96 = arith.subi %get3A_81, %while3A_94 : i32
    %while3A_97 = arith.addi %while3A_94, %while3A_96 : i32
    %while3A_98 = arith.constant 1 : i32
    %while3A_99 = arith.divsi %while3A_96, %while3A_98 : i32
    %while3A_100 = arith.muli %while3A_99, %while3A_98 : i32
    %while3A_101 = arith.addi %while3A_94, %while3A_100 : i32
    %while3A_102 = arith.constant 1 : i32
    %while3A_103 = scf.for %while3A_862 = %while3A_94 to %while3A_101 step %while3A_102 iter_args(%while3A_863 = %while3A_95) -> (i32)  : i32 {
      %get3A_864 = arith.constant 3 : index
      %get3A_865 = arith.index_cast %while3A_862 : i32 to index
      %get3A_866 = memref.load %arg2[%get3A_864, %get3A_865] : memref<32x512xi32, #tpu.memory_space<smem>>
      %rem3A = arith.constant 16384 : i32
      %rem3A_867 = arith.remsi %get3A_866, %rem3A : i32
      %div3A = arith.constant 16384 : i32
      %div3A_868 = arith.divsi %get3A_866, %div3A : i32
      %add3A = arith.constant 93744 : i32
      %add3A_869 = arith.addi %add3A, %div3A_868 : i32
      %dma_wait3A = arith.constant 0 : i32
      %dma_wait3A_870 = tpu.memref_slice %arg4[%add3A_869, %dma_wait3A] : memref<1000000x32xf32, #tpu.memory_space<hbm>> -> memref<1x32xf32, #tpu.memory_space<hbm>>
      %dma_wait3A_871 = arith.constant 0 : i32
      %dma_wait3A_872 = tpu.memref_slice %arg1[%rem3A_867, %dma_wait3A_871] : memref<16384x32xf32, #tpu.memory_space<hbm>> -> memref<1x32xf32, #tpu.memory_space<hbm>>
      tpu.wait_dma2 semaphore(%arg5 : memref<!tpu.dma_semaphore, #tpu.memory_space<semaphore_mem>>) src(%dma_wait3A_872 : memref<1x32xf32, #tpu.memory_space<hbm>>) dst(%dma_wait3A_870 : memref<1x32xf32, #tpu.memory_space<hbm>>)
      %while3A_873 = arith.constant 0 : i32
      scf.yield %while3A_873 : i32
    }
    %while3A_104 = arith.constant 1 : i32
    %while3A_105 = scf.for %while3A_862 = %while3A_101 to %while3A_97 step %while3A_104 iter_args(%while3A_863 = %while3A_103) -> (i32)  : i32 {
      %get3A_864 = arith.constant 3 : index
      %get3A_865 = arith.index_cast %while3A_862 : i32 to index
      %get3A_866 = memref.load %arg2[%get3A_864, %get3A_865] : memref<32x512xi32, #tpu.memory_space<smem>>
      %rem3A = arith.constant 16384 : i32
      %rem3A_867 = arith.remsi %get3A_866, %rem3A : i32
      %div3A = arith.constant 16384 : i32
      %div3A_868 = arith.divsi %get3A_866, %div3A : i32
      %add3A = arith.constant 93744 : i32
      %add3A_869 = arith.addi %add3A, %div3A_868 : i32
      %dma_wait3A = arith.constant 0 : i32
      %dma_wait3A_870 = tpu.memref_slice %arg4[%add3A_869, %dma_wait3A] : memref<1000000x32xf32, #tpu.memory_space<hbm>> -> memref<1x32xf32, #tpu.memory_space<hbm>>
      %dma_wait3A_871 = arith.constant 0 : i32
      %dma_wait3A_872 = tpu.memref_slice %arg1[%rem3A_867, %dma_wait3A_871] : memref<16384x32xf32, #tpu.memory_space<hbm>> -> memref<1x32xf32, #tpu.memory_space<hbm>>
      tpu.wait_dma2 semaphore(%arg5 : memref<!tpu.dma_semaphore, #tpu.memory_space<semaphore_mem>>) src(%dma_wait3A_872 : memref<1x32xf32, #tpu.memory_space<hbm>>) dst(%dma_wait3A_870 : memref<1x32xf32, #tpu.memory_space<hbm>>)
      %while3A_873 = arith.constant 0 : i32
      scf.yield %while3A_873 : i32
    }
    %get3A_106 = arith.constant 4 : index
    %get3A_107 = arith.constant 0 : index
    %get3A_108 = memref.load %arg3[%get3A_106, %get3A_107] : memref<32x16xi32, #tpu.memory_space<smem>>
    %while3A_109 = arith.constant 0 : i32
    %while3A_110 = arith.constant 0 : i32
    %while3A_111 = arith.subi %get3A_108, %while3A_109 : i32
    %while3A_112 = arith.addi %while3A_109, %while3A_111 : i32
    %while3A_113 = arith.constant 1 : i32
    %while3A_114 = arith.divsi %while3A_111, %while3A_113 : i32
    %while3A_115 = arith.muli %while3A_114, %while3A_113 : i32
    %while3A_116 = arith.addi %while3A_109, %while3A_115 : i32
    %while3A_117 = arith.constant 1 : i32
    %while3A_118 = scf.for %while3A_862 = %while3A_109 to %while3A_116 step %while3A_117 iter_args(%while3A_863 = %while3A_110) -> (i32)  : i32 {
      %get3A_864 = arith.constant 4 : index
      %get3A_865 = arith.index_cast %while3A_862 : i32 to index
      %get3A_866 = memref.load %arg2[%get3A_864, %get3A_865] : memref<32x512xi32, #tpu.memory_space<smem>>
      %rem3A = arith.constant 16384 : i32
      %rem3A_867 = arith.remsi %get3A_866, %rem3A : i32
      %div3A = arith.constant 16384 : i32
      %div3A_868 = arith.divsi %get3A_866, %div3A : i32
      %add3A = arith.constant 124992 : i32
      %add3A_869 = arith.addi %add3A, %div3A_868 : i32
      %dma_start3A = arith.constant 0 : i32
      %dma_start3A_870 = tpu.memref_slice %arg4[%add3A_869, %dma_start3A] : memref<1000000x32xf32, #tpu.memory_space<hbm>> -> memref<1x32xf32, #tpu.memory_space<hbm>>
      %dma_start3A_871 = arith.constant 0 : i32
      %dma_start3A_872 = tpu.memref_slice %arg1[%rem3A_867, %dma_start3A_871] : memref<16384x32xf32, #tpu.memory_space<hbm>> -> memref<1x32xf32, #tpu.memory_space<hbm>>
      tpu.enqueue_dma source(%dma_start3A_872 : memref<1x32xf32, #tpu.memory_space<hbm>>) target(%dma_start3A_870 : memref<1x32xf32, #tpu.memory_space<hbm>>) target_semaphore(%arg5 : memref<!tpu.dma_semaphore, #tpu.memory_space<semaphore_mem>>)
      %while3A_873 = arith.constant 0 : i32
      scf.yield %while3A_873 : i32
    }
    %while3A_119 = arith.constant 1 : i32
    %while3A_120 = scf.for %while3A_862 = %while3A_116 to %while3A_112 step %while3A_119 iter_args(%while3A_863 = %while3A_118) -> (i32)  : i32 {
      %get3A_864 = arith.constant 4 : index
      %get3A_865 = arith.index_cast %while3A_862 : i32 to index
      %get3A_866 = memref.load %arg2[%get3A_864, %get3A_865] : memref<32x512xi32, #tpu.memory_space<smem>>
      %rem3A = arith.constant 16384 : i32
      %rem3A_867 = arith.remsi %get3A_866, %rem3A : i32
      %div3A = arith.constant 16384 : i32
      %div3A_868 = arith.divsi %get3A_866, %div3A : i32
      %add3A = arith.constant 124992 : i32
      %add3A_869 = arith.addi %add3A, %div3A_868 : i32
      %dma_start3A = arith.constant 0 : i32
      %dma_start3A_870 = tpu.memref_slice %arg4[%add3A_869, %dma_start3A] : memref<1000000x32xf32, #tpu.memory_space<hbm>> -> memref<1x32xf32, #tpu.memory_space<hbm>>
      %dma_start3A_871 = arith.constant 0 : i32
      %dma_start3A_872 = tpu.memref_slice %arg1[%rem3A_867, %dma_start3A_871] : memref<16384x32xf32, #tpu.memory_space<hbm>> -> memref<1x32xf32, #tpu.memory_space<hbm>>
      tpu.enqueue_dma source(%dma_start3A_872 : memref<1x32xf32, #tpu.memory_space<hbm>>) target(%dma_start3A_870 : memref<1x32xf32, #tpu.memory_space<hbm>>) target_semaphore(%arg5 : memref<!tpu.dma_semaphore, #tpu.memory_space<semaphore_mem>>)
      %while3A_873 = arith.constant 0 : i32
      scf.yield %while3A_873 : i32
    }
    %while3A_121 = arith.constant 0 : i32
    %while3A_122 = arith.constant 0 : i32
    %while3A_123 = arith.subi %get3A_108, %while3A_121 : i32
    %while3A_124 = arith.addi %while3A_121, %while3A_123 : i32
    %while3A_125 = arith.constant 1 : i32
    %while3A_126 = arith.divsi %while3A_123, %while3A_125 : i32
    %while3A_127 = arith.muli %while3A_126, %while3A_125 : i32
    %while3A_128 = arith.addi %while3A_121, %while3A_127 : i32
    %while3A_129 = arith.constant 1 : i32
    %while3A_130 = scf.for %while3A_862 = %while3A_121 to %while3A_128 step %while3A_129 iter_args(%while3A_863 = %while3A_122) -> (i32)  : i32 {
      %get3A_864 = arith.constant 4 : index
      %get3A_865 = arith.index_cast %while3A_862 : i32 to index
      %get3A_866 = memref.load %arg2[%get3A_864, %get3A_865] : memref<32x512xi32, #tpu.memory_space<smem>>
      %rem3A = arith.constant 16384 : i32
      %rem3A_867 = arith.remsi %get3A_866, %rem3A : i32
      %div3A = arith.constant 16384 : i32
      %div3A_868 = arith.divsi %get3A_866, %div3A : i32
      %add3A = arith.constant 124992 : i32
      %add3A_869 = arith.addi %add3A, %div3A_868 : i32
      %dma_wait3A = arith.constant 0 : i32
      %dma_wait3A_870 = tpu.memref_slice %arg4[%add3A_869, %dma_wait3A] : memref<1000000x32xf32, #tpu.memory_space<hbm>> -> memref<1x32xf32, #tpu.memory_space<hbm>>
      %dma_wait3A_871 = arith.constant 0 : i32
      %dma_wait3A_872 = tpu.memref_slice %arg1[%rem3A_867, %dma_wait3A_871] : memref<16384x32xf32, #tpu.memory_space<hbm>> -> memref<1x32xf32, #tpu.memory_space<hbm>>
      tpu.wait_dma2 semaphore(%arg5 : memref<!tpu.dma_semaphore, #tpu.memory_space<semaphore_mem>>) src(%dma_wait3A_872 : memref<1x32xf32, #tpu.memory_space<hbm>>) dst(%dma_wait3A_870 : memref<1x32xf32, #tpu.memory_space<hbm>>)
      %while3A_873 = arith.constant 0 : i32
      scf.yield %while3A_873 : i32
    }
    %while3A_131 = arith.constant 1 : i32
    %while3A_132 = scf.for %while3A_862 = %while3A_128 to %while3A_124 step %while3A_131 iter_args(%while3A_863 = %while3A_130) -> (i32)  : i32 {
      %get3A_864 = arith.constant 4 : index
      %get3A_865 = arith.index_cast %while3A_862 : i32 to index
      %get3A_866 = memref.load %arg2[%get3A_864, %get3A_865] : memref<32x512xi32, #tpu.memory_space<smem>>
      %rem3A = arith.constant 16384 : i32
      %rem3A_867 = arith.remsi %get3A_866, %rem3A : i32
      %div3A = arith.constant 16384 : i32
      %div3A_868 = arith.divsi %get3A_866, %div3A : i32
      %add3A = arith.constant 124992 : i32
      %add3A_869 = arith.addi %add3A, %div3A_868 : i32
      %dma_wait3A = arith.constant 0 : i32
      %dma_wait3A_870 = tpu.memref_slice %arg4[%add3A_869, %dma_wait3A] : memref<1000000x32xf32, #tpu.memory_space<hbm>> -> memref<1x32xf32, #tpu.memory_space<hbm>>
      %dma_wait3A_871 = arith.constant 0 : i32
      %dma_wait3A_872 = tpu.memref_slice %arg1[%rem3A_867, %dma_wait3A_871] : memref<16384x32xf32, #tpu.memory_space<hbm>> -> memref<1x32xf32, #tpu.memory_space<hbm>>
      tpu.wait_dma2 semaphore(%arg5 : memref<!tpu.dma_semaphore, #tpu.memory_space<semaphore_mem>>) src(%dma_wait3A_872 : memref<1x32xf32, #tpu.memory_space<hbm>>) dst(%dma_wait3A_870 : memref<1x32xf32, #tpu.memory_space<hbm>>)
      %while3A_873 = arith.constant 0 : i32
      scf.yield %while3A_873 : i32
    }
    %get3A_133 = arith.constant 5 : index
    %get3A_134 = arith.constant 0 : index
    %get3A_135 = memref.load %arg3[%get3A_133, %get3A_134] : memref<32x16xi32, #tpu.memory_space<smem>>
    %while3A_136 = arith.constant 0 : i32
    %while3A_137 = arith.constant 0 : i32
    %while3A_138 = arith.subi %get3A_135, %while3A_136 : i32
    %while3A_139 = arith.addi %while3A_136, %while3A_138 : i32
    %while3A_140 = arith.constant 1 : i32
    %while3A_141 = arith.divsi %while3A_138, %while3A_140 : i32
    %while3A_142 = arith.muli %while3A_141, %while3A_140 : i32
    %while3A_143 = arith.addi %while3A_136, %while3A_142 : i32
    %while3A_144 = arith.constant 1 : i32
    %while3A_145 = scf.for %while3A_862 = %while3A_136 to %while3A_143 step %while3A_144 iter_args(%while3A_863 = %while3A_137) -> (i32)  : i32 {
      %get3A_864 = arith.constant 5 : index
      %get3A_865 = arith.index_cast %while3A_862 : i32 to index
      %get3A_866 = memref.load %arg2[%get3A_864, %get3A_865] : memref<32x512xi32, #tpu.memory_space<smem>>
      %rem3A = arith.constant 16384 : i32
      %rem3A_867 = arith.remsi %get3A_866, %rem3A : i32
      %div3A = arith.constant 16384 : i32
      %div3A_868 = arith.divsi %get3A_866, %div3A : i32
      %add3A = arith.constant 156240 : i32
      %add3A_869 = arith.addi %add3A, %div3A_868 : i32
      %dma_start3A = arith.constant 0 : i32
      %dma_start3A_870 = tpu.memref_slice %arg4[%add3A_869, %dma_start3A] : memref<1000000x32xf32, #tpu.memory_space<hbm>> -> memref<1x32xf32, #tpu.memory_space<hbm>>
      %dma_start3A_871 = arith.constant 0 : i32
      %dma_start3A_872 = tpu.memref_slice %arg1[%rem3A_867, %dma_start3A_871] : memref<16384x32xf32, #tpu.memory_space<hbm>> -> memref<1x32xf32, #tpu.memory_space<hbm>>
      tpu.enqueue_dma source(%dma_start3A_872 : memref<1x32xf32, #tpu.memory_space<hbm>>) target(%dma_start3A_870 : memref<1x32xf32, #tpu.memory_space<hbm>>) target_semaphore(%arg5 : memref<!tpu.dma_semaphore, #tpu.memory_space<semaphore_mem>>)
      %while3A_873 = arith.constant 0 : i32
      scf.yield %while3A_873 : i32
    }
    %while3A_146 = arith.constant 1 : i32
    %while3A_147 = scf.for %while3A_862 = %while3A_143 to %while3A_139 step %while3A_146 iter_args(%while3A_863 = %while3A_145) -> (i32)  : i32 {
      %get3A_864 = arith.constant 5 : index
      %get3A_865 = arith.index_cast %while3A_862 : i32 to index
      %get3A_866 = memref.load %arg2[%get3A_864, %get3A_865] : memref<32x512xi32, #tpu.memory_space<smem>>
      %rem3A = arith.constant 16384 : i32
      %rem3A_867 = arith.remsi %get3A_866, %rem3A : i32
      %div3A = arith.constant 16384 : i32
      %div3A_868 = arith.divsi %get3A_866, %div3A : i32
      %add3A = arith.constant 156240 : i32
      %add3A_869 = arith.addi %add3A, %div3A_868 : i32
      %dma_start3A = arith.constant 0 : i32
      %dma_start3A_870 = tpu.memref_slice %arg4[%add3A_869, %dma_start3A] : memref<1000000x32xf32, #tpu.memory_space<hbm>> -> memref<1x32xf32, #tpu.memory_space<hbm>>
      %dma_start3A_871 = arith.constant 0 : i32
      %dma_start3A_872 = tpu.memref_slice %arg1[%rem3A_867, %dma_start3A_871] : memref<16384x32xf32, #tpu.memory_space<hbm>> -> memref<1x32xf32, #tpu.memory_space<hbm>>
      tpu.enqueue_dma source(%dma_start3A_872 : memref<1x32xf32, #tpu.memory_space<hbm>>) target(%dma_start3A_870 : memref<1x32xf32, #tpu.memory_space<hbm>>) target_semaphore(%arg5 : memref<!tpu.dma_semaphore, #tpu.memory_space<semaphore_mem>>)
      %while3A_873 = arith.constant 0 : i32
      scf.yield %while3A_873 : i32
    }
    %while3A_148 = arith.constant 0 : i32
    %while3A_149 = arith.constant 0 : i32
    %while3A_150 = arith.subi %get3A_135, %while3A_148 : i32
    %while3A_151 = arith.addi %while3A_148, %while3A_150 : i32
    %while3A_152 = arith.constant 1 : i32
    %while3A_153 = arith.divsi %while3A_150, %while3A_152 : i32
    %while3A_154 = arith.muli %while3A_153, %while3A_152 : i32
    %while3A_155 = arith.addi %while3A_148, %while3A_154 : i32
    %while3A_156 = arith.constant 1 : i32
    %while3A_157 = scf.for %while3A_862 = %while3A_148 to %while3A_155 step %while3A_156 iter_args(%while3A_863 = %while3A_149) -> (i32)  : i32 {
      %get3A_864 = arith.constant 5 : index
      %get3A_865 = arith.index_cast %while3A_862 : i32 to index
      %get3A_866 = memref.load %arg2[%get3A_864, %get3A_865] : memref<32x512xi32, #tpu.memory_space<smem>>
      %rem3A = arith.constant 16384 : i32
      %rem3A_867 = arith.remsi %get3A_866, %rem3A : i32
      %div3A = arith.constant 16384 : i32
      %div3A_868 = arith.divsi %get3A_866, %div3A : i32
      %add3A = arith.constant 156240 : i32
      %add3A_869 = arith.addi %add3A, %div3A_868 : i32
      %dma_wait3A = arith.constant 0 : i32
      %dma_wait3A_870 = tpu.memref_slice %arg4[%add3A_869, %dma_wait3A] : memref<1000000x32xf32, #tpu.memory_space<hbm>> -> memref<1x32xf32, #tpu.memory_space<hbm>>
      %dma_wait3A_871 = arith.constant 0 : i32
      %dma_wait3A_872 = tpu.memref_slice %arg1[%rem3A_867, %dma_wait3A_871] : memref<16384x32xf32, #tpu.memory_space<hbm>> -> memref<1x32xf32, #tpu.memory_space<hbm>>
      tpu.wait_dma2 semaphore(%arg5 : memref<!tpu.dma_semaphore, #tpu.memory_space<semaphore_mem>>) src(%dma_wait3A_872 : memref<1x32xf32, #tpu.memory_space<hbm>>) dst(%dma_wait3A_870 : memref<1x32xf32, #tpu.memory_space<hbm>>)
      %while3A_873 = arith.constant 0 : i32
      scf.yield %while3A_873 : i32
    }
    %while3A_158 = arith.constant 1 : i32
    %while3A_159 = scf.for %while3A_862 = %while3A_155 to %while3A_151 step %while3A_158 iter_args(%while3A_863 = %while3A_157) -> (i32)  : i32 {
      %get3A_864 = arith.constant 5 : index
      %get3A_865 = arith.index_cast %while3A_862 : i32 to index
      %get3A_866 = memref.load %arg2[%get3A_864, %get3A_865] : memref<32x512xi32, #tpu.memory_space<smem>>
      %rem3A = arith.constant 16384 : i32
      %rem3A_867 = arith.remsi %get3A_866, %rem3A : i32
      %div3A = arith.constant 16384 : i32
      %div3A_868 = arith.divsi %get3A_866, %div3A : i32
      %add3A = arith.constant 156240 : i32
      %add3A_869 = arith.addi %add3A, %div3A_868 : i32
      %dma_wait3A = arith.constant 0 : i32
      %dma_wait3A_870 = tpu.memref_slice %arg4[%add3A_869, %dma_wait3A] : memref<1000000x32xf32, #tpu.memory_space<hbm>> -> memref<1x32xf32, #tpu.memory_space<hbm>>
      %dma_wait3A_871 = arith.constant 0 : i32
      %dma_wait3A_872 = tpu.memref_slice %arg1[%rem3A_867, %dma_wait3A_871] : memref<16384x32xf32, #tpu.memory_space<hbm>> -> memref<1x32xf32, #tpu.memory_space<hbm>>
      tpu.wait_dma2 semaphore(%arg5 : memref<!tpu.dma_semaphore, #tpu.memory_space<semaphore_mem>>) src(%dma_wait3A_872 : memref<1x32xf32, #tpu.memory_space<hbm>>) dst(%dma_wait3A_870 : memref<1x32xf32, #tpu.memory_space<hbm>>)
      %while3A_873 = arith.constant 0 : i32
      scf.yield %while3A_873 : i32
    }
    %get3A_160 = arith.constant 6 : index
    %get3A_161 = arith.constant 0 : index
    %get3A_162 = memref.load %arg3[%get3A_160, %get3A_161] : memref<32x16xi32, #tpu.memory_space<smem>>
    %while3A_163 = arith.constant 0 : i32
    %while3A_164 = arith.constant 0 : i32
    %while3A_165 = arith.subi %get3A_162, %while3A_163 : i32
    %while3A_166 = arith.addi %while3A_163, %while3A_165 : i32
    %while3A_167 = arith.constant 1 : i32
    %while3A_168 = arith.divsi %while3A_165, %while3A_167 : i32
    %while3A_169 = arith.muli %while3A_168, %while3A_167 : i32
    %while3A_170 = arith.addi %while3A_163, %while3A_169 : i32
    %while3A_171 = arith.constant 1 : i32
    %while3A_172 = scf.for %while3A_862 = %while3A_163 to %while3A_170 step %while3A_171 iter_args(%while3A_863 = %while3A_164) -> (i32)  : i32 {
      %get3A_864 = arith.constant 6 : index
      %get3A_865 = arith.index_cast %while3A_862 : i32 to index
      %get3A_866 = memref.load %arg2[%get3A_864, %get3A_865] : memref<32x512xi32, #tpu.memory_space<smem>>
      %rem3A = arith.constant 16384 : i32
      %rem3A_867 = arith.remsi %get3A_866, %rem3A : i32
      %div3A = arith.constant 16384 : i32
      %div3A_868 = arith.divsi %get3A_866, %div3A : i32
      %add3A = arith.constant 187488 : i32
      %add3A_869 = arith.addi %add3A, %div3A_868 : i32
      %dma_start3A = arith.constant 0 : i32
      %dma_start3A_870 = tpu.memref_slice %arg4[%add3A_869, %dma_start3A] : memref<1000000x32xf32, #tpu.memory_space<hbm>> -> memref<1x32xf32, #tpu.memory_space<hbm>>
      %dma_start3A_871 = arith.constant 0 : i32
      %dma_start3A_872 = tpu.memref_slice %arg1[%rem3A_867, %dma_start3A_871] : memref<16384x32xf32, #tpu.memory_space<hbm>> -> memref<1x32xf32, #tpu.memory_space<hbm>>
      tpu.enqueue_dma source(%dma_start3A_872 : memref<1x32xf32, #tpu.memory_space<hbm>>) target(%dma_start3A_870 : memref<1x32xf32, #tpu.memory_space<hbm>>) target_semaphore(%arg5 : memref<!tpu.dma_semaphore, #tpu.memory_space<semaphore_mem>>)
      %while3A_873 = arith.constant 0 : i32
      scf.yield %while3A_873 : i32
    }
    %while3A_173 = arith.constant 1 : i32
    %while3A_174 = scf.for %while3A_862 = %while3A_170 to %while3A_166 step %while3A_173 iter_args(%while3A_863 = %while3A_172) -> (i32)  : i32 {
      %get3A_864 = arith.constant 6 : index
      %get3A_865 = arith.index_cast %while3A_862 : i32 to index
      %get3A_866 = memref.load %arg2[%get3A_864, %get3A_865] : memref<32x512xi32, #tpu.memory_space<smem>>
      %rem3A = arith.constant 16384 : i32
      %rem3A_867 = arith.remsi %get3A_866, %rem3A : i32
      %div3A = arith.constant 16384 : i32
      %div3A_868 = arith.divsi %get3A_866, %div3A : i32
      %add3A = arith.constant 187488 : i32
      %add3A_869 = arith.addi %add3A, %div3A_868 : i32
      %dma_start3A = arith.constant 0 : i32
      %dma_start3A_870 = tpu.memref_slice %arg4[%add3A_869, %dma_start3A] : memref<1000000x32xf32, #tpu.memory_space<hbm>> -> memref<1x32xf32, #tpu.memory_space<hbm>>
      %dma_start3A_871 = arith.constant 0 : i32
      %dma_start3A_872 = tpu.memref_slice %arg1[%rem3A_867, %dma_start3A_871] : memref<16384x32xf32, #tpu.memory_space<hbm>> -> memref<1x32xf32, #tpu.memory_space<hbm>>
      tpu.enqueue_dma source(%dma_start3A_872 : memref<1x32xf32, #tpu.memory_space<hbm>>) target(%dma_start3A_870 : memref<1x32xf32, #tpu.memory_space<hbm>>) target_semaphore(%arg5 : memref<!tpu.dma_semaphore, #tpu.memory_space<semaphore_mem>>)
      %while3A_873 = arith.constant 0 : i32
      scf.yield %while3A_873 : i32
    }
    %while3A_175 = arith.constant 0 : i32
    %while3A_176 = arith.constant 0 : i32
    %while3A_177 = arith.subi %get3A_162, %while3A_175 : i32
    %while3A_178 = arith.addi %while3A_175, %while3A_177 : i32
    %while3A_179 = arith.constant 1 : i32
    %while3A_180 = arith.divsi %while3A_177, %while3A_179 : i32
    %while3A_181 = arith.muli %while3A_180, %while3A_179 : i32
    %while3A_182 = arith.addi %while3A_175, %while3A_181 : i32
    %while3A_183 = arith.constant 1 : i32
    %while3A_184 = scf.for %while3A_862 = %while3A_175 to %while3A_182 step %while3A_183 iter_args(%while3A_863 = %while3A_176) -> (i32)  : i32 {
      %get3A_864 = arith.constant 6 : index
      %get3A_865 = arith.index_cast %while3A_862 : i32 to index
      %get3A_866 = memref.load %arg2[%get3A_864, %get3A_865] : memref<32x512xi32, #tpu.memory_space<smem>>
      %rem3A = arith.constant 16384 : i32
      %rem3A_867 = arith.remsi %get3A_866, %rem3A : i32
      %div3A = arith.constant 16384 : i32
      %div3A_868 = arith.divsi %get3A_866, %div3A : i32
      %add3A = arith.constant 187488 : i32
      %add3A_869 = arith.addi %add3A, %div3A_868 : i32
      %dma_wait3A = arith.constant 0 : i32
      %dma_wait3A_870 = tpu.memref_slice %arg4[%add3A_869, %dma_wait3A] : memref<1000000x32xf32, #tpu.memory_space<hbm>> -> memref<1x32xf32, #tpu.memory_space<hbm>>
      %dma_wait3A_871 = arith.constant 0 : i32
      %dma_wait3A_872 = tpu.memref_slice %arg1[%rem3A_867, %dma_wait3A_871] : memref<16384x32xf32, #tpu.memory_space<hbm>> -> memref<1x32xf32, #tpu.memory_space<hbm>>
      tpu.wait_dma2 semaphore(%arg5 : memref<!tpu.dma_semaphore, #tpu.memory_space<semaphore_mem>>) src(%dma_wait3A_872 : memref<1x32xf32, #tpu.memory_space<hbm>>) dst(%dma_wait3A_870 : memref<1x32xf32, #tpu.memory_space<hbm>>)
      %while3A_873 = arith.constant 0 : i32
      scf.yield %while3A_873 : i32
    }
    %while3A_185 = arith.constant 1 : i32
    %while3A_186 = scf.for %while3A_862 = %while3A_182 to %while3A_178 step %while3A_185 iter_args(%while3A_863 = %while3A_184) -> (i32)  : i32 {
      %get3A_864 = arith.constant 6 : index
      %get3A_865 = arith.index_cast %while3A_862 : i32 to index
      %get3A_866 = memref.load %arg2[%get3A_864, %get3A_865] : memref<32x512xi32, #tpu.memory_space<smem>>
      %rem3A = arith.constant 16384 : i32
      %rem3A_867 = arith.remsi %get3A_866, %rem3A : i32
      %div3A = arith.constant 16384 : i32
      %div3A_868 = arith.divsi %get3A_866, %div3A : i32
      %add3A = arith.constant 187488 : i32
      %add3A_869 = arith.addi %add3A, %div3A_868 : i32
      %dma_wait3A = arith.constant 0 : i32
      %dma_wait3A_870 = tpu.memref_slice %arg4[%add3A_869, %dma_wait3A] : memref<1000000x32xf32, #tpu.memory_space<hbm>> -> memref<1x32xf32, #tpu.memory_space<hbm>>
      %dma_wait3A_871 = arith.constant 0 : i32
      %dma_wait3A_872 = tpu.memref_slice %arg1[%rem3A_867, %dma_wait3A_871] : memref<16384x32xf32, #tpu.memory_space<hbm>> -> memref<1x32xf32, #tpu.memory_space<hbm>>
      tpu.wait_dma2 semaphore(%arg5 : memref<!tpu.dma_semaphore, #tpu.memory_space<semaphore_mem>>) src(%dma_wait3A_872 : memref<1x32xf32, #tpu.memory_space<hbm>>) dst(%dma_wait3A_870 : memref<1x32xf32, #tpu.memory_space<hbm>>)
      %while3A_873 = arith.constant 0 : i32
      scf.yield %while3A_873 : i32
    }
    %get3A_187 = arith.constant 7 : index
    %get3A_188 = arith.constant 0 : index
    %get3A_189 = memref.load %arg3[%get3A_187, %get3A_188] : memref<32x16xi32, #tpu.memory_space<smem>>
    %while3A_190 = arith.constant 0 : i32
    %while3A_191 = arith.constant 0 : i32
    %while3A_192 = arith.subi %get3A_189, %while3A_190 : i32
    %while3A_193 = arith.addi %while3A_190, %while3A_192 : i32
    %while3A_194 = arith.constant 1 : i32
    %while3A_195 = arith.divsi %while3A_192, %while3A_194 : i32
    %while3A_196 = arith.muli %while3A_195, %while3A_194 : i32
    %while3A_197 = arith.addi %while3A_190, %while3A_196 : i32
    %while3A_198 = arith.constant 1 : i32
    %while3A_199 = scf.for %while3A_862 = %while3A_190 to %while3A_197 step %while3A_198 iter_args(%while3A_863 = %while3A_191) -> (i32)  : i32 {
      %get3A_864 = arith.constant 7 : index
      %get3A_865 = arith.index_cast %while3A_862 : i32 to index
      %get3A_866 = memref.load %arg2[%get3A_864, %get3A_865] : memref<32x512xi32, #tpu.memory_space<smem>>
      %rem3A = arith.constant 16384 : i32
      %rem3A_867 = arith.remsi %get3A_866, %rem3A : i32
      %div3A = arith.constant 16384 : i32
      %div3A_868 = arith.divsi %get3A_866, %div3A : i32
      %add3A = arith.constant 218736 : i32
      %add3A_869 = arith.addi %add3A, %div3A_868 : i32
      %dma_start3A = arith.constant 0 : i32
      %dma_start3A_870 = tpu.memref_slice %arg4[%add3A_869, %dma_start3A] : memref<1000000x32xf32, #tpu.memory_space<hbm>> -> memref<1x32xf32, #tpu.memory_space<hbm>>
      %dma_start3A_871 = arith.constant 0 : i32
      %dma_start3A_872 = tpu.memref_slice %arg1[%rem3A_867, %dma_start3A_871] : memref<16384x32xf32, #tpu.memory_space<hbm>> -> memref<1x32xf32, #tpu.memory_space<hbm>>
      tpu.enqueue_dma source(%dma_start3A_872 : memref<1x32xf32, #tpu.memory_space<hbm>>) target(%dma_start3A_870 : memref<1x32xf32, #tpu.memory_space<hbm>>) target_semaphore(%arg5 : memref<!tpu.dma_semaphore, #tpu.memory_space<semaphore_mem>>)
      %while3A_873 = arith.constant 0 : i32
      scf.yield %while3A_873 : i32
    }
    %while3A_200 = arith.constant 1 : i32
    %while3A_201 = scf.for %while3A_862 = %while3A_197 to %while3A_193 step %while3A_200 iter_args(%while3A_863 = %while3A_199) -> (i32)  : i32 {
      %get3A_864 = arith.constant 7 : index
      %get3A_865 = arith.index_cast %while3A_862 : i32 to index
      %get3A_866 = memref.load %arg2[%get3A_864, %get3A_865] : memref<32x512xi32, #tpu.memory_space<smem>>
      %rem3A = arith.constant 16384 : i32
      %rem3A_867 = arith.remsi %get3A_866, %rem3A : i32
      %div3A = arith.constant 16384 : i32
      %div3A_868 = arith.divsi %get3A_866, %div3A : i32
      %add3A = arith.constant 218736 : i32
      %add3A_869 = arith.addi %add3A, %div3A_868 : i32
      %dma_start3A = arith.constant 0 : i32
      %dma_start3A_870 = tpu.memref_slice %arg4[%add3A_869, %dma_start3A] : memref<1000000x32xf32, #tpu.memory_space<hbm>> -> memref<1x32xf32, #tpu.memory_space<hbm>>
      %dma_start3A_871 = arith.constant 0 : i32
      %dma_start3A_872 = tpu.memref_slice %arg1[%rem3A_867, %dma_start3A_871] : memref<16384x32xf32, #tpu.memory_space<hbm>> -> memref<1x32xf32, #tpu.memory_space<hbm>>
      tpu.enqueue_dma source(%dma_start3A_872 : memref<1x32xf32, #tpu.memory_space<hbm>>) target(%dma_start3A_870 : memref<1x32xf32, #tpu.memory_space<hbm>>) target_semaphore(%arg5 : memref<!tpu.dma_semaphore, #tpu.memory_space<semaphore_mem>>)
      %while3A_873 = arith.constant 0 : i32
      scf.yield %while3A_873 : i32
    }
    %while3A_202 = arith.constant 0 : i32
    %while3A_203 = arith.constant 0 : i32
    %while3A_204 = arith.subi %get3A_189, %while3A_202 : i32
    %while3A_205 = arith.addi %while3A_202, %while3A_204 : i32
    %while3A_206 = arith.constant 1 : i32
    %while3A_207 = arith.divsi %while3A_204, %while3A_206 : i32
    %while3A_208 = arith.muli %while3A_207, %while3A_206 : i32
    %while3A_209 = arith.addi %while3A_202, %while3A_208 : i32
    %while3A_210 = arith.constant 1 : i32
    %while3A_211 = scf.for %while3A_862 = %while3A_202 to %while3A_209 step %while3A_210 iter_args(%while3A_863 = %while3A_203) -> (i32)  : i32 {
      %get3A_864 = arith.constant 7 : index
      %get3A_865 = arith.index_cast %while3A_862 : i32 to index
      %get3A_866 = memref.load %arg2[%get3A_864, %get3A_865] : memref<32x512xi32, #tpu.memory_space<smem>>
      %rem3A = arith.constant 16384 : i32
      %rem3A_867 = arith.remsi %get3A_866, %rem3A : i32
      %div3A = arith.constant 16384 : i32
      %div3A_868 = arith.divsi %get3A_866, %div3A : i32
      %add3A = arith.constant 218736 : i32
      %add3A_869 = arith.addi %add3A, %div3A_868 : i32
      %dma_wait3A = arith.constant 0 : i32
      %dma_wait3A_870 = tpu.memref_slice %arg4[%add3A_869, %dma_wait3A] : memref<1000000x32xf32, #tpu.memory_space<hbm>> -> memref<1x32xf32, #tpu.memory_space<hbm>>
      %dma_wait3A_871 = arith.constant 0 : i32
      %dma_wait3A_872 = tpu.memref_slice %arg1[%rem3A_867, %dma_wait3A_871] : memref<16384x32xf32, #tpu.memory_space<hbm>> -> memref<1x32xf32, #tpu.memory_space<hbm>>
      tpu.wait_dma2 semaphore(%arg5 : memref<!tpu.dma_semaphore, #tpu.memory_space<semaphore_mem>>) src(%dma_wait3A_872 : memref<1x32xf32, #tpu.memory_space<hbm>>) dst(%dma_wait3A_870 : memref<1x32xf32, #tpu.memory_space<hbm>>)
      %while3A_873 = arith.constant 0 : i32
      scf.yield %while3A_873 : i32
    }
    %while3A_212 = arith.constant 1 : i32
    %while3A_213 = scf.for %while3A_862 = %while3A_209 to %while3A_205 step %while3A_212 iter_args(%while3A_863 = %while3A_211) -> (i32)  : i32 {
      %get3A_864 = arith.constant 7 : index
      %get3A_865 = arith.index_cast %while3A_862 : i32 to index
      %get3A_866 = memref.load %arg2[%get3A_864, %get3A_865] : memref<32x512xi32, #tpu.memory_space<smem>>
      %rem3A = arith.constant 16384 : i32
      %rem3A_867 = arith.remsi %get3A_866, %rem3A : i32
      %div3A = arith.constant 16384 : i32
      %div3A_868 = arith.divsi %get3A_866, %div3A : i32
      %add3A = arith.constant 218736 : i32
      %add3A_869 = arith.addi %add3A, %div3A_868 : i32
      %dma_wait3A = arith.constant 0 : i32
      %dma_wait3A_870 = tpu.memref_slice %arg4[%add3A_869, %dma_wait3A] : memref<1000000x32xf32, #tpu.memory_space<hbm>> -> memref<1x32xf32, #tpu.memory_space<hbm>>
      %dma_wait3A_871 = arith.constant 0 : i32
      %dma_wait3A_872 = tpu.memref_slice %arg1[%rem3A_867, %dma_wait3A_871] : memref<16384x32xf32, #tpu.memory_space<hbm>> -> memref<1x32xf32, #tpu.memory_space<hbm>>
      tpu.wait_dma2 semaphore(%arg5 : memref<!tpu.dma_semaphore, #tpu.memory_space<semaphore_mem>>) src(%dma_wait3A_872 : memref<1x32xf32, #tpu.memory_space<hbm>>) dst(%dma_wait3A_870 : memref<1x32xf32, #tpu.memory_space<hbm>>)
      %while3A_873 = arith.constant 0 : i32
      scf.yield %while3A_873 : i32
    }
    %get3A_214 = arith.constant 8 : index
    %get3A_215 = arith.constant 0 : index
    %get3A_216 = memref.load %arg3[%get3A_214, %get3A_215] : memref<32x16xi32, #tpu.memory_space<smem>>
    %while3A_217 = arith.constant 0 : i32
    %while3A_218 = arith.constant 0 : i32
    %while3A_219 = arith.subi %get3A_216, %while3A_217 : i32
    %while3A_220 = arith.addi %while3A_217, %while3A_219 : i32
    %while3A_221 = arith.constant 1 : i32
    %while3A_222 = arith.divsi %while3A_219, %while3A_221 : i32
    %while3A_223 = arith.muli %while3A_222, %while3A_221 : i32
    %while3A_224 = arith.addi %while3A_217, %while3A_223 : i32
    %while3A_225 = arith.constant 1 : i32
    %while3A_226 = scf.for %while3A_862 = %while3A_217 to %while3A_224 step %while3A_225 iter_args(%while3A_863 = %while3A_218) -> (i32)  : i32 {
      %get3A_864 = arith.constant 8 : index
      %get3A_865 = arith.index_cast %while3A_862 : i32 to index
      %get3A_866 = memref.load %arg2[%get3A_864, %get3A_865] : memref<32x512xi32, #tpu.memory_space<smem>>
      %rem3A = arith.constant 16384 : i32
      %rem3A_867 = arith.remsi %get3A_866, %rem3A : i32
      %div3A = arith.constant 16384 : i32
      %div3A_868 = arith.divsi %get3A_866, %div3A : i32
      %add3A = arith.constant 249984 : i32
      %add3A_869 = arith.addi %add3A, %div3A_868 : i32
      %dma_start3A = arith.constant 0 : i32
      %dma_start3A_870 = tpu.memref_slice %arg4[%add3A_869, %dma_start3A] : memref<1000000x32xf32, #tpu.memory_space<hbm>> -> memref<1x32xf32, #tpu.memory_space<hbm>>
      %dma_start3A_871 = arith.constant 0 : i32
      %dma_start3A_872 = tpu.memref_slice %arg1[%rem3A_867, %dma_start3A_871] : memref<16384x32xf32, #tpu.memory_space<hbm>> -> memref<1x32xf32, #tpu.memory_space<hbm>>
      tpu.enqueue_dma source(%dma_start3A_872 : memref<1x32xf32, #tpu.memory_space<hbm>>) target(%dma_start3A_870 : memref<1x32xf32, #tpu.memory_space<hbm>>) target_semaphore(%arg5 : memref<!tpu.dma_semaphore, #tpu.memory_space<semaphore_mem>>)
      %while3A_873 = arith.constant 0 : i32
      scf.yield %while3A_873 : i32
    }
    %while3A_227 = arith.constant 1 : i32
    %while3A_228 = scf.for %while3A_862 = %while3A_224 to %while3A_220 step %while3A_227 iter_args(%while3A_863 = %while3A_226) -> (i32)  : i32 {
      %get3A_864 = arith.constant 8 : index
      %get3A_865 = arith.index_cast %while3A_862 : i32 to index
      %get3A_866 = memref.load %arg2[%get3A_864, %get3A_865] : memref<32x512xi32, #tpu.memory_space<smem>>
      %rem3A = arith.constant 16384 : i32
      %rem3A_867 = arith.remsi %get3A_866, %rem3A : i32
      %div3A = arith.constant 16384 : i32
      %div3A_868 = arith.divsi %get3A_866, %div3A : i32
      %add3A = arith.constant 249984 : i32
      %add3A_869 = arith.addi %add3A, %div3A_868 : i32
      %dma_start3A = arith.constant 0 : i32
      %dma_start3A_870 = tpu.memref_slice %arg4[%add3A_869, %dma_start3A] : memref<1000000x32xf32, #tpu.memory_space<hbm>> -> memref<1x32xf32, #tpu.memory_space<hbm>>
      %dma_start3A_871 = arith.constant 0 : i32
      %dma_start3A_872 = tpu.memref_slice %arg1[%rem3A_867, %dma_start3A_871] : memref<16384x32xf32, #tpu.memory_space<hbm>> -> memref<1x32xf32, #tpu.memory_space<hbm>>
      tpu.enqueue_dma source(%dma_start3A_872 : memref<1x32xf32, #tpu.memory_space<hbm>>) target(%dma_start3A_870 : memref<1x32xf32, #tpu.memory_space<hbm>>) target_semaphore(%arg5 : memref<!tpu.dma_semaphore, #tpu.memory_space<semaphore_mem>>)
      %while3A_873 = arith.constant 0 : i32
      scf.yield %while3A_873 : i32
    }
    %while3A_229 = arith.constant 0 : i32
    %while3A_230 = arith.constant 0 : i32
    %while3A_231 = arith.subi %get3A_216, %while3A_229 : i32
    %while3A_232 = arith.addi %while3A_229, %while3A_231 : i32
    %while3A_233 = arith.constant 1 : i32
    %while3A_234 = arith.divsi %while3A_231, %while3A_233 : i32
    %while3A_235 = arith.muli %while3A_234, %while3A_233 : i32
    %while3A_236 = arith.addi %while3A_229, %while3A_235 : i32
    %while3A_237 = arith.constant 1 : i32
    %while3A_238 = scf.for %while3A_862 = %while3A_229 to %while3A_236 step %while3A_237 iter_args(%while3A_863 = %while3A_230) -> (i32)  : i32 {
      %get3A_864 = arith.constant 8 : index
      %get3A_865 = arith.index_cast %while3A_862 : i32 to index
      %get3A_866 = memref.load %arg2[%get3A_864, %get3A_865] : memref<32x512xi32, #tpu.memory_space<smem>>
      %rem3A = arith.constant 16384 : i32
      %rem3A_867 = arith.remsi %get3A_866, %rem3A : i32
      %div3A = arith.constant 16384 : i32
      %div3A_868 = arith.divsi %get3A_866, %div3A : i32
      %add3A = arith.constant 249984 : i32
      %add3A_869 = arith.addi %add3A, %div3A_868 : i32
      %dma_wait3A = arith.constant 0 : i32
      %dma_wait3A_870 = tpu.memref_slice %arg4[%add3A_869, %dma_wait3A] : memref<1000000x32xf32, #tpu.memory_space<hbm>> -> memref<1x32xf32, #tpu.memory_space<hbm>>
      %dma_wait3A_871 = arith.constant 0 : i32
      %dma_wait3A_872 = tpu.memref_slice %arg1[%rem3A_867, %dma_wait3A_871] : memref<16384x32xf32, #tpu.memory_space<hbm>> -> memref<1x32xf32, #tpu.memory_space<hbm>>
      tpu.wait_dma2 semaphore(%arg5 : memref<!tpu.dma_semaphore, #tpu.memory_space<semaphore_mem>>) src(%dma_wait3A_872 : memref<1x32xf32, #tpu.memory_space<hbm>>) dst(%dma_wait3A_870 : memref<1x32xf32, #tpu.memory_space<hbm>>)
      %while3A_873 = arith.constant 0 : i32
      scf.yield %while3A_873 : i32
    }
    %while3A_239 = arith.constant 1 : i32
    %while3A_240 = scf.for %while3A_862 = %while3A_236 to %while3A_232 step %while3A_239 iter_args(%while3A_863 = %while3A_238) -> (i32)  : i32 {
      %get3A_864 = arith.constant 8 : index
      %get3A_865 = arith.index_cast %while3A_862 : i32 to index
      %get3A_866 = memref.load %arg2[%get3A_864, %get3A_865] : memref<32x512xi32, #tpu.memory_space<smem>>
      %rem3A = arith.constant 16384 : i32
      %rem3A_867 = arith.remsi %get3A_866, %rem3A : i32
      %div3A = arith.constant 16384 : i32
      %div3A_868 = arith.divsi %get3A_866, %div3A : i32
      %add3A = arith.constant 249984 : i32
      %add3A_869 = arith.addi %add3A, %div3A_868 : i32
      %dma_wait3A = arith.constant 0 : i32
      %dma_wait3A_870 = tpu.memref_slice %arg4[%add3A_869, %dma_wait3A] : memref<1000000x32xf32, #tpu.memory_space<hbm>> -> memref<1x32xf32, #tpu.memory_space<hbm>>
      %dma_wait3A_871 = arith.constant 0 : i32
      %dma_wait3A_872 = tpu.memref_slice %arg1[%rem3A_867, %dma_wait3A_871] : memref<16384x32xf32, #tpu.memory_space<hbm>> -> memref<1x32xf32, #tpu.memory_space<hbm>>
      tpu.wait_dma2 semaphore(%arg5 : memref<!tpu.dma_semaphore, #tpu.memory_space<semaphore_mem>>) src(%dma_wait3A_872 : memref<1x32xf32, #tpu.memory_space<hbm>>) dst(%dma_wait3A_870 : memref<1x32xf32, #tpu.memory_space<hbm>>)
      %while3A_873 = arith.constant 0 : i32
      scf.yield %while3A_873 : i32
    }
    %get3A_241 = arith.constant 9 : index
    %get3A_242 = arith.constant 0 : index
    %get3A_243 = memref.load %arg3[%get3A_241, %get3A_242] : memref<32x16xi32, #tpu.memory_space<smem>>
    %while3A_244 = arith.constant 0 : i32
    %while3A_245 = arith.constant 0 : i32
    %while3A_246 = arith.subi %get3A_243, %while3A_244 : i32
    %while3A_247 = arith.addi %while3A_244, %while3A_246 : i32
    %while3A_248 = arith.constant 1 : i32
    %while3A_249 = arith.divsi %while3A_246, %while3A_248 : i32
    %while3A_250 = arith.muli %while3A_249, %while3A_248 : i32
    %while3A_251 = arith.addi %while3A_244, %while3A_250 : i32
    %while3A_252 = arith.constant 1 : i32
    %while3A_253 = scf.for %while3A_862 = %while3A_244 to %while3A_251 step %while3A_252 iter_args(%while3A_863 = %while3A_245) -> (i32)  : i32 {
      %get3A_864 = arith.constant 9 : index
      %get3A_865 = arith.index_cast %while3A_862 : i32 to index
      %get3A_866 = memref.load %arg2[%get3A_864, %get3A_865] : memref<32x512xi32, #tpu.memory_space<smem>>
      %rem3A = arith.constant 16384 : i32
      %rem3A_867 = arith.remsi %get3A_866, %rem3A : i32
      %div3A = arith.constant 16384 : i32
      %div3A_868 = arith.divsi %get3A_866, %div3A : i32
      %add3A = arith.constant 281232 : i32
      %add3A_869 = arith.addi %add3A, %div3A_868 : i32
      %dma_start3A = arith.constant 0 : i32
      %dma_start3A_870 = tpu.memref_slice %arg4[%add3A_869, %dma_start3A] : memref<1000000x32xf32, #tpu.memory_space<hbm>> -> memref<1x32xf32, #tpu.memory_space<hbm>>
      %dma_start3A_871 = arith.constant 0 : i32
      %dma_start3A_872 = tpu.memref_slice %arg1[%rem3A_867, %dma_start3A_871] : memref<16384x32xf32, #tpu.memory_space<hbm>> -> memref<1x32xf32, #tpu.memory_space<hbm>>
      tpu.enqueue_dma source(%dma_start3A_872 : memref<1x32xf32, #tpu.memory_space<hbm>>) target(%dma_start3A_870 : memref<1x32xf32, #tpu.memory_space<hbm>>) target_semaphore(%arg5 : memref<!tpu.dma_semaphore, #tpu.memory_space<semaphore_mem>>)
      %while3A_873 = arith.constant 0 : i32
      scf.yield %while3A_873 : i32
    }
    %while3A_254 = arith.constant 1 : i32
    %while3A_255 = scf.for %while3A_862 = %while3A_251 to %while3A_247 step %while3A_254 iter_args(%while3A_863 = %while3A_253) -> (i32)  : i32 {
      %get3A_864 = arith.constant 9 : index
      %get3A_865 = arith.index_cast %while3A_862 : i32 to index
      %get3A_866 = memref.load %arg2[%get3A_864, %get3A_865] : memref<32x512xi32, #tpu.memory_space<smem>>
      %rem3A = arith.constant 16384 : i32
      %rem3A_867 = arith.remsi %get3A_866, %rem3A : i32
      %div3A = arith.constant 16384 : i32
      %div3A_868 = arith.divsi %get3A_866, %div3A : i32
      %add3A = arith.constant 281232 : i32
      %add3A_869 = arith.addi %add3A, %div3A_868 : i32
      %dma_start3A = arith.constant 0 : i32
      %dma_start3A_870 = tpu.memref_slice %arg4[%add3A_869, %dma_start3A] : memref<1000000x32xf32, #tpu.memory_space<hbm>> -> memref<1x32xf32, #tpu.memory_space<hbm>>
      %dma_start3A_871 = arith.constant 0 : i32
      %dma_start3A_872 = tpu.memref_slice %arg1[%rem3A_867, %dma_start3A_871] : memref<16384x32xf32, #tpu.memory_space<hbm>> -> memref<1x32xf32, #tpu.memory_space<hbm>>
      tpu.enqueue_dma source(%dma_start3A_872 : memref<1x32xf32, #tpu.memory_space<hbm>>) target(%dma_start3A_870 : memref<1x32xf32, #tpu.memory_space<hbm>>) target_semaphore(%arg5 : memref<!tpu.dma_semaphore, #tpu.memory_space<semaphore_mem>>)
      %while3A_873 = arith.constant 0 : i32
      scf.yield %while3A_873 : i32
    }
    %while3A_256 = arith.constant 0 : i32
    %while3A_257 = arith.constant 0 : i32
    %while3A_258 = arith.subi %get3A_243, %while3A_256 : i32
    %while3A_259 = arith.addi %while3A_256, %while3A_258 : i32
    %while3A_260 = arith.constant 1 : i32
    %while3A_261 = arith.divsi %while3A_258, %while3A_260 : i32
    %while3A_262 = arith.muli %while3A_261, %while3A_260 : i32
    %while3A_263 = arith.addi %while3A_256, %while3A_262 : i32
    %while3A_264 = arith.constant 1 : i32
    %while3A_265 = scf.for %while3A_862 = %while3A_256 to %while3A_263 step %while3A_264 iter_args(%while3A_863 = %while3A_257) -> (i32)  : i32 {
      %get3A_864 = arith.constant 9 : index
      %get3A_865 = arith.index_cast %while3A_862 : i32 to index
      %get3A_866 = memref.load %arg2[%get3A_864, %get3A_865] : memref<32x512xi32, #tpu.memory_space<smem>>
      %rem3A = arith.constant 16384 : i32
      %rem3A_867 = arith.remsi %get3A_866, %rem3A : i32
      %div3A = arith.constant 16384 : i32
      %div3A_868 = arith.divsi %get3A_866, %div3A : i32
      %add3A = arith.constant 281232 : i32
      %add3A_869 = arith.addi %add3A, %div3A_868 : i32
      %dma_wait3A = arith.constant 0 : i32
      %dma_wait3A_870 = tpu.memref_slice %arg4[%add3A_869, %dma_wait3A] : memref<1000000x32xf32, #tpu.memory_space<hbm>> -> memref<1x32xf32, #tpu.memory_space<hbm>>
      %dma_wait3A_871 = arith.constant 0 : i32
      %dma_wait3A_872 = tpu.memref_slice %arg1[%rem3A_867, %dma_wait3A_871] : memref<16384x32xf32, #tpu.memory_space<hbm>> -> memref<1x32xf32, #tpu.memory_space<hbm>>
      tpu.wait_dma2 semaphore(%arg5 : memref<!tpu.dma_semaphore, #tpu.memory_space<semaphore_mem>>) src(%dma_wait3A_872 : memref<1x32xf32, #tpu.memory_space<hbm>>) dst(%dma_wait3A_870 : memref<1x32xf32, #tpu.memory_space<hbm>>)
      %while3A_873 = arith.constant 0 : i32
      scf.yield %while3A_873 : i32
    }
    %while3A_266 = arith.constant 1 : i32
    %while3A_267 = scf.for %while3A_862 = %while3A_263 to %while3A_259 step %while3A_266 iter_args(%while3A_863 = %while3A_265) -> (i32)  : i32 {
      %get3A_864 = arith.constant 9 : index
      %get3A_865 = arith.index_cast %while3A_862 : i32 to index
      %get3A_866 = memref.load %arg2[%get3A_864, %get3A_865] : memref<32x512xi32, #tpu.memory_space<smem>>
      %rem3A = arith.constant 16384 : i32
      %rem3A_867 = arith.remsi %get3A_866, %rem3A : i32
      %div3A = arith.constant 16384 : i32
      %div3A_868 = arith.divsi %get3A_866, %div3A : i32
      %add3A = arith.constant 281232 : i32
      %add3A_869 = arith.addi %add3A, %div3A_868 : i32
      %dma_wait3A = arith.constant 0 : i32
      %dma_wait3A_870 = tpu.memref_slice %arg4[%add3A_869, %dma_wait3A] : memref<1000000x32xf32, #tpu.memory_space<hbm>> -> memref<1x32xf32, #tpu.memory_space<hbm>>
      %dma_wait3A_871 = arith.constant 0 : i32
      %dma_wait3A_872 = tpu.memref_slice %arg1[%rem3A_867, %dma_wait3A_871] : memref<16384x32xf32, #tpu.memory_space<hbm>> -> memref<1x32xf32, #tpu.memory_space<hbm>>
      tpu.wait_dma2 semaphore(%arg5 : memref<!tpu.dma_semaphore, #tpu.memory_space<semaphore_mem>>) src(%dma_wait3A_872 : memref<1x32xf32, #tpu.memory_space<hbm>>) dst(%dma_wait3A_870 : memref<1x32xf32, #tpu.memory_space<hbm>>)
      %while3A_873 = arith.constant 0 : i32
      scf.yield %while3A_873 : i32
    }
    %get3A_268 = arith.constant 10 : index
    %get3A_269 = arith.constant 0 : index
    %get3A_270 = memref.load %arg3[%get3A_268, %get3A_269] : memref<32x16xi32, #tpu.memory_space<smem>>
    %while3A_271 = arith.constant 0 : i32
    %while3A_272 = arith.constant 0 : i32
    %while3A_273 = arith.subi %get3A_270, %while3A_271 : i32
    %while3A_274 = arith.addi %while3A_271, %while3A_273 : i32
    %while3A_275 = arith.constant 1 : i32
    %while3A_276 = arith.divsi %while3A_273, %while3A_275 : i32
    %while3A_277 = arith.muli %while3A_276, %while3A_275 : i32
    %while3A_278 = arith.addi %while3A_271, %while3A_277 : i32
    %while3A_279 = arith.constant 1 : i32
    %while3A_280 = scf.for %while3A_862 = %while3A_271 to %while3A_278 step %while3A_279 iter_args(%while3A_863 = %while3A_272) -> (i32)  : i32 {
      %get3A_864 = arith.constant 10 : index
      %get3A_865 = arith.index_cast %while3A_862 : i32 to index
      %get3A_866 = memref.load %arg2[%get3A_864, %get3A_865] : memref<32x512xi32, #tpu.memory_space<smem>>
      %rem3A = arith.constant 16384 : i32
      %rem3A_867 = arith.remsi %get3A_866, %rem3A : i32
      %div3A = arith.constant 16384 : i32
      %div3A_868 = arith.divsi %get3A_866, %div3A : i32
      %add3A = arith.constant 312480 : i32
      %add3A_869 = arith.addi %add3A, %div3A_868 : i32
      %dma_start3A = arith.constant 0 : i32
      %dma_start3A_870 = tpu.memref_slice %arg4[%add3A_869, %dma_start3A] : memref<1000000x32xf32, #tpu.memory_space<hbm>> -> memref<1x32xf32, #tpu.memory_space<hbm>>
      %dma_start3A_871 = arith.constant 0 : i32
      %dma_start3A_872 = tpu.memref_slice %arg1[%rem3A_867, %dma_start3A_871] : memref<16384x32xf32, #tpu.memory_space<hbm>> -> memref<1x32xf32, #tpu.memory_space<hbm>>
      tpu.enqueue_dma source(%dma_start3A_872 : memref<1x32xf32, #tpu.memory_space<hbm>>) target(%dma_start3A_870 : memref<1x32xf32, #tpu.memory_space<hbm>>) target_semaphore(%arg5 : memref<!tpu.dma_semaphore, #tpu.memory_space<semaphore_mem>>)
      %while3A_873 = arith.constant 0 : i32
      scf.yield %while3A_873 : i32
    }
    %while3A_281 = arith.constant 1 : i32
    %while3A_282 = scf.for %while3A_862 = %while3A_278 to %while3A_274 step %while3A_281 iter_args(%while3A_863 = %while3A_280) -> (i32)  : i32 {
      %get3A_864 = arith.constant 10 : index
      %get3A_865 = arith.index_cast %while3A_862 : i32 to index
      %get3A_866 = memref.load %arg2[%get3A_864, %get3A_865] : memref<32x512xi32, #tpu.memory_space<smem>>
      %rem3A = arith.constant 16384 : i32
      %rem3A_867 = arith.remsi %get3A_866, %rem3A : i32
      %div3A = arith.constant 16384 : i32
      %div3A_868 = arith.divsi %get3A_866, %div3A : i32
      %add3A = arith.constant 312480 : i32
      %add3A_869 = arith.addi %add3A, %div3A_868 : i32
      %dma_start3A = arith.constant 0 : i32
      %dma_start3A_870 = tpu.memref_slice %arg4[%add3A_869, %dma_start3A] : memref<1000000x32xf32, #tpu.memory_space<hbm>> -> memref<1x32xf32, #tpu.memory_space<hbm>>
      %dma_start3A_871 = arith.constant 0 : i32
      %dma_start3A_872 = tpu.memref_slice %arg1[%rem3A_867, %dma_start3A_871] : memref<16384x32xf32, #tpu.memory_space<hbm>> -> memref<1x32xf32, #tpu.memory_space<hbm>>
      tpu.enqueue_dma source(%dma_start3A_872 : memref<1x32xf32, #tpu.memory_space<hbm>>) target(%dma_start3A_870 : memref<1x32xf32, #tpu.memory_space<hbm>>) target_semaphore(%arg5 : memref<!tpu.dma_semaphore, #tpu.memory_space<semaphore_mem>>)
      %while3A_873 = arith.constant 0 : i32
      scf.yield %while3A_873 : i32
    }
    %while3A_283 = arith.constant 0 : i32
    %while3A_284 = arith.constant 0 : i32
    %while3A_285 = arith.subi %get3A_270, %while3A_283 : i32
    %while3A_286 = arith.addi %while3A_283, %while3A_285 : i32
    %while3A_287 = arith.constant 1 : i32
    %while3A_288 = arith.divsi %while3A_285, %while3A_287 : i32
    %while3A_289 = arith.muli %while3A_288, %while3A_287 : i32
    %while3A_290 = arith.addi %while3A_283, %while3A_289 : i32
    %while3A_291 = arith.constant 1 : i32
    %while3A_292 = scf.for %while3A_862 = %while3A_283 to %while3A_290 step %while3A_291 iter_args(%while3A_863 = %while3A_284) -> (i32)  : i32 {
      %get3A_864 = arith.constant 10 : index
      %get3A_865 = arith.index_cast %while3A_862 : i32 to index
      %get3A_866 = memref.load %arg2[%get3A_864, %get3A_865] : memref<32x512xi32, #tpu.memory_space<smem>>
      %rem3A = arith.constant 16384 : i32
      %rem3A_867 = arith.remsi %get3A_866, %rem3A : i32
      %div3A = arith.constant 16384 : i32
      %div3A_868 = arith.divsi %get3A_866, %div3A : i32
      %add3A = arith.constant 312480 : i32
      %add3A_869 = arith.addi %add3A, %div3A_868 : i32
      %dma_wait3A = arith.constant 0 : i32
      %dma_wait3A_870 = tpu.memref_slice %arg4[%add3A_869, %dma_wait3A] : memref<1000000x32xf32, #tpu.memory_space<hbm>> -> memref<1x32xf32, #tpu.memory_space<hbm>>
      %dma_wait3A_871 = arith.constant 0 : i32
      %dma_wait3A_872 = tpu.memref_slice %arg1[%rem3A_867, %dma_wait3A_871] : memref<16384x32xf32, #tpu.memory_space<hbm>> -> memref<1x32xf32, #tpu.memory_space<hbm>>
      tpu.wait_dma2 semaphore(%arg5 : memref<!tpu.dma_semaphore, #tpu.memory_space<semaphore_mem>>) src(%dma_wait3A_872 : memref<1x32xf32, #tpu.memory_space<hbm>>) dst(%dma_wait3A_870 : memref<1x32xf32, #tpu.memory_space<hbm>>)
      %while3A_873 = arith.constant 0 : i32
      scf.yield %while3A_873 : i32
    }
    %while3A_293 = arith.constant 1 : i32
    %while3A_294 = scf.for %while3A_862 = %while3A_290 to %while3A_286 step %while3A_293 iter_args(%while3A_863 = %while3A_292) -> (i32)  : i32 {
      %get3A_864 = arith.constant 10 : index
      %get3A_865 = arith.index_cast %while3A_862 : i32 to index
      %get3A_866 = memref.load %arg2[%get3A_864, %get3A_865] : memref<32x512xi32, #tpu.memory_space<smem>>
      %rem3A = arith.constant 16384 : i32
      %rem3A_867 = arith.remsi %get3A_866, %rem3A : i32
      %div3A = arith.constant 16384 : i32
      %div3A_868 = arith.divsi %get3A_866, %div3A : i32
      %add3A = arith.constant 312480 : i32
      %add3A_869 = arith.addi %add3A, %div3A_868 : i32
      %dma_wait3A = arith.constant 0 : i32
      %dma_wait3A_870 = tpu.memref_slice %arg4[%add3A_869, %dma_wait3A] : memref<1000000x32xf32, #tpu.memory_space<hbm>> -> memref<1x32xf32, #tpu.memory_space<hbm>>
      %dma_wait3A_871 = arith.constant 0 : i32
      %dma_wait3A_872 = tpu.memref_slice %arg1[%rem3A_867, %dma_wait3A_871] : memref<16384x32xf32, #tpu.memory_space<hbm>> -> memref<1x32xf32, #tpu.memory_space<hbm>>
      tpu.wait_dma2 semaphore(%arg5 : memref<!tpu.dma_semaphore, #tpu.memory_space<semaphore_mem>>) src(%dma_wait3A_872 : memref<1x32xf32, #tpu.memory_space<hbm>>) dst(%dma_wait3A_870 : memref<1x32xf32, #tpu.memory_space<hbm>>)
      %while3A_873 = arith.constant 0 : i32
      scf.yield %while3A_873 : i32
    }
    %get3A_295 = arith.constant 11 : index
    %get3A_296 = arith.constant 0 : index
    %get3A_297 = memref.load %arg3[%get3A_295, %get3A_296] : memref<32x16xi32, #tpu.memory_space<smem>>
    %while3A_298 = arith.constant 0 : i32
    %while3A_299 = arith.constant 0 : i32
    %while3A_300 = arith.subi %get3A_297, %while3A_298 : i32
    %while3A_301 = arith.addi %while3A_298, %while3A_300 : i32
    %while3A_302 = arith.constant 1 : i32
    %while3A_303 = arith.divsi %while3A_300, %while3A_302 : i32
    %while3A_304 = arith.muli %while3A_303, %while3A_302 : i32
    %while3A_305 = arith.addi %while3A_298, %while3A_304 : i32
    %while3A_306 = arith.constant 1 : i32
    %while3A_307 = scf.for %while3A_862 = %while3A_298 to %while3A_305 step %while3A_306 iter_args(%while3A_863 = %while3A_299) -> (i32)  : i32 {
      %get3A_864 = arith.constant 11 : index
      %get3A_865 = arith.index_cast %while3A_862 : i32 to index
      %get3A_866 = memref.load %arg2[%get3A_864, %get3A_865] : memref<32x512xi32, #tpu.memory_space<smem>>
      %rem3A = arith.constant 16384 : i32
      %rem3A_867 = arith.remsi %get3A_866, %rem3A : i32
      %div3A = arith.constant 16384 : i32
      %div3A_868 = arith.divsi %get3A_866, %div3A : i32
      %add3A = arith.constant 343728 : i32
      %add3A_869 = arith.addi %add3A, %div3A_868 : i32
      %dma_start3A = arith.constant 0 : i32
      %dma_start3A_870 = tpu.memref_slice %arg4[%add3A_869, %dma_start3A] : memref<1000000x32xf32, #tpu.memory_space<hbm>> -> memref<1x32xf32, #tpu.memory_space<hbm>>
      %dma_start3A_871 = arith.constant 0 : i32
      %dma_start3A_872 = tpu.memref_slice %arg1[%rem3A_867, %dma_start3A_871] : memref<16384x32xf32, #tpu.memory_space<hbm>> -> memref<1x32xf32, #tpu.memory_space<hbm>>
      tpu.enqueue_dma source(%dma_start3A_872 : memref<1x32xf32, #tpu.memory_space<hbm>>) target(%dma_start3A_870 : memref<1x32xf32, #tpu.memory_space<hbm>>) target_semaphore(%arg5 : memref<!tpu.dma_semaphore, #tpu.memory_space<semaphore_mem>>)
      %while3A_873 = arith.constant 0 : i32
      scf.yield %while3A_873 : i32
    }
    %while3A_308 = arith.constant 1 : i32
    %while3A_309 = scf.for %while3A_862 = %while3A_305 to %while3A_301 step %while3A_308 iter_args(%while3A_863 = %while3A_307) -> (i32)  : i32 {
      %get3A_864 = arith.constant 11 : index
      %get3A_865 = arith.index_cast %while3A_862 : i32 to index
      %get3A_866 = memref.load %arg2[%get3A_864, %get3A_865] : memref<32x512xi32, #tpu.memory_space<smem>>
      %rem3A = arith.constant 16384 : i32
      %rem3A_867 = arith.remsi %get3A_866, %rem3A : i32
      %div3A = arith.constant 16384 : i32
      %div3A_868 = arith.divsi %get3A_866, %div3A : i32
      %add3A = arith.constant 343728 : i32
      %add3A_869 = arith.addi %add3A, %div3A_868 : i32
      %dma_start3A = arith.constant 0 : i32
      %dma_start3A_870 = tpu.memref_slice %arg4[%add3A_869, %dma_start3A] : memref<1000000x32xf32, #tpu.memory_space<hbm>> -> memref<1x32xf32, #tpu.memory_space<hbm>>
      %dma_start3A_871 = arith.constant 0 : i32
      %dma_start3A_872 = tpu.memref_slice %arg1[%rem3A_867, %dma_start3A_871] : memref<16384x32xf32, #tpu.memory_space<hbm>> -> memref<1x32xf32, #tpu.memory_space<hbm>>
      tpu.enqueue_dma source(%dma_start3A_872 : memref<1x32xf32, #tpu.memory_space<hbm>>) target(%dma_start3A_870 : memref<1x32xf32, #tpu.memory_space<hbm>>) target_semaphore(%arg5 : memref<!tpu.dma_semaphore, #tpu.memory_space<semaphore_mem>>)
      %while3A_873 = arith.constant 0 : i32
      scf.yield %while3A_873 : i32
    }
    %while3A_310 = arith.constant 0 : i32
    %while3A_311 = arith.constant 0 : i32
    %while3A_312 = arith.subi %get3A_297, %while3A_310 : i32
    %while3A_313 = arith.addi %while3A_310, %while3A_312 : i32
    %while3A_314 = arith.constant 1 : i32
    %while3A_315 = arith.divsi %while3A_312, %while3A_314 : i32
    %while3A_316 = arith.muli %while3A_315, %while3A_314 : i32
    %while3A_317 = arith.addi %while3A_310, %while3A_316 : i32
    %while3A_318 = arith.constant 1 : i32
    %while3A_319 = scf.for %while3A_862 = %while3A_310 to %while3A_317 step %while3A_318 iter_args(%while3A_863 = %while3A_311) -> (i32)  : i32 {
      %get3A_864 = arith.constant 11 : index
      %get3A_865 = arith.index_cast %while3A_862 : i32 to index
      %get3A_866 = memref.load %arg2[%get3A_864, %get3A_865] : memref<32x512xi32, #tpu.memory_space<smem>>
      %rem3A = arith.constant 16384 : i32
      %rem3A_867 = arith.remsi %get3A_866, %rem3A : i32
      %div3A = arith.constant 16384 : i32
      %div3A_868 = arith.divsi %get3A_866, %div3A : i32
      %add3A = arith.constant 343728 : i32
      %add3A_869 = arith.addi %add3A, %div3A_868 : i32
      %dma_wait3A = arith.constant 0 : i32
      %dma_wait3A_870 = tpu.memref_slice %arg4[%add3A_869, %dma_wait3A] : memref<1000000x32xf32, #tpu.memory_space<hbm>> -> memref<1x32xf32, #tpu.memory_space<hbm>>
      %dma_wait3A_871 = arith.constant 0 : i32
      %dma_wait3A_872 = tpu.memref_slice %arg1[%rem3A_867, %dma_wait3A_871] : memref<16384x32xf32, #tpu.memory_space<hbm>> -> memref<1x32xf32, #tpu.memory_space<hbm>>
      tpu.wait_dma2 semaphore(%arg5 : memref<!tpu.dma_semaphore, #tpu.memory_space<semaphore_mem>>) src(%dma_wait3A_872 : memref<1x32xf32, #tpu.memory_space<hbm>>) dst(%dma_wait3A_870 : memref<1x32xf32, #tpu.memory_space<hbm>>)
      %while3A_873 = arith.constant 0 : i32
      scf.yield %while3A_873 : i32
    }
    %while3A_320 = arith.constant 1 : i32
    %while3A_321 = scf.for %while3A_862 = %while3A_317 to %while3A_313 step %while3A_320 iter_args(%while3A_863 = %while3A_319) -> (i32)  : i32 {
      %get3A_864 = arith.constant 11 : index
      %get3A_865 = arith.index_cast %while3A_862 : i32 to index
      %get3A_866 = memref.load %arg2[%get3A_864, %get3A_865] : memref<32x512xi32, #tpu.memory_space<smem>>
      %rem3A = arith.constant 16384 : i32
      %rem3A_867 = arith.remsi %get3A_866, %rem3A : i32
      %div3A = arith.constant 16384 : i32
      %div3A_868 = arith.divsi %get3A_866, %div3A : i32
      %add3A = arith.constant 343728 : i32
      %add3A_869 = arith.addi %add3A, %div3A_868 : i32
      %dma_wait3A = arith.constant 0 : i32
      %dma_wait3A_870 = tpu.memref_slice %arg4[%add3A_869, %dma_wait3A] : memref<1000000x32xf32, #tpu.memory_space<hbm>> -> memref<1x32xf32, #tpu.memory_space<hbm>>
      %dma_wait3A_871 = arith.constant 0 : i32
      %dma_wait3A_872 = tpu.memref_slice %arg1[%rem3A_867, %dma_wait3A_871] : memref<16384x32xf32, #tpu.memory_space<hbm>> -> memref<1x32xf32, #tpu.memory_space<hbm>>
      tpu.wait_dma2 semaphore(%arg5 : memref<!tpu.dma_semaphore, #tpu.memory_space<semaphore_mem>>) src(%dma_wait3A_872 : memref<1x32xf32, #tpu.memory_space<hbm>>) dst(%dma_wait3A_870 : memref<1x32xf32, #tpu.memory_space<hbm>>)
      %while3A_873 = arith.constant 0 : i32
      scf.yield %while3A_873 : i32
    }
    %get3A_322 = arith.constant 12 : index
    %get3A_323 = arith.constant 0 : index
    %get3A_324 = memref.load %arg3[%get3A_322, %get3A_323] : memref<32x16xi32, #tpu.memory_space<smem>>
    %while3A_325 = arith.constant 0 : i32
    %while3A_326 = arith.constant 0 : i32
    %while3A_327 = arith.subi %get3A_324, %while3A_325 : i32
    %while3A_328 = arith.addi %while3A_325, %while3A_327 : i32
    %while3A_329 = arith.constant 1 : i32
    %while3A_330 = arith.divsi %while3A_327, %while3A_329 : i32
    %while3A_331 = arith.muli %while3A_330, %while3A_329 : i32
    %while3A_332 = arith.addi %while3A_325, %while3A_331 : i32
    %while3A_333 = arith.constant 1 : i32
    %while3A_334 = scf.for %while3A_862 = %while3A_325 to %while3A_332 step %while3A_333 iter_args(%while3A_863 = %while3A_326) -> (i32)  : i32 {
      %get3A_864 = arith.constant 12 : index
      %get3A_865 = arith.index_cast %while3A_862 : i32 to index
      %get3A_866 = memref.load %arg2[%get3A_864, %get3A_865] : memref<32x512xi32, #tpu.memory_space<smem>>
      %rem3A = arith.constant 16384 : i32
      %rem3A_867 = arith.remsi %get3A_866, %rem3A : i32
      %div3A = arith.constant 16384 : i32
      %div3A_868 = arith.divsi %get3A_866, %div3A : i32
      %add3A = arith.constant 374976 : i32
      %add3A_869 = arith.addi %add3A, %div3A_868 : i32
      %dma_start3A = arith.constant 0 : i32
      %dma_start3A_870 = tpu.memref_slice %arg4[%add3A_869, %dma_start3A] : memref<1000000x32xf32, #tpu.memory_space<hbm>> -> memref<1x32xf32, #tpu.memory_space<hbm>>
      %dma_start3A_871 = arith.constant 0 : i32
      %dma_start3A_872 = tpu.memref_slice %arg1[%rem3A_867, %dma_start3A_871] : memref<16384x32xf32, #tpu.memory_space<hbm>> -> memref<1x32xf32, #tpu.memory_space<hbm>>
      tpu.enqueue_dma source(%dma_start3A_872 : memref<1x32xf32, #tpu.memory_space<hbm>>) target(%dma_start3A_870 : memref<1x32xf32, #tpu.memory_space<hbm>>) target_semaphore(%arg5 : memref<!tpu.dma_semaphore, #tpu.memory_space<semaphore_mem>>)
      %while3A_873 = arith.constant 0 : i32
      scf.yield %while3A_873 : i32
    }
    %while3A_335 = arith.constant 1 : i32
    %while3A_336 = scf.for %while3A_862 = %while3A_332 to %while3A_328 step %while3A_335 iter_args(%while3A_863 = %while3A_334) -> (i32)  : i32 {
      %get3A_864 = arith.constant 12 : index
      %get3A_865 = arith.index_cast %while3A_862 : i32 to index
      %get3A_866 = memref.load %arg2[%get3A_864, %get3A_865] : memref<32x512xi32, #tpu.memory_space<smem>>
      %rem3A = arith.constant 16384 : i32
      %rem3A_867 = arith.remsi %get3A_866, %rem3A : i32
      %div3A = arith.constant 16384 : i32
      %div3A_868 = arith.divsi %get3A_866, %div3A : i32
      %add3A = arith.constant 374976 : i32
      %add3A_869 = arith.addi %add3A, %div3A_868 : i32
      %dma_start3A = arith.constant 0 : i32
      %dma_start3A_870 = tpu.memref_slice %arg4[%add3A_869, %dma_start3A] : memref<1000000x32xf32, #tpu.memory_space<hbm>> -> memref<1x32xf32, #tpu.memory_space<hbm>>
      %dma_start3A_871 = arith.constant 0 : i32
      %dma_start3A_872 = tpu.memref_slice %arg1[%rem3A_867, %dma_start3A_871] : memref<16384x32xf32, #tpu.memory_space<hbm>> -> memref<1x32xf32, #tpu.memory_space<hbm>>
      tpu.enqueue_dma source(%dma_start3A_872 : memref<1x32xf32, #tpu.memory_space<hbm>>) target(%dma_start3A_870 : memref<1x32xf32, #tpu.memory_space<hbm>>) target_semaphore(%arg5 : memref<!tpu.dma_semaphore, #tpu.memory_space<semaphore_mem>>)
      %while3A_873 = arith.constant 0 : i32
      scf.yield %while3A_873 : i32
    }
    %while3A_337 = arith.constant 0 : i32
    %while3A_338 = arith.constant 0 : i32
    %while3A_339 = arith.subi %get3A_324, %while3A_337 : i32
    %while3A_340 = arith.addi %while3A_337, %while3A_339 : i32
    %while3A_341 = arith.constant 1 : i32
    %while3A_342 = arith.divsi %while3A_339, %while3A_341 : i32
    %while3A_343 = arith.muli %while3A_342, %while3A_341 : i32
    %while3A_344 = arith.addi %while3A_337, %while3A_343 : i32
    %while3A_345 = arith.constant 1 : i32
    %while3A_346 = scf.for %while3A_862 = %while3A_337 to %while3A_344 step %while3A_345 iter_args(%while3A_863 = %while3A_338) -> (i32)  : i32 {
      %get3A_864 = arith.constant 12 : index
      %get3A_865 = arith.index_cast %while3A_862 : i32 to index
      %get3A_866 = memref.load %arg2[%get3A_864, %get3A_865] : memref<32x512xi32, #tpu.memory_space<smem>>
      %rem3A = arith.constant 16384 : i32
      %rem3A_867 = arith.remsi %get3A_866, %rem3A : i32
      %div3A = arith.constant 16384 : i32
      %div3A_868 = arith.divsi %get3A_866, %div3A : i32
      %add3A = arith.constant 374976 : i32
      %add3A_869 = arith.addi %add3A, %div3A_868 : i32
      %dma_wait3A = arith.constant 0 : i32
      %dma_wait3A_870 = tpu.memref_slice %arg4[%add3A_869, %dma_wait3A] : memref<1000000x32xf32, #tpu.memory_space<hbm>> -> memref<1x32xf32, #tpu.memory_space<hbm>>
      %dma_wait3A_871 = arith.constant 0 : i32
      %dma_wait3A_872 = tpu.memref_slice %arg1[%rem3A_867, %dma_wait3A_871] : memref<16384x32xf32, #tpu.memory_space<hbm>> -> memref<1x32xf32, #tpu.memory_space<hbm>>
      tpu.wait_dma2 semaphore(%arg5 : memref<!tpu.dma_semaphore, #tpu.memory_space<semaphore_mem>>) src(%dma_wait3A_872 : memref<1x32xf32, #tpu.memory_space<hbm>>) dst(%dma_wait3A_870 : memref<1x32xf32, #tpu.memory_space<hbm>>)
      %while3A_873 = arith.constant 0 : i32
      scf.yield %while3A_873 : i32
    }
    %while3A_347 = arith.constant 1 : i32
    %while3A_348 = scf.for %while3A_862 = %while3A_344 to %while3A_340 step %while3A_347 iter_args(%while3A_863 = %while3A_346) -> (i32)  : i32 {
      %get3A_864 = arith.constant 12 : index
      %get3A_865 = arith.index_cast %while3A_862 : i32 to index
      %get3A_866 = memref.load %arg2[%get3A_864, %get3A_865] : memref<32x512xi32, #tpu.memory_space<smem>>
      %rem3A = arith.constant 16384 : i32
      %rem3A_867 = arith.remsi %get3A_866, %rem3A : i32
      %div3A = arith.constant 16384 : i32
      %div3A_868 = arith.divsi %get3A_866, %div3A : i32
      %add3A = arith.constant 374976 : i32
      %add3A_869 = arith.addi %add3A, %div3A_868 : i32
      %dma_wait3A = arith.constant 0 : i32
      %dma_wait3A_870 = tpu.memref_slice %arg4[%add3A_869, %dma_wait3A] : memref<1000000x32xf32, #tpu.memory_space<hbm>> -> memref<1x32xf32, #tpu.memory_space<hbm>>
      %dma_wait3A_871 = arith.constant 0 : i32
      %dma_wait3A_872 = tpu.memref_slice %arg1[%rem3A_867, %dma_wait3A_871] : memref<16384x32xf32, #tpu.memory_space<hbm>> -> memref<1x32xf32, #tpu.memory_space<hbm>>
      tpu.wait_dma2 semaphore(%arg5 : memref<!tpu.dma_semaphore, #tpu.memory_space<semaphore_mem>>) src(%dma_wait3A_872 : memref<1x32xf32, #tpu.memory_space<hbm>>) dst(%dma_wait3A_870 : memref<1x32xf32, #tpu.memory_space<hbm>>)
      %while3A_873 = arith.constant 0 : i32
      scf.yield %while3A_873 : i32
    }
    %get3A_349 = arith.constant 13 : index
    %get3A_350 = arith.constant 0 : index
    %get3A_351 = memref.load %arg3[%get3A_349, %get3A_350] : memref<32x16xi32, #tpu.memory_space<smem>>
    %while3A_352 = arith.constant 0 : i32
    %while3A_353 = arith.constant 0 : i32
    %while3A_354 = arith.subi %get3A_351, %while3A_352 : i32
    %while3A_355 = arith.addi %while3A_352, %while3A_354 : i32
    %while3A_356 = arith.constant 1 : i32
    %while3A_357 = arith.divsi %while3A_354, %while3A_356 : i32
    %while3A_358 = arith.muli %while3A_357, %while3A_356 : i32
    %while3A_359 = arith.addi %while3A_352, %while3A_358 : i32
    %while3A_360 = arith.constant 1 : i32
    %while3A_361 = scf.for %while3A_862 = %while3A_352 to %while3A_359 step %while3A_360 iter_args(%while3A_863 = %while3A_353) -> (i32)  : i32 {
      %get3A_864 = arith.constant 13 : index
      %get3A_865 = arith.index_cast %while3A_862 : i32 to index
      %get3A_866 = memref.load %arg2[%get3A_864, %get3A_865] : memref<32x512xi32, #tpu.memory_space<smem>>
      %rem3A = arith.constant 16384 : i32
      %rem3A_867 = arith.remsi %get3A_866, %rem3A : i32
      %div3A = arith.constant 16384 : i32
      %div3A_868 = arith.divsi %get3A_866, %div3A : i32
      %add3A = arith.constant 406224 : i32
      %add3A_869 = arith.addi %add3A, %div3A_868 : i32
      %dma_start3A = arith.constant 0 : i32
      %dma_start3A_870 = tpu.memref_slice %arg4[%add3A_869, %dma_start3A] : memref<1000000x32xf32, #tpu.memory_space<hbm>> -> memref<1x32xf32, #tpu.memory_space<hbm>>
      %dma_start3A_871 = arith.constant 0 : i32
      %dma_start3A_872 = tpu.memref_slice %arg1[%rem3A_867, %dma_start3A_871] : memref<16384x32xf32, #tpu.memory_space<hbm>> -> memref<1x32xf32, #tpu.memory_space<hbm>>
      tpu.enqueue_dma source(%dma_start3A_872 : memref<1x32xf32, #tpu.memory_space<hbm>>) target(%dma_start3A_870 : memref<1x32xf32, #tpu.memory_space<hbm>>) target_semaphore(%arg5 : memref<!tpu.dma_semaphore, #tpu.memory_space<semaphore_mem>>)
      %while3A_873 = arith.constant 0 : i32
      scf.yield %while3A_873 : i32
    }
    %while3A_362 = arith.constant 1 : i32
    %while3A_363 = scf.for %while3A_862 = %while3A_359 to %while3A_355 step %while3A_362 iter_args(%while3A_863 = %while3A_361) -> (i32)  : i32 {
      %get3A_864 = arith.constant 13 : index
      %get3A_865 = arith.index_cast %while3A_862 : i32 to index
      %get3A_866 = memref.load %arg2[%get3A_864, %get3A_865] : memref<32x512xi32, #tpu.memory_space<smem>>
      %rem3A = arith.constant 16384 : i32
      %rem3A_867 = arith.remsi %get3A_866, %rem3A : i32
      %div3A = arith.constant 16384 : i32
      %div3A_868 = arith.divsi %get3A_866, %div3A : i32
      %add3A = arith.constant 406224 : i32
      %add3A_869 = arith.addi %add3A, %div3A_868 : i32
      %dma_start3A = arith.constant 0 : i32
      %dma_start3A_870 = tpu.memref_slice %arg4[%add3A_869, %dma_start3A] : memref<1000000x32xf32, #tpu.memory_space<hbm>> -> memref<1x32xf32, #tpu.memory_space<hbm>>
      %dma_start3A_871 = arith.constant 0 : i32
      %dma_start3A_872 = tpu.memref_slice %arg1[%rem3A_867, %dma_start3A_871] : memref<16384x32xf32, #tpu.memory_space<hbm>> -> memref<1x32xf32, #tpu.memory_space<hbm>>
      tpu.enqueue_dma source(%dma_start3A_872 : memref<1x32xf32, #tpu.memory_space<hbm>>) target(%dma_start3A_870 : memref<1x32xf32, #tpu.memory_space<hbm>>) target_semaphore(%arg5 : memref<!tpu.dma_semaphore, #tpu.memory_space<semaphore_mem>>)
      %while3A_873 = arith.constant 0 : i32
      scf.yield %while3A_873 : i32
    }
    %while3A_364 = arith.constant 0 : i32
    %while3A_365 = arith.constant 0 : i32
    %while3A_366 = arith.subi %get3A_351, %while3A_364 : i32
    %while3A_367 = arith.addi %while3A_364, %while3A_366 : i32
    %while3A_368 = arith.constant 1 : i32
    %while3A_369 = arith.divsi %while3A_366, %while3A_368 : i32
    %while3A_370 = arith.muli %while3A_369, %while3A_368 : i32
    %while3A_371 = arith.addi %while3A_364, %while3A_370 : i32
    %while3A_372 = arith.constant 1 : i32
    %while3A_373 = scf.for %while3A_862 = %while3A_364 to %while3A_371 step %while3A_372 iter_args(%while3A_863 = %while3A_365) -> (i32)  : i32 {
      %get3A_864 = arith.constant 13 : index
      %get3A_865 = arith.index_cast %while3A_862 : i32 to index
      %get3A_866 = memref.load %arg2[%get3A_864, %get3A_865] : memref<32x512xi32, #tpu.memory_space<smem>>
      %rem3A = arith.constant 16384 : i32
      %rem3A_867 = arith.remsi %get3A_866, %rem3A : i32
      %div3A = arith.constant 16384 : i32
      %div3A_868 = arith.divsi %get3A_866, %div3A : i32
      %add3A = arith.constant 406224 : i32
      %add3A_869 = arith.addi %add3A, %div3A_868 : i32
      %dma_wait3A = arith.constant 0 : i32
      %dma_wait3A_870 = tpu.memref_slice %arg4[%add3A_869, %dma_wait3A] : memref<1000000x32xf32, #tpu.memory_space<hbm>> -> memref<1x32xf32, #tpu.memory_space<hbm>>
      %dma_wait3A_871 = arith.constant 0 : i32
      %dma_wait3A_872 = tpu.memref_slice %arg1[%rem3A_867, %dma_wait3A_871] : memref<16384x32xf32, #tpu.memory_space<hbm>> -> memref<1x32xf32, #tpu.memory_space<hbm>>
      tpu.wait_dma2 semaphore(%arg5 : memref<!tpu.dma_semaphore, #tpu.memory_space<semaphore_mem>>) src(%dma_wait3A_872 : memref<1x32xf32, #tpu.memory_space<hbm>>) dst(%dma_wait3A_870 : memref<1x32xf32, #tpu.memory_space<hbm>>)
      %while3A_873 = arith.constant 0 : i32
      scf.yield %while3A_873 : i32
    }
    %while3A_374 = arith.constant 1 : i32
    %while3A_375 = scf.for %while3A_862 = %while3A_371 to %while3A_367 step %while3A_374 iter_args(%while3A_863 = %while3A_373) -> (i32)  : i32 {
      %get3A_864 = arith.constant 13 : index
      %get3A_865 = arith.index_cast %while3A_862 : i32 to index
      %get3A_866 = memref.load %arg2[%get3A_864, %get3A_865] : memref<32x512xi32, #tpu.memory_space<smem>>
      %rem3A = arith.constant 16384 : i32
      %rem3A_867 = arith.remsi %get3A_866, %rem3A : i32
      %div3A = arith.constant 16384 : i32
      %div3A_868 = arith.divsi %get3A_866, %div3A : i32
      %add3A = arith.constant 406224 : i32
      %add3A_869 = arith.addi %add3A, %div3A_868 : i32
      %dma_wait3A = arith.constant 0 : i32
      %dma_wait3A_870 = tpu.memref_slice %arg4[%add3A_869, %dma_wait3A] : memref<1000000x32xf32, #tpu.memory_space<hbm>> -> memref<1x32xf32, #tpu.memory_space<hbm>>
      %dma_wait3A_871 = arith.constant 0 : i32
      %dma_wait3A_872 = tpu.memref_slice %arg1[%rem3A_867, %dma_wait3A_871] : memref<16384x32xf32, #tpu.memory_space<hbm>> -> memref<1x32xf32, #tpu.memory_space<hbm>>
      tpu.wait_dma2 semaphore(%arg5 : memref<!tpu.dma_semaphore, #tpu.memory_space<semaphore_mem>>) src(%dma_wait3A_872 : memref<1x32xf32, #tpu.memory_space<hbm>>) dst(%dma_wait3A_870 : memref<1x32xf32, #tpu.memory_space<hbm>>)
      %while3A_873 = arith.constant 0 : i32
      scf.yield %while3A_873 : i32
    }
    %get3A_376 = arith.constant 14 : index
    %get3A_377 = arith.constant 0 : index
    %get3A_378 = memref.load %arg3[%get3A_376, %get3A_377] : memref<32x16xi32, #tpu.memory_space<smem>>
    %while3A_379 = arith.constant 0 : i32
    %while3A_380 = arith.constant 0 : i32
    %while3A_381 = arith.subi %get3A_378, %while3A_379 : i32
    %while3A_382 = arith.addi %while3A_379, %while3A_381 : i32
    %while3A_383 = arith.constant 1 : i32
    %while3A_384 = arith.divsi %while3A_381, %while3A_383 : i32
    %while3A_385 = arith.muli %while3A_384, %while3A_383 : i32
    %while3A_386 = arith.addi %while3A_379, %while3A_385 : i32
    %while3A_387 = arith.constant 1 : i32
    %while3A_388 = scf.for %while3A_862 = %while3A_379 to %while3A_386 step %while3A_387 iter_args(%while3A_863 = %while3A_380) -> (i32)  : i32 {
      %get3A_864 = arith.constant 14 : index
      %get3A_865 = arith.index_cast %while3A_862 : i32 to index
      %get3A_866 = memref.load %arg2[%get3A_864, %get3A_865] : memref<32x512xi32, #tpu.memory_space<smem>>
      %rem3A = arith.constant 16384 : i32
      %rem3A_867 = arith.remsi %get3A_866, %rem3A : i32
      %div3A = arith.constant 16384 : i32
      %div3A_868 = arith.divsi %get3A_866, %div3A : i32
      %add3A = arith.constant 437472 : i32
      %add3A_869 = arith.addi %add3A, %div3A_868 : i32
      %dma_start3A = arith.constant 0 : i32
      %dma_start3A_870 = tpu.memref_slice %arg4[%add3A_869, %dma_start3A] : memref<1000000x32xf32, #tpu.memory_space<hbm>> -> memref<1x32xf32, #tpu.memory_space<hbm>>
      %dma_start3A_871 = arith.constant 0 : i32
      %dma_start3A_872 = tpu.memref_slice %arg1[%rem3A_867, %dma_start3A_871] : memref<16384x32xf32, #tpu.memory_space<hbm>> -> memref<1x32xf32, #tpu.memory_space<hbm>>
      tpu.enqueue_dma source(%dma_start3A_872 : memref<1x32xf32, #tpu.memory_space<hbm>>) target(%dma_start3A_870 : memref<1x32xf32, #tpu.memory_space<hbm>>) target_semaphore(%arg5 : memref<!tpu.dma_semaphore, #tpu.memory_space<semaphore_mem>>)
      %while3A_873 = arith.constant 0 : i32
      scf.yield %while3A_873 : i32
    }
    %while3A_389 = arith.constant 1 : i32
    %while3A_390 = scf.for %while3A_862 = %while3A_386 to %while3A_382 step %while3A_389 iter_args(%while3A_863 = %while3A_388) -> (i32)  : i32 {
      %get3A_864 = arith.constant 14 : index
      %get3A_865 = arith.index_cast %while3A_862 : i32 to index
      %get3A_866 = memref.load %arg2[%get3A_864, %get3A_865] : memref<32x512xi32, #tpu.memory_space<smem>>
      %rem3A = arith.constant 16384 : i32
      %rem3A_867 = arith.remsi %get3A_866, %rem3A : i32
      %div3A = arith.constant 16384 : i32
      %div3A_868 = arith.divsi %get3A_866, %div3A : i32
      %add3A = arith.constant 437472 : i32
      %add3A_869 = arith.addi %add3A, %div3A_868 : i32
      %dma_start3A = arith.constant 0 : i32
      %dma_start3A_870 = tpu.memref_slice %arg4[%add3A_869, %dma_start3A] : memref<1000000x32xf32, #tpu.memory_space<hbm>> -> memref<1x32xf32, #tpu.memory_space<hbm>>
      %dma_start3A_871 = arith.constant 0 : i32
      %dma_start3A_872 = tpu.memref_slice %arg1[%rem3A_867, %dma_start3A_871] : memref<16384x32xf32, #tpu.memory_space<hbm>> -> memref<1x32xf32, #tpu.memory_space<hbm>>
      tpu.enqueue_dma source(%dma_start3A_872 : memref<1x32xf32, #tpu.memory_space<hbm>>) target(%dma_start3A_870 : memref<1x32xf32, #tpu.memory_space<hbm>>) target_semaphore(%arg5 : memref<!tpu.dma_semaphore, #tpu.memory_space<semaphore_mem>>)
      %while3A_873 = arith.constant 0 : i32
      scf.yield %while3A_873 : i32
    }
    %while3A_391 = arith.constant 0 : i32
    %while3A_392 = arith.constant 0 : i32
    %while3A_393 = arith.subi %get3A_378, %while3A_391 : i32
    %while3A_394 = arith.addi %while3A_391, %while3A_393 : i32
    %while3A_395 = arith.constant 1 : i32
    %while3A_396 = arith.divsi %while3A_393, %while3A_395 : i32
    %while3A_397 = arith.muli %while3A_396, %while3A_395 : i32
    %while3A_398 = arith.addi %while3A_391, %while3A_397 : i32
    %while3A_399 = arith.constant 1 : i32
    %while3A_400 = scf.for %while3A_862 = %while3A_391 to %while3A_398 step %while3A_399 iter_args(%while3A_863 = %while3A_392) -> (i32)  : i32 {
      %get3A_864 = arith.constant 14 : index
      %get3A_865 = arith.index_cast %while3A_862 : i32 to index
      %get3A_866 = memref.load %arg2[%get3A_864, %get3A_865] : memref<32x512xi32, #tpu.memory_space<smem>>
      %rem3A = arith.constant 16384 : i32
      %rem3A_867 = arith.remsi %get3A_866, %rem3A : i32
      %div3A = arith.constant 16384 : i32
      %div3A_868 = arith.divsi %get3A_866, %div3A : i32
      %add3A = arith.constant 437472 : i32
      %add3A_869 = arith.addi %add3A, %div3A_868 : i32
      %dma_wait3A = arith.constant 0 : i32
      %dma_wait3A_870 = tpu.memref_slice %arg4[%add3A_869, %dma_wait3A] : memref<1000000x32xf32, #tpu.memory_space<hbm>> -> memref<1x32xf32, #tpu.memory_space<hbm>>
      %dma_wait3A_871 = arith.constant 0 : i32
      %dma_wait3A_872 = tpu.memref_slice %arg1[%rem3A_867, %dma_wait3A_871] : memref<16384x32xf32, #tpu.memory_space<hbm>> -> memref<1x32xf32, #tpu.memory_space<hbm>>
      tpu.wait_dma2 semaphore(%arg5 : memref<!tpu.dma_semaphore, #tpu.memory_space<semaphore_mem>>) src(%dma_wait3A_872 : memref<1x32xf32, #tpu.memory_space<hbm>>) dst(%dma_wait3A_870 : memref<1x32xf32, #tpu.memory_space<hbm>>)
      %while3A_873 = arith.constant 0 : i32
      scf.yield %while3A_873 : i32
    }
    %while3A_401 = arith.constant 1 : i32
    %while3A_402 = scf.for %while3A_862 = %while3A_398 to %while3A_394 step %while3A_401 iter_args(%while3A_863 = %while3A_400) -> (i32)  : i32 {
      %get3A_864 = arith.constant 14 : index
      %get3A_865 = arith.index_cast %while3A_862 : i32 to index
      %get3A_866 = memref.load %arg2[%get3A_864, %get3A_865] : memref<32x512xi32, #tpu.memory_space<smem>>
      %rem3A = arith.constant 16384 : i32
      %rem3A_867 = arith.remsi %get3A_866, %rem3A : i32
      %div3A = arith.constant 16384 : i32
      %div3A_868 = arith.divsi %get3A_866, %div3A : i32
      %add3A = arith.constant 437472 : i32
      %add3A_869 = arith.addi %add3A, %div3A_868 : i32
      %dma_wait3A = arith.constant 0 : i32
      %dma_wait3A_870 = tpu.memref_slice %arg4[%add3A_869, %dma_wait3A] : memref<1000000x32xf32, #tpu.memory_space<hbm>> -> memref<1x32xf32, #tpu.memory_space<hbm>>
      %dma_wait3A_871 = arith.constant 0 : i32
      %dma_wait3A_872 = tpu.memref_slice %arg1[%rem3A_867, %dma_wait3A_871] : memref<16384x32xf32, #tpu.memory_space<hbm>> -> memref<1x32xf32, #tpu.memory_space<hbm>>
      tpu.wait_dma2 semaphore(%arg5 : memref<!tpu.dma_semaphore, #tpu.memory_space<semaphore_mem>>) src(%dma_wait3A_872 : memref<1x32xf32, #tpu.memory_space<hbm>>) dst(%dma_wait3A_870 : memref<1x32xf32, #tpu.memory_space<hbm>>)
      %while3A_873 = arith.constant 0 : i32
      scf.yield %while3A_873 : i32
    }
    %get3A_403 = arith.constant 15 : index
    %get3A_404 = arith.constant 0 : index
    %get3A_405 = memref.load %arg3[%get3A_403, %get3A_404] : memref<32x16xi32, #tpu.memory_space<smem>>
    %while3A_406 = arith.constant 0 : i32
    %while3A_407 = arith.constant 0 : i32
    %while3A_408 = arith.subi %get3A_405, %while3A_406 : i32
    %while3A_409 = arith.addi %while3A_406, %while3A_408 : i32
    %while3A_410 = arith.constant 1 : i32
    %while3A_411 = arith.divsi %while3A_408, %while3A_410 : i32
    %while3A_412 = arith.muli %while3A_411, %while3A_410 : i32
    %while3A_413 = arith.addi %while3A_406, %while3A_412 : i32
    %while3A_414 = arith.constant 1 : i32
    %while3A_415 = scf.for %while3A_862 = %while3A_406 to %while3A_413 step %while3A_414 iter_args(%while3A_863 = %while3A_407) -> (i32)  : i32 {
      %get3A_864 = arith.constant 15 : index
      %get3A_865 = arith.index_cast %while3A_862 : i32 to index
      %get3A_866 = memref.load %arg2[%get3A_864, %get3A_865] : memref<32x512xi32, #tpu.memory_space<smem>>
      %rem3A = arith.constant 16384 : i32
      %rem3A_867 = arith.remsi %get3A_866, %rem3A : i32
      %div3A = arith.constant 16384 : i32
      %div3A_868 = arith.divsi %get3A_866, %div3A : i32
      %add3A = arith.constant 468720 : i32
      %add3A_869 = arith.addi %add3A, %div3A_868 : i32
      %dma_start3A = arith.constant 0 : i32
      %dma_start3A_870 = tpu.memref_slice %arg4[%add3A_869, %dma_start3A] : memref<1000000x32xf32, #tpu.memory_space<hbm>> -> memref<1x32xf32, #tpu.memory_space<hbm>>
      %dma_start3A_871 = arith.constant 0 : i32
      %dma_start3A_872 = tpu.memref_slice %arg1[%rem3A_867, %dma_start3A_871] : memref<16384x32xf32, #tpu.memory_space<hbm>> -> memref<1x32xf32, #tpu.memory_space<hbm>>
      tpu.enqueue_dma source(%dma_start3A_872 : memref<1x32xf32, #tpu.memory_space<hbm>>) target(%dma_start3A_870 : memref<1x32xf32, #tpu.memory_space<hbm>>) target_semaphore(%arg5 : memref<!tpu.dma_semaphore, #tpu.memory_space<semaphore_mem>>)
      %while3A_873 = arith.constant 0 : i32
      scf.yield %while3A_873 : i32
    }
    %while3A_416 = arith.constant 1 : i32
    %while3A_417 = scf.for %while3A_862 = %while3A_413 to %while3A_409 step %while3A_416 iter_args(%while3A_863 = %while3A_415) -> (i32)  : i32 {
      %get3A_864 = arith.constant 15 : index
      %get3A_865 = arith.index_cast %while3A_862 : i32 to index
      %get3A_866 = memref.load %arg2[%get3A_864, %get3A_865] : memref<32x512xi32, #tpu.memory_space<smem>>
      %rem3A = arith.constant 16384 : i32
      %rem3A_867 = arith.remsi %get3A_866, %rem3A : i32
      %div3A = arith.constant 16384 : i32
      %div3A_868 = arith.divsi %get3A_866, %div3A : i32
      %add3A = arith.constant 468720 : i32
      %add3A_869 = arith.addi %add3A, %div3A_868 : i32
      %dma_start3A = arith.constant 0 : i32
      %dma_start3A_870 = tpu.memref_slice %arg4[%add3A_869, %dma_start3A] : memref<1000000x32xf32, #tpu.memory_space<hbm>> -> memref<1x32xf32, #tpu.memory_space<hbm>>
      %dma_start3A_871 = arith.constant 0 : i32
      %dma_start3A_872 = tpu.memref_slice %arg1[%rem3A_867, %dma_start3A_871] : memref<16384x32xf32, #tpu.memory_space<hbm>> -> memref<1x32xf32, #tpu.memory_space<hbm>>
      tpu.enqueue_dma source(%dma_start3A_872 : memref<1x32xf32, #tpu.memory_space<hbm>>) target(%dma_start3A_870 : memref<1x32xf32, #tpu.memory_space<hbm>>) target_semaphore(%arg5 : memref<!tpu.dma_semaphore, #tpu.memory_space<semaphore_mem>>)
      %while3A_873 = arith.constant 0 : i32
      scf.yield %while3A_873 : i32
    }
    %while3A_418 = arith.constant 0 : i32
    %while3A_419 = arith.constant 0 : i32
    %while3A_420 = arith.subi %get3A_405, %while3A_418 : i32
    %while3A_421 = arith.addi %while3A_418, %while3A_420 : i32
    %while3A_422 = arith.constant 1 : i32
    %while3A_423 = arith.divsi %while3A_420, %while3A_422 : i32
    %while3A_424 = arith.muli %while3A_423, %while3A_422 : i32
    %while3A_425 = arith.addi %while3A_418, %while3A_424 : i32
    %while3A_426 = arith.constant 1 : i32
    %while3A_427 = scf.for %while3A_862 = %while3A_418 to %while3A_425 step %while3A_426 iter_args(%while3A_863 = %while3A_419) -> (i32)  : i32 {
      %get3A_864 = arith.constant 15 : index
      %get3A_865 = arith.index_cast %while3A_862 : i32 to index
      %get3A_866 = memref.load %arg2[%get3A_864, %get3A_865] : memref<32x512xi32, #tpu.memory_space<smem>>
      %rem3A = arith.constant 16384 : i32
      %rem3A_867 = arith.remsi %get3A_866, %rem3A : i32
      %div3A = arith.constant 16384 : i32
      %div3A_868 = arith.divsi %get3A_866, %div3A : i32
      %add3A = arith.constant 468720 : i32
      %add3A_869 = arith.addi %add3A, %div3A_868 : i32
      %dma_wait3A = arith.constant 0 : i32
      %dma_wait3A_870 = tpu.memref_slice %arg4[%add3A_869, %dma_wait3A] : memref<1000000x32xf32, #tpu.memory_space<hbm>> -> memref<1x32xf32, #tpu.memory_space<hbm>>
      %dma_wait3A_871 = arith.constant 0 : i32
      %dma_wait3A_872 = tpu.memref_slice %arg1[%rem3A_867, %dma_wait3A_871] : memref<16384x32xf32, #tpu.memory_space<hbm>> -> memref<1x32xf32, #tpu.memory_space<hbm>>
      tpu.wait_dma2 semaphore(%arg5 : memref<!tpu.dma_semaphore, #tpu.memory_space<semaphore_mem>>) src(%dma_wait3A_872 : memref<1x32xf32, #tpu.memory_space<hbm>>) dst(%dma_wait3A_870 : memref<1x32xf32, #tpu.memory_space<hbm>>)
      %while3A_873 = arith.constant 0 : i32
      scf.yield %while3A_873 : i32
    }
    %while3A_428 = arith.constant 1 : i32
    %while3A_429 = scf.for %while3A_862 = %while3A_425 to %while3A_421 step %while3A_428 iter_args(%while3A_863 = %while3A_427) -> (i32)  : i32 {
      %get3A_864 = arith.constant 15 : index
      %get3A_865 = arith.index_cast %while3A_862 : i32 to index
      %get3A_866 = memref.load %arg2[%get3A_864, %get3A_865] : memref<32x512xi32, #tpu.memory_space<smem>>
      %rem3A = arith.constant 16384 : i32
      %rem3A_867 = arith.remsi %get3A_866, %rem3A : i32
      %div3A = arith.constant 16384 : i32
      %div3A_868 = arith.divsi %get3A_866, %div3A : i32
      %add3A = arith.constant 468720 : i32
      %add3A_869 = arith.addi %add3A, %div3A_868 : i32
      %dma_wait3A = arith.constant 0 : i32
      %dma_wait3A_870 = tpu.memref_slice %arg4[%add3A_869, %dma_wait3A] : memref<1000000x32xf32, #tpu.memory_space<hbm>> -> memref<1x32xf32, #tpu.memory_space<hbm>>
      %dma_wait3A_871 = arith.constant 0 : i32
      %dma_wait3A_872 = tpu.memref_slice %arg1[%rem3A_867, %dma_wait3A_871] : memref<16384x32xf32, #tpu.memory_space<hbm>> -> memref<1x32xf32, #tpu.memory_space<hbm>>
      tpu.wait_dma2 semaphore(%arg5 : memref<!tpu.dma_semaphore, #tpu.memory_space<semaphore_mem>>) src(%dma_wait3A_872 : memref<1x32xf32, #tpu.memory_space<hbm>>) dst(%dma_wait3A_870 : memref<1x32xf32, #tpu.memory_space<hbm>>)
      %while3A_873 = arith.constant 0 : i32
      scf.yield %while3A_873 : i32
    }
    %get3A_430 = arith.constant 16 : index
    %get3A_431 = arith.constant 0 : index
    %get3A_432 = memref.load %arg3[%get3A_430, %get3A_431] : memref<32x16xi32, #tpu.memory_space<smem>>
    %while3A_433 = arith.constant 0 : i32
    %while3A_434 = arith.constant 0 : i32
    %while3A_435 = arith.subi %get3A_432, %while3A_433 : i32
    %while3A_436 = arith.addi %while3A_433, %while3A_435 : i32
    %while3A_437 = arith.constant 1 : i32
    %while3A_438 = arith.divsi %while3A_435, %while3A_437 : i32
    %while3A_439 = arith.muli %while3A_438, %while3A_437 : i32
    %while3A_440 = arith.addi %while3A_433, %while3A_439 : i32
    %while3A_441 = arith.constant 1 : i32
    %while3A_442 = scf.for %while3A_862 = %while3A_433 to %while3A_440 step %while3A_441 iter_args(%while3A_863 = %while3A_434) -> (i32)  : i32 {
      %get3A_864 = arith.constant 16 : index
      %get3A_865 = arith.index_cast %while3A_862 : i32 to index
      %get3A_866 = memref.load %arg2[%get3A_864, %get3A_865] : memref<32x512xi32, #tpu.memory_space<smem>>
      %rem3A = arith.constant 16384 : i32
      %rem3A_867 = arith.remsi %get3A_866, %rem3A : i32
      %div3A = arith.constant 16384 : i32
      %div3A_868 = arith.divsi %get3A_866, %div3A : i32
      %add3A = arith.constant 499968 : i32
      %add3A_869 = arith.addi %add3A, %div3A_868 : i32
      %dma_start3A = arith.constant 0 : i32
      %dma_start3A_870 = tpu.memref_slice %arg4[%add3A_869, %dma_start3A] : memref<1000000x32xf32, #tpu.memory_space<hbm>> -> memref<1x32xf32, #tpu.memory_space<hbm>>
      %dma_start3A_871 = arith.constant 0 : i32
      %dma_start3A_872 = tpu.memref_slice %arg1[%rem3A_867, %dma_start3A_871] : memref<16384x32xf32, #tpu.memory_space<hbm>> -> memref<1x32xf32, #tpu.memory_space<hbm>>
      tpu.enqueue_dma source(%dma_start3A_872 : memref<1x32xf32, #tpu.memory_space<hbm>>) target(%dma_start3A_870 : memref<1x32xf32, #tpu.memory_space<hbm>>) target_semaphore(%arg5 : memref<!tpu.dma_semaphore, #tpu.memory_space<semaphore_mem>>)
      %while3A_873 = arith.constant 0 : i32
      scf.yield %while3A_873 : i32
    }
    %while3A_443 = arith.constant 1 : i32
    %while3A_444 = scf.for %while3A_862 = %while3A_440 to %while3A_436 step %while3A_443 iter_args(%while3A_863 = %while3A_442) -> (i32)  : i32 {
      %get3A_864 = arith.constant 16 : index
      %get3A_865 = arith.index_cast %while3A_862 : i32 to index
      %get3A_866 = memref.load %arg2[%get3A_864, %get3A_865] : memref<32x512xi32, #tpu.memory_space<smem>>
      %rem3A = arith.constant 16384 : i32
      %rem3A_867 = arith.remsi %get3A_866, %rem3A : i32
      %div3A = arith.constant 16384 : i32
      %div3A_868 = arith.divsi %get3A_866, %div3A : i32
      %add3A = arith.constant 499968 : i32
      %add3A_869 = arith.addi %add3A, %div3A_868 : i32
      %dma_start3A = arith.constant 0 : i32
      %dma_start3A_870 = tpu.memref_slice %arg4[%add3A_869, %dma_start3A] : memref<1000000x32xf32, #tpu.memory_space<hbm>> -> memref<1x32xf32, #tpu.memory_space<hbm>>
      %dma_start3A_871 = arith.constant 0 : i32
      %dma_start3A_872 = tpu.memref_slice %arg1[%rem3A_867, %dma_start3A_871] : memref<16384x32xf32, #tpu.memory_space<hbm>> -> memref<1x32xf32, #tpu.memory_space<hbm>>
      tpu.enqueue_dma source(%dma_start3A_872 : memref<1x32xf32, #tpu.memory_space<hbm>>) target(%dma_start3A_870 : memref<1x32xf32, #tpu.memory_space<hbm>>) target_semaphore(%arg5 : memref<!tpu.dma_semaphore, #tpu.memory_space<semaphore_mem>>)
      %while3A_873 = arith.constant 0 : i32
      scf.yield %while3A_873 : i32
    }
    %while3A_445 = arith.constant 0 : i32
    %while3A_446 = arith.constant 0 : i32
    %while3A_447 = arith.subi %get3A_432, %while3A_445 : i32
    %while3A_448 = arith.addi %while3A_445, %while3A_447 : i32
    %while3A_449 = arith.constant 1 : i32
    %while3A_450 = arith.divsi %while3A_447, %while3A_449 : i32
    %while3A_451 = arith.muli %while3A_450, %while3A_449 : i32
    %while3A_452 = arith.addi %while3A_445, %while3A_451 : i32
    %while3A_453 = arith.constant 1 : i32
    %while3A_454 = scf.for %while3A_862 = %while3A_445 to %while3A_452 step %while3A_453 iter_args(%while3A_863 = %while3A_446) -> (i32)  : i32 {
      %get3A_864 = arith.constant 16 : index
      %get3A_865 = arith.index_cast %while3A_862 : i32 to index
      %get3A_866 = memref.load %arg2[%get3A_864, %get3A_865] : memref<32x512xi32, #tpu.memory_space<smem>>
      %rem3A = arith.constant 16384 : i32
      %rem3A_867 = arith.remsi %get3A_866, %rem3A : i32
      %div3A = arith.constant 16384 : i32
      %div3A_868 = arith.divsi %get3A_866, %div3A : i32
      %add3A = arith.constant 499968 : i32
      %add3A_869 = arith.addi %add3A, %div3A_868 : i32
      %dma_wait3A = arith.constant 0 : i32
      %dma_wait3A_870 = tpu.memref_slice %arg4[%add3A_869, %dma_wait3A] : memref<1000000x32xf32, #tpu.memory_space<hbm>> -> memref<1x32xf32, #tpu.memory_space<hbm>>
      %dma_wait3A_871 = arith.constant 0 : i32
      %dma_wait3A_872 = tpu.memref_slice %arg1[%rem3A_867, %dma_wait3A_871] : memref<16384x32xf32, #tpu.memory_space<hbm>> -> memref<1x32xf32, #tpu.memory_space<hbm>>
      tpu.wait_dma2 semaphore(%arg5 : memref<!tpu.dma_semaphore, #tpu.memory_space<semaphore_mem>>) src(%dma_wait3A_872 : memref<1x32xf32, #tpu.memory_space<hbm>>) dst(%dma_wait3A_870 : memref<1x32xf32, #tpu.memory_space<hbm>>)
      %while3A_873 = arith.constant 0 : i32
      scf.yield %while3A_873 : i32
    }
    %while3A_455 = arith.constant 1 : i32
    %while3A_456 = scf.for %while3A_862 = %while3A_452 to %while3A_448 step %while3A_455 iter_args(%while3A_863 = %while3A_454) -> (i32)  : i32 {
      %get3A_864 = arith.constant 16 : index
      %get3A_865 = arith.index_cast %while3A_862 : i32 to index
      %get3A_866 = memref.load %arg2[%get3A_864, %get3A_865] : memref<32x512xi32, #tpu.memory_space<smem>>
      %rem3A = arith.constant 16384 : i32
      %rem3A_867 = arith.remsi %get3A_866, %rem3A : i32
      %div3A = arith.constant 16384 : i32
      %div3A_868 = arith.divsi %get3A_866, %div3A : i32
      %add3A = arith.constant 499968 : i32
      %add3A_869 = arith.addi %add3A, %div3A_868 : i32
      %dma_wait3A = arith.constant 0 : i32
      %dma_wait3A_870 = tpu.memref_slice %arg4[%add3A_869, %dma_wait3A] : memref<1000000x32xf32, #tpu.memory_space<hbm>> -> memref<1x32xf32, #tpu.memory_space<hbm>>
      %dma_wait3A_871 = arith.constant 0 : i32
      %dma_wait3A_872 = tpu.memref_slice %arg1[%rem3A_867, %dma_wait3A_871] : memref<16384x32xf32, #tpu.memory_space<hbm>> -> memref<1x32xf32, #tpu.memory_space<hbm>>
      tpu.wait_dma2 semaphore(%arg5 : memref<!tpu.dma_semaphore, #tpu.memory_space<semaphore_mem>>) src(%dma_wait3A_872 : memref<1x32xf32, #tpu.memory_space<hbm>>) dst(%dma_wait3A_870 : memref<1x32xf32, #tpu.memory_space<hbm>>)
      %while3A_873 = arith.constant 0 : i32
      scf.yield %while3A_873 : i32
    }
    %get3A_457 = arith.constant 17 : index
    %get3A_458 = arith.constant 0 : index
    %get3A_459 = memref.load %arg3[%get3A_457, %get3A_458] : memref<32x16xi32, #tpu.memory_space<smem>>
    %while3A_460 = arith.constant 0 : i32
    %while3A_461 = arith.constant 0 : i32
    %while3A_462 = arith.subi %get3A_459, %while3A_460 : i32
    %while3A_463 = arith.addi %while3A_460, %while3A_462 : i32
    %while3A_464 = arith.constant 1 : i32
    %while3A_465 = arith.divsi %while3A_462, %while3A_464 : i32
    %while3A_466 = arith.muli %while3A_465, %while3A_464 : i32
    %while3A_467 = arith.addi %while3A_460, %while3A_466 : i32
    %while3A_468 = arith.constant 1 : i32
    %while3A_469 = scf.for %while3A_862 = %while3A_460 to %while3A_467 step %while3A_468 iter_args(%while3A_863 = %while3A_461) -> (i32)  : i32 {
      %get3A_864 = arith.constant 17 : index
      %get3A_865 = arith.index_cast %while3A_862 : i32 to index
      %get3A_866 = memref.load %arg2[%get3A_864, %get3A_865] : memref<32x512xi32, #tpu.memory_space<smem>>
      %rem3A = arith.constant 16384 : i32
      %rem3A_867 = arith.remsi %get3A_866, %rem3A : i32
      %div3A = arith.constant 16384 : i32
      %div3A_868 = arith.divsi %get3A_866, %div3A : i32
      %add3A = arith.constant 531216 : i32
      %add3A_869 = arith.addi %add3A, %div3A_868 : i32
      %dma_start3A = arith.constant 0 : i32
      %dma_start3A_870 = tpu.memref_slice %arg4[%add3A_869, %dma_start3A] : memref<1000000x32xf32, #tpu.memory_space<hbm>> -> memref<1x32xf32, #tpu.memory_space<hbm>>
      %dma_start3A_871 = arith.constant 0 : i32
      %dma_start3A_872 = tpu.memref_slice %arg1[%rem3A_867, %dma_start3A_871] : memref<16384x32xf32, #tpu.memory_space<hbm>> -> memref<1x32xf32, #tpu.memory_space<hbm>>
      tpu.enqueue_dma source(%dma_start3A_872 : memref<1x32xf32, #tpu.memory_space<hbm>>) target(%dma_start3A_870 : memref<1x32xf32, #tpu.memory_space<hbm>>) target_semaphore(%arg5 : memref<!tpu.dma_semaphore, #tpu.memory_space<semaphore_mem>>)
      %while3A_873 = arith.constant 0 : i32
      scf.yield %while3A_873 : i32
    }
    %while3A_470 = arith.constant 1 : i32
    %while3A_471 = scf.for %while3A_862 = %while3A_467 to %while3A_463 step %while3A_470 iter_args(%while3A_863 = %while3A_469) -> (i32)  : i32 {
      %get3A_864 = arith.constant 17 : index
      %get3A_865 = arith.index_cast %while3A_862 : i32 to index
      %get3A_866 = memref.load %arg2[%get3A_864, %get3A_865] : memref<32x512xi32, #tpu.memory_space<smem>>
      %rem3A = arith.constant 16384 : i32
      %rem3A_867 = arith.remsi %get3A_866, %rem3A : i32
      %div3A = arith.constant 16384 : i32
      %div3A_868 = arith.divsi %get3A_866, %div3A : i32
      %add3A = arith.constant 531216 : i32
      %add3A_869 = arith.addi %add3A, %div3A_868 : i32
      %dma_start3A = arith.constant 0 : i32
      %dma_start3A_870 = tpu.memref_slice %arg4[%add3A_869, %dma_start3A] : memref<1000000x32xf32, #tpu.memory_space<hbm>> -> memref<1x32xf32, #tpu.memory_space<hbm>>
      %dma_start3A_871 = arith.constant 0 : i32
      %dma_start3A_872 = tpu.memref_slice %arg1[%rem3A_867, %dma_start3A_871] : memref<16384x32xf32, #tpu.memory_space<hbm>> -> memref<1x32xf32, #tpu.memory_space<hbm>>
      tpu.enqueue_dma source(%dma_start3A_872 : memref<1x32xf32, #tpu.memory_space<hbm>>) target(%dma_start3A_870 : memref<1x32xf32, #tpu.memory_space<hbm>>) target_semaphore(%arg5 : memref<!tpu.dma_semaphore, #tpu.memory_space<semaphore_mem>>)
      %while3A_873 = arith.constant 0 : i32
      scf.yield %while3A_873 : i32
    }
    %while3A_472 = arith.constant 0 : i32
    %while3A_473 = arith.constant 0 : i32
    %while3A_474 = arith.subi %get3A_459, %while3A_472 : i32
    %while3A_475 = arith.addi %while3A_472, %while3A_474 : i32
    %while3A_476 = arith.constant 1 : i32
    %while3A_477 = arith.divsi %while3A_474, %while3A_476 : i32
    %while3A_478 = arith.muli %while3A_477, %while3A_476 : i32
    %while3A_479 = arith.addi %while3A_472, %while3A_478 : i32
    %while3A_480 = arith.constant 1 : i32
    %while3A_481 = scf.for %while3A_862 = %while3A_472 to %while3A_479 step %while3A_480 iter_args(%while3A_863 = %while3A_473) -> (i32)  : i32 {
      %get3A_864 = arith.constant 17 : index
      %get3A_865 = arith.index_cast %while3A_862 : i32 to index
      %get3A_866 = memref.load %arg2[%get3A_864, %get3A_865] : memref<32x512xi32, #tpu.memory_space<smem>>
      %rem3A = arith.constant 16384 : i32
      %rem3A_867 = arith.remsi %get3A_866, %rem3A : i32
      %div3A = arith.constant 16384 : i32
      %div3A_868 = arith.divsi %get3A_866, %div3A : i32
      %add3A = arith.constant 531216 : i32
      %add3A_869 = arith.addi %add3A, %div3A_868 : i32
      %dma_wait3A = arith.constant 0 : i32
      %dma_wait3A_870 = tpu.memref_slice %arg4[%add3A_869, %dma_wait3A] : memref<1000000x32xf32, #tpu.memory_space<hbm>> -> memref<1x32xf32, #tpu.memory_space<hbm>>
      %dma_wait3A_871 = arith.constant 0 : i32
      %dma_wait3A_872 = tpu.memref_slice %arg1[%rem3A_867, %dma_wait3A_871] : memref<16384x32xf32, #tpu.memory_space<hbm>> -> memref<1x32xf32, #tpu.memory_space<hbm>>
      tpu.wait_dma2 semaphore(%arg5 : memref<!tpu.dma_semaphore, #tpu.memory_space<semaphore_mem>>) src(%dma_wait3A_872 : memref<1x32xf32, #tpu.memory_space<hbm>>) dst(%dma_wait3A_870 : memref<1x32xf32, #tpu.memory_space<hbm>>)
      %while3A_873 = arith.constant 0 : i32
      scf.yield %while3A_873 : i32
    }
    %while3A_482 = arith.constant 1 : i32
    %while3A_483 = scf.for %while3A_862 = %while3A_479 to %while3A_475 step %while3A_482 iter_args(%while3A_863 = %while3A_481) -> (i32)  : i32 {
      %get3A_864 = arith.constant 17 : index
      %get3A_865 = arith.index_cast %while3A_862 : i32 to index
      %get3A_866 = memref.load %arg2[%get3A_864, %get3A_865] : memref<32x512xi32, #tpu.memory_space<smem>>
      %rem3A = arith.constant 16384 : i32
      %rem3A_867 = arith.remsi %get3A_866, %rem3A : i32
      %div3A = arith.constant 16384 : i32
      %div3A_868 = arith.divsi %get3A_866, %div3A : i32
      %add3A = arith.constant 531216 : i32
      %add3A_869 = arith.addi %add3A, %div3A_868 : i32
      %dma_wait3A = arith.constant 0 : i32
      %dma_wait3A_870 = tpu.memref_slice %arg4[%add3A_869, %dma_wait3A] : memref<1000000x32xf32, #tpu.memory_space<hbm>> -> memref<1x32xf32, #tpu.memory_space<hbm>>
      %dma_wait3A_871 = arith.constant 0 : i32
      %dma_wait3A_872 = tpu.memref_slice %arg1[%rem3A_867, %dma_wait3A_871] : memref<16384x32xf32, #tpu.memory_space<hbm>> -> memref<1x32xf32, #tpu.memory_space<hbm>>
      tpu.wait_dma2 semaphore(%arg5 : memref<!tpu.dma_semaphore, #tpu.memory_space<semaphore_mem>>) src(%dma_wait3A_872 : memref<1x32xf32, #tpu.memory_space<hbm>>) dst(%dma_wait3A_870 : memref<1x32xf32, #tpu.memory_space<hbm>>)
      %while3A_873 = arith.constant 0 : i32
      scf.yield %while3A_873 : i32
    }
    %get3A_484 = arith.constant 18 : index
    %get3A_485 = arith.constant 0 : index
    %get3A_486 = memref.load %arg3[%get3A_484, %get3A_485] : memref<32x16xi32, #tpu.memory_space<smem>>
    %while3A_487 = arith.constant 0 : i32
    %while3A_488 = arith.constant 0 : i32
    %while3A_489 = arith.subi %get3A_486, %while3A_487 : i32
    %while3A_490 = arith.addi %while3A_487, %while3A_489 : i32
    %while3A_491 = arith.constant 1 : i32
    %while3A_492 = arith.divsi %while3A_489, %while3A_491 : i32
    %while3A_493 = arith.muli %while3A_492, %while3A_491 : i32
    %while3A_494 = arith.addi %while3A_487, %while3A_493 : i32
    %while3A_495 = arith.constant 1 : i32
    %while3A_496 = scf.for %while3A_862 = %while3A_487 to %while3A_494 step %while3A_495 iter_args(%while3A_863 = %while3A_488) -> (i32)  : i32 {
      %get3A_864 = arith.constant 18 : index
      %get3A_865 = arith.index_cast %while3A_862 : i32 to index
      %get3A_866 = memref.load %arg2[%get3A_864, %get3A_865] : memref<32x512xi32, #tpu.memory_space<smem>>
      %rem3A = arith.constant 16384 : i32
      %rem3A_867 = arith.remsi %get3A_866, %rem3A : i32
      %div3A = arith.constant 16384 : i32
      %div3A_868 = arith.divsi %get3A_866, %div3A : i32
      %add3A = arith.constant 562464 : i32
      %add3A_869 = arith.addi %add3A, %div3A_868 : i32
      %dma_start3A = arith.constant 0 : i32
      %dma_start3A_870 = tpu.memref_slice %arg4[%add3A_869, %dma_start3A] : memref<1000000x32xf32, #tpu.memory_space<hbm>> -> memref<1x32xf32, #tpu.memory_space<hbm>>
      %dma_start3A_871 = arith.constant 0 : i32
      %dma_start3A_872 = tpu.memref_slice %arg1[%rem3A_867, %dma_start3A_871] : memref<16384x32xf32, #tpu.memory_space<hbm>> -> memref<1x32xf32, #tpu.memory_space<hbm>>
      tpu.enqueue_dma source(%dma_start3A_872 : memref<1x32xf32, #tpu.memory_space<hbm>>) target(%dma_start3A_870 : memref<1x32xf32, #tpu.memory_space<hbm>>) target_semaphore(%arg5 : memref<!tpu.dma_semaphore, #tpu.memory_space<semaphore_mem>>)
      %while3A_873 = arith.constant 0 : i32
      scf.yield %while3A_873 : i32
    }
    %while3A_497 = arith.constant 1 : i32
    %while3A_498 = scf.for %while3A_862 = %while3A_494 to %while3A_490 step %while3A_497 iter_args(%while3A_863 = %while3A_496) -> (i32)  : i32 {
      %get3A_864 = arith.constant 18 : index
      %get3A_865 = arith.index_cast %while3A_862 : i32 to index
      %get3A_866 = memref.load %arg2[%get3A_864, %get3A_865] : memref<32x512xi32, #tpu.memory_space<smem>>
      %rem3A = arith.constant 16384 : i32
      %rem3A_867 = arith.remsi %get3A_866, %rem3A : i32
      %div3A = arith.constant 16384 : i32
      %div3A_868 = arith.divsi %get3A_866, %div3A : i32
      %add3A = arith.constant 562464 : i32
      %add3A_869 = arith.addi %add3A, %div3A_868 : i32
      %dma_start3A = arith.constant 0 : i32
      %dma_start3A_870 = tpu.memref_slice %arg4[%add3A_869, %dma_start3A] : memref<1000000x32xf32, #tpu.memory_space<hbm>> -> memref<1x32xf32, #tpu.memory_space<hbm>>
      %dma_start3A_871 = arith.constant 0 : i32
      %dma_start3A_872 = tpu.memref_slice %arg1[%rem3A_867, %dma_start3A_871] : memref<16384x32xf32, #tpu.memory_space<hbm>> -> memref<1x32xf32, #tpu.memory_space<hbm>>
      tpu.enqueue_dma source(%dma_start3A_872 : memref<1x32xf32, #tpu.memory_space<hbm>>) target(%dma_start3A_870 : memref<1x32xf32, #tpu.memory_space<hbm>>) target_semaphore(%arg5 : memref<!tpu.dma_semaphore, #tpu.memory_space<semaphore_mem>>)
      %while3A_873 = arith.constant 0 : i32
      scf.yield %while3A_873 : i32
    }
    %while3A_499 = arith.constant 0 : i32
    %while3A_500 = arith.constant 0 : i32
    %while3A_501 = arith.subi %get3A_486, %while3A_499 : i32
    %while3A_502 = arith.addi %while3A_499, %while3A_501 : i32
    %while3A_503 = arith.constant 1 : i32
    %while3A_504 = arith.divsi %while3A_501, %while3A_503 : i32
    %while3A_505 = arith.muli %while3A_504, %while3A_503 : i32
    %while3A_506 = arith.addi %while3A_499, %while3A_505 : i32
    %while3A_507 = arith.constant 1 : i32
    %while3A_508 = scf.for %while3A_862 = %while3A_499 to %while3A_506 step %while3A_507 iter_args(%while3A_863 = %while3A_500) -> (i32)  : i32 {
      %get3A_864 = arith.constant 18 : index
      %get3A_865 = arith.index_cast %while3A_862 : i32 to index
      %get3A_866 = memref.load %arg2[%get3A_864, %get3A_865] : memref<32x512xi32, #tpu.memory_space<smem>>
      %rem3A = arith.constant 16384 : i32
      %rem3A_867 = arith.remsi %get3A_866, %rem3A : i32
      %div3A = arith.constant 16384 : i32
      %div3A_868 = arith.divsi %get3A_866, %div3A : i32
      %add3A = arith.constant 562464 : i32
      %add3A_869 = arith.addi %add3A, %div3A_868 : i32
      %dma_wait3A = arith.constant 0 : i32
      %dma_wait3A_870 = tpu.memref_slice %arg4[%add3A_869, %dma_wait3A] : memref<1000000x32xf32, #tpu.memory_space<hbm>> -> memref<1x32xf32, #tpu.memory_space<hbm>>
      %dma_wait3A_871 = arith.constant 0 : i32
      %dma_wait3A_872 = tpu.memref_slice %arg1[%rem3A_867, %dma_wait3A_871] : memref<16384x32xf32, #tpu.memory_space<hbm>> -> memref<1x32xf32, #tpu.memory_space<hbm>>
      tpu.wait_dma2 semaphore(%arg5 : memref<!tpu.dma_semaphore, #tpu.memory_space<semaphore_mem>>) src(%dma_wait3A_872 : memref<1x32xf32, #tpu.memory_space<hbm>>) dst(%dma_wait3A_870 : memref<1x32xf32, #tpu.memory_space<hbm>>)
      %while3A_873 = arith.constant 0 : i32
      scf.yield %while3A_873 : i32
    }
    %while3A_509 = arith.constant 1 : i32
    %while3A_510 = scf.for %while3A_862 = %while3A_506 to %while3A_502 step %while3A_509 iter_args(%while3A_863 = %while3A_508) -> (i32)  : i32 {
      %get3A_864 = arith.constant 18 : index
      %get3A_865 = arith.index_cast %while3A_862 : i32 to index
      %get3A_866 = memref.load %arg2[%get3A_864, %get3A_865] : memref<32x512xi32, #tpu.memory_space<smem>>
      %rem3A = arith.constant 16384 : i32
      %rem3A_867 = arith.remsi %get3A_866, %rem3A : i32
      %div3A = arith.constant 16384 : i32
      %div3A_868 = arith.divsi %get3A_866, %div3A : i32
      %add3A = arith.constant 562464 : i32
      %add3A_869 = arith.addi %add3A, %div3A_868 : i32
      %dma_wait3A = arith.constant 0 : i32
      %dma_wait3A_870 = tpu.memref_slice %arg4[%add3A_869, %dma_wait3A] : memref<1000000x32xf32, #tpu.memory_space<hbm>> -> memref<1x32xf32, #tpu.memory_space<hbm>>
      %dma_wait3A_871 = arith.constant 0 : i32
      %dma_wait3A_872 = tpu.memref_slice %arg1[%rem3A_867, %dma_wait3A_871] : memref<16384x32xf32, #tpu.memory_space<hbm>> -> memref<1x32xf32, #tpu.memory_space<hbm>>
      tpu.wait_dma2 semaphore(%arg5 : memref<!tpu.dma_semaphore, #tpu.memory_space<semaphore_mem>>) src(%dma_wait3A_872 : memref<1x32xf32, #tpu.memory_space<hbm>>) dst(%dma_wait3A_870 : memref<1x32xf32, #tpu.memory_space<hbm>>)
      %while3A_873 = arith.constant 0 : i32
      scf.yield %while3A_873 : i32
    }
    %get3A_511 = arith.constant 19 : index
    %get3A_512 = arith.constant 0 : index
    %get3A_513 = memref.load %arg3[%get3A_511, %get3A_512] : memref<32x16xi32, #tpu.memory_space<smem>>
    %while3A_514 = arith.constant 0 : i32
    %while3A_515 = arith.constant 0 : i32
    %while3A_516 = arith.subi %get3A_513, %while3A_514 : i32
    %while3A_517 = arith.addi %while3A_514, %while3A_516 : i32
    %while3A_518 = arith.constant 1 : i32
    %while3A_519 = arith.divsi %while3A_516, %while3A_518 : i32
    %while3A_520 = arith.muli %while3A_519, %while3A_518 : i32
    %while3A_521 = arith.addi %while3A_514, %while3A_520 : i32
    %while3A_522 = arith.constant 1 : i32
    %while3A_523 = scf.for %while3A_862 = %while3A_514 to %while3A_521 step %while3A_522 iter_args(%while3A_863 = %while3A_515) -> (i32)  : i32 {
      %get3A_864 = arith.constant 19 : index
      %get3A_865 = arith.index_cast %while3A_862 : i32 to index
      %get3A_866 = memref.load %arg2[%get3A_864, %get3A_865] : memref<32x512xi32, #tpu.memory_space<smem>>
      %rem3A = arith.constant 16384 : i32
      %rem3A_867 = arith.remsi %get3A_866, %rem3A : i32
      %div3A = arith.constant 16384 : i32
      %div3A_868 = arith.divsi %get3A_866, %div3A : i32
      %add3A = arith.constant 593712 : i32
      %add3A_869 = arith.addi %add3A, %div3A_868 : i32
      %dma_start3A = arith.constant 0 : i32
      %dma_start3A_870 = tpu.memref_slice %arg4[%add3A_869, %dma_start3A] : memref<1000000x32xf32, #tpu.memory_space<hbm>> -> memref<1x32xf32, #tpu.memory_space<hbm>>
      %dma_start3A_871 = arith.constant 0 : i32
      %dma_start3A_872 = tpu.memref_slice %arg1[%rem3A_867, %dma_start3A_871] : memref<16384x32xf32, #tpu.memory_space<hbm>> -> memref<1x32xf32, #tpu.memory_space<hbm>>
      tpu.enqueue_dma source(%dma_start3A_872 : memref<1x32xf32, #tpu.memory_space<hbm>>) target(%dma_start3A_870 : memref<1x32xf32, #tpu.memory_space<hbm>>) target_semaphore(%arg5 : memref<!tpu.dma_semaphore, #tpu.memory_space<semaphore_mem>>)
      %while3A_873 = arith.constant 0 : i32
      scf.yield %while3A_873 : i32
    }
    %while3A_524 = arith.constant 1 : i32
    %while3A_525 = scf.for %while3A_862 = %while3A_521 to %while3A_517 step %while3A_524 iter_args(%while3A_863 = %while3A_523) -> (i32)  : i32 {
      %get3A_864 = arith.constant 19 : index
      %get3A_865 = arith.index_cast %while3A_862 : i32 to index
      %get3A_866 = memref.load %arg2[%get3A_864, %get3A_865] : memref<32x512xi32, #tpu.memory_space<smem>>
      %rem3A = arith.constant 16384 : i32
      %rem3A_867 = arith.remsi %get3A_866, %rem3A : i32
      %div3A = arith.constant 16384 : i32
      %div3A_868 = arith.divsi %get3A_866, %div3A : i32
      %add3A = arith.constant 593712 : i32
      %add3A_869 = arith.addi %add3A, %div3A_868 : i32
      %dma_start3A = arith.constant 0 : i32
      %dma_start3A_870 = tpu.memref_slice %arg4[%add3A_869, %dma_start3A] : memref<1000000x32xf32, #tpu.memory_space<hbm>> -> memref<1x32xf32, #tpu.memory_space<hbm>>
      %dma_start3A_871 = arith.constant 0 : i32
      %dma_start3A_872 = tpu.memref_slice %arg1[%rem3A_867, %dma_start3A_871] : memref<16384x32xf32, #tpu.memory_space<hbm>> -> memref<1x32xf32, #tpu.memory_space<hbm>>
      tpu.enqueue_dma source(%dma_start3A_872 : memref<1x32xf32, #tpu.memory_space<hbm>>) target(%dma_start3A_870 : memref<1x32xf32, #tpu.memory_space<hbm>>) target_semaphore(%arg5 : memref<!tpu.dma_semaphore, #tpu.memory_space<semaphore_mem>>)
      %while3A_873 = arith.constant 0 : i32
      scf.yield %while3A_873 : i32
    }
    %while3A_526 = arith.constant 0 : i32
    %while3A_527 = arith.constant 0 : i32
    %while3A_528 = arith.subi %get3A_513, %while3A_526 : i32
    %while3A_529 = arith.addi %while3A_526, %while3A_528 : i32
    %while3A_530 = arith.constant 1 : i32
    %while3A_531 = arith.divsi %while3A_528, %while3A_530 : i32
    %while3A_532 = arith.muli %while3A_531, %while3A_530 : i32
    %while3A_533 = arith.addi %while3A_526, %while3A_532 : i32
    %while3A_534 = arith.constant 1 : i32
    %while3A_535 = scf.for %while3A_862 = %while3A_526 to %while3A_533 step %while3A_534 iter_args(%while3A_863 = %while3A_527) -> (i32)  : i32 {
      %get3A_864 = arith.constant 19 : index
      %get3A_865 = arith.index_cast %while3A_862 : i32 to index
      %get3A_866 = memref.load %arg2[%get3A_864, %get3A_865] : memref<32x512xi32, #tpu.memory_space<smem>>
      %rem3A = arith.constant 16384 : i32
      %rem3A_867 = arith.remsi %get3A_866, %rem3A : i32
      %div3A = arith.constant 16384 : i32
      %div3A_868 = arith.divsi %get3A_866, %div3A : i32
      %add3A = arith.constant 593712 : i32
      %add3A_869 = arith.addi %add3A, %div3A_868 : i32
      %dma_wait3A = arith.constant 0 : i32
      %dma_wait3A_870 = tpu.memref_slice %arg4[%add3A_869, %dma_wait3A] : memref<1000000x32xf32, #tpu.memory_space<hbm>> -> memref<1x32xf32, #tpu.memory_space<hbm>>
      %dma_wait3A_871 = arith.constant 0 : i32
      %dma_wait3A_872 = tpu.memref_slice %arg1[%rem3A_867, %dma_wait3A_871] : memref<16384x32xf32, #tpu.memory_space<hbm>> -> memref<1x32xf32, #tpu.memory_space<hbm>>
      tpu.wait_dma2 semaphore(%arg5 : memref<!tpu.dma_semaphore, #tpu.memory_space<semaphore_mem>>) src(%dma_wait3A_872 : memref<1x32xf32, #tpu.memory_space<hbm>>) dst(%dma_wait3A_870 : memref<1x32xf32, #tpu.memory_space<hbm>>)
      %while3A_873 = arith.constant 0 : i32
      scf.yield %while3A_873 : i32
    }
    %while3A_536 = arith.constant 1 : i32
    %while3A_537 = scf.for %while3A_862 = %while3A_533 to %while3A_529 step %while3A_536 iter_args(%while3A_863 = %while3A_535) -> (i32)  : i32 {
      %get3A_864 = arith.constant 19 : index
      %get3A_865 = arith.index_cast %while3A_862 : i32 to index
      %get3A_866 = memref.load %arg2[%get3A_864, %get3A_865] : memref<32x512xi32, #tpu.memory_space<smem>>
      %rem3A = arith.constant 16384 : i32
      %rem3A_867 = arith.remsi %get3A_866, %rem3A : i32
      %div3A = arith.constant 16384 : i32
      %div3A_868 = arith.divsi %get3A_866, %div3A : i32
      %add3A = arith.constant 593712 : i32
      %add3A_869 = arith.addi %add3A, %div3A_868 : i32
      %dma_wait3A = arith.constant 0 : i32
      %dma_wait3A_870 = tpu.memref_slice %arg4[%add3A_869, %dma_wait3A] : memref<1000000x32xf32, #tpu.memory_space<hbm>> -> memref<1x32xf32, #tpu.memory_space<hbm>>
      %dma_wait3A_871 = arith.constant 0 : i32
      %dma_wait3A_872 = tpu.memref_slice %arg1[%rem3A_867, %dma_wait3A_871] : memref<16384x32xf32, #tpu.memory_space<hbm>> -> memref<1x32xf32, #tpu.memory_space<hbm>>
      tpu.wait_dma2 semaphore(%arg5 : memref<!tpu.dma_semaphore, #tpu.memory_space<semaphore_mem>>) src(%dma_wait3A_872 : memref<1x32xf32, #tpu.memory_space<hbm>>) dst(%dma_wait3A_870 : memref<1x32xf32, #tpu.memory_space<hbm>>)
      %while3A_873 = arith.constant 0 : i32
      scf.yield %while3A_873 : i32
    }
    %get3A_538 = arith.constant 20 : index
    %get3A_539 = arith.constant 0 : index
    %get3A_540 = memref.load %arg3[%get3A_538, %get3A_539] : memref<32x16xi32, #tpu.memory_space<smem>>
    %while3A_541 = arith.constant 0 : i32
    %while3A_542 = arith.constant 0 : i32
    %while3A_543 = arith.subi %get3A_540, %while3A_541 : i32
    %while3A_544 = arith.addi %while3A_541, %while3A_543 : i32
    %while3A_545 = arith.constant 1 : i32
    %while3A_546 = arith.divsi %while3A_543, %while3A_545 : i32
    %while3A_547 = arith.muli %while3A_546, %while3A_545 : i32
    %while3A_548 = arith.addi %while3A_541, %while3A_547 : i32
    %while3A_549 = arith.constant 1 : i32
    %while3A_550 = scf.for %while3A_862 = %while3A_541 to %while3A_548 step %while3A_549 iter_args(%while3A_863 = %while3A_542) -> (i32)  : i32 {
      %get3A_864 = arith.constant 20 : index
      %get3A_865 = arith.index_cast %while3A_862 : i32 to index
      %get3A_866 = memref.load %arg2[%get3A_864, %get3A_865] : memref<32x512xi32, #tpu.memory_space<smem>>
      %rem3A = arith.constant 16384 : i32
      %rem3A_867 = arith.remsi %get3A_866, %rem3A : i32
      %div3A = arith.constant 16384 : i32
      %div3A_868 = arith.divsi %get3A_866, %div3A : i32
      %add3A = arith.constant 624960 : i32
      %add3A_869 = arith.addi %add3A, %div3A_868 : i32
      %dma_start3A = arith.constant 0 : i32
      %dma_start3A_870 = tpu.memref_slice %arg4[%add3A_869, %dma_start3A] : memref<1000000x32xf32, #tpu.memory_space<hbm>> -> memref<1x32xf32, #tpu.memory_space<hbm>>
      %dma_start3A_871 = arith.constant 0 : i32
      %dma_start3A_872 = tpu.memref_slice %arg1[%rem3A_867, %dma_start3A_871] : memref<16384x32xf32, #tpu.memory_space<hbm>> -> memref<1x32xf32, #tpu.memory_space<hbm>>
      tpu.enqueue_dma source(%dma_start3A_872 : memref<1x32xf32, #tpu.memory_space<hbm>>) target(%dma_start3A_870 : memref<1x32xf32, #tpu.memory_space<hbm>>) target_semaphore(%arg5 : memref<!tpu.dma_semaphore, #tpu.memory_space<semaphore_mem>>)
      %while3A_873 = arith.constant 0 : i32
      scf.yield %while3A_873 : i32
    }
    %while3A_551 = arith.constant 1 : i32
    %while3A_552 = scf.for %while3A_862 = %while3A_548 to %while3A_544 step %while3A_551 iter_args(%while3A_863 = %while3A_550) -> (i32)  : i32 {
      %get3A_864 = arith.constant 20 : index
      %get3A_865 = arith.index_cast %while3A_862 : i32 to index
      %get3A_866 = memref.load %arg2[%get3A_864, %get3A_865] : memref<32x512xi32, #tpu.memory_space<smem>>
      %rem3A = arith.constant 16384 : i32
      %rem3A_867 = arith.remsi %get3A_866, %rem3A : i32
      %div3A = arith.constant 16384 : i32
      %div3A_868 = arith.divsi %get3A_866, %div3A : i32
      %add3A = arith.constant 624960 : i32
      %add3A_869 = arith.addi %add3A, %div3A_868 : i32
      %dma_start3A = arith.constant 0 : i32
      %dma_start3A_870 = tpu.memref_slice %arg4[%add3A_869, %dma_start3A] : memref<1000000x32xf32, #tpu.memory_space<hbm>> -> memref<1x32xf32, #tpu.memory_space<hbm>>
      %dma_start3A_871 = arith.constant 0 : i32
      %dma_start3A_872 = tpu.memref_slice %arg1[%rem3A_867, %dma_start3A_871] : memref<16384x32xf32, #tpu.memory_space<hbm>> -> memref<1x32xf32, #tpu.memory_space<hbm>>
      tpu.enqueue_dma source(%dma_start3A_872 : memref<1x32xf32, #tpu.memory_space<hbm>>) target(%dma_start3A_870 : memref<1x32xf32, #tpu.memory_space<hbm>>) target_semaphore(%arg5 : memref<!tpu.dma_semaphore, #tpu.memory_space<semaphore_mem>>)
      %while3A_873 = arith.constant 0 : i32
      scf.yield %while3A_873 : i32
    }
    %while3A_553 = arith.constant 0 : i32
    %while3A_554 = arith.constant 0 : i32
    %while3A_555 = arith.subi %get3A_540, %while3A_553 : i32
    %while3A_556 = arith.addi %while3A_553, %while3A_555 : i32
    %while3A_557 = arith.constant 1 : i32
    %while3A_558 = arith.divsi %while3A_555, %while3A_557 : i32
    %while3A_559 = arith.muli %while3A_558, %while3A_557 : i32
    %while3A_560 = arith.addi %while3A_553, %while3A_559 : i32
    %while3A_561 = arith.constant 1 : i32
    %while3A_562 = scf.for %while3A_862 = %while3A_553 to %while3A_560 step %while3A_561 iter_args(%while3A_863 = %while3A_554) -> (i32)  : i32 {
      %get3A_864 = arith.constant 20 : index
      %get3A_865 = arith.index_cast %while3A_862 : i32 to index
      %get3A_866 = memref.load %arg2[%get3A_864, %get3A_865] : memref<32x512xi32, #tpu.memory_space<smem>>
      %rem3A = arith.constant 16384 : i32
      %rem3A_867 = arith.remsi %get3A_866, %rem3A : i32
      %div3A = arith.constant 16384 : i32
      %div3A_868 = arith.divsi %get3A_866, %div3A : i32
      %add3A = arith.constant 624960 : i32
      %add3A_869 = arith.addi %add3A, %div3A_868 : i32
      %dma_wait3A = arith.constant 0 : i32
      %dma_wait3A_870 = tpu.memref_slice %arg4[%add3A_869, %dma_wait3A] : memref<1000000x32xf32, #tpu.memory_space<hbm>> -> memref<1x32xf32, #tpu.memory_space<hbm>>
      %dma_wait3A_871 = arith.constant 0 : i32
      %dma_wait3A_872 = tpu.memref_slice %arg1[%rem3A_867, %dma_wait3A_871] : memref<16384x32xf32, #tpu.memory_space<hbm>> -> memref<1x32xf32, #tpu.memory_space<hbm>>
      tpu.wait_dma2 semaphore(%arg5 : memref<!tpu.dma_semaphore, #tpu.memory_space<semaphore_mem>>) src(%dma_wait3A_872 : memref<1x32xf32, #tpu.memory_space<hbm>>) dst(%dma_wait3A_870 : memref<1x32xf32, #tpu.memory_space<hbm>>)
      %while3A_873 = arith.constant 0 : i32
      scf.yield %while3A_873 : i32
    }
    %while3A_563 = arith.constant 1 : i32
    %while3A_564 = scf.for %while3A_862 = %while3A_560 to %while3A_556 step %while3A_563 iter_args(%while3A_863 = %while3A_562) -> (i32)  : i32 {
      %get3A_864 = arith.constant 20 : index
      %get3A_865 = arith.index_cast %while3A_862 : i32 to index
      %get3A_866 = memref.load %arg2[%get3A_864, %get3A_865] : memref<32x512xi32, #tpu.memory_space<smem>>
      %rem3A = arith.constant 16384 : i32
      %rem3A_867 = arith.remsi %get3A_866, %rem3A : i32
      %div3A = arith.constant 16384 : i32
      %div3A_868 = arith.divsi %get3A_866, %div3A : i32
      %add3A = arith.constant 624960 : i32
      %add3A_869 = arith.addi %add3A, %div3A_868 : i32
      %dma_wait3A = arith.constant 0 : i32
      %dma_wait3A_870 = tpu.memref_slice %arg4[%add3A_869, %dma_wait3A] : memref<1000000x32xf32, #tpu.memory_space<hbm>> -> memref<1x32xf32, #tpu.memory_space<hbm>>
      %dma_wait3A_871 = arith.constant 0 : i32
      %dma_wait3A_872 = tpu.memref_slice %arg1[%rem3A_867, %dma_wait3A_871] : memref<16384x32xf32, #tpu.memory_space<hbm>> -> memref<1x32xf32, #tpu.memory_space<hbm>>
      tpu.wait_dma2 semaphore(%arg5 : memref<!tpu.dma_semaphore, #tpu.memory_space<semaphore_mem>>) src(%dma_wait3A_872 : memref<1x32xf32, #tpu.memory_space<hbm>>) dst(%dma_wait3A_870 : memref<1x32xf32, #tpu.memory_space<hbm>>)
      %while3A_873 = arith.constant 0 : i32
      scf.yield %while3A_873 : i32
    }
    %get3A_565 = arith.constant 21 : index
    %get3A_566 = arith.constant 0 : index
    %get3A_567 = memref.load %arg3[%get3A_565, %get3A_566] : memref<32x16xi32, #tpu.memory_space<smem>>
    %while3A_568 = arith.constant 0 : i32
    %while3A_569 = arith.constant 0 : i32
    %while3A_570 = arith.subi %get3A_567, %while3A_568 : i32
    %while3A_571 = arith.addi %while3A_568, %while3A_570 : i32
    %while3A_572 = arith.constant 1 : i32
    %while3A_573 = arith.divsi %while3A_570, %while3A_572 : i32
    %while3A_574 = arith.muli %while3A_573, %while3A_572 : i32
    %while3A_575 = arith.addi %while3A_568, %while3A_574 : i32
    %while3A_576 = arith.constant 1 : i32
    %while3A_577 = scf.for %while3A_862 = %while3A_568 to %while3A_575 step %while3A_576 iter_args(%while3A_863 = %while3A_569) -> (i32)  : i32 {
      %get3A_864 = arith.constant 21 : index
      %get3A_865 = arith.index_cast %while3A_862 : i32 to index
      %get3A_866 = memref.load %arg2[%get3A_864, %get3A_865] : memref<32x512xi32, #tpu.memory_space<smem>>
      %rem3A = arith.constant 16384 : i32
      %rem3A_867 = arith.remsi %get3A_866, %rem3A : i32
      %div3A = arith.constant 16384 : i32
      %div3A_868 = arith.divsi %get3A_866, %div3A : i32
      %add3A = arith.constant 656208 : i32
      %add3A_869 = arith.addi %add3A, %div3A_868 : i32
      %dma_start3A = arith.constant 0 : i32
      %dma_start3A_870 = tpu.memref_slice %arg4[%add3A_869, %dma_start3A] : memref<1000000x32xf32, #tpu.memory_space<hbm>> -> memref<1x32xf32, #tpu.memory_space<hbm>>
      %dma_start3A_871 = arith.constant 0 : i32
      %dma_start3A_872 = tpu.memref_slice %arg1[%rem3A_867, %dma_start3A_871] : memref<16384x32xf32, #tpu.memory_space<hbm>> -> memref<1x32xf32, #tpu.memory_space<hbm>>
      tpu.enqueue_dma source(%dma_start3A_872 : memref<1x32xf32, #tpu.memory_space<hbm>>) target(%dma_start3A_870 : memref<1x32xf32, #tpu.memory_space<hbm>>) target_semaphore(%arg5 : memref<!tpu.dma_semaphore, #tpu.memory_space<semaphore_mem>>)
      %while3A_873 = arith.constant 0 : i32
      scf.yield %while3A_873 : i32
    }
    %while3A_578 = arith.constant 1 : i32
    %while3A_579 = scf.for %while3A_862 = %while3A_575 to %while3A_571 step %while3A_578 iter_args(%while3A_863 = %while3A_577) -> (i32)  : i32 {
      %get3A_864 = arith.constant 21 : index
      %get3A_865 = arith.index_cast %while3A_862 : i32 to index
      %get3A_866 = memref.load %arg2[%get3A_864, %get3A_865] : memref<32x512xi32, #tpu.memory_space<smem>>
      %rem3A = arith.constant 16384 : i32
      %rem3A_867 = arith.remsi %get3A_866, %rem3A : i32
      %div3A = arith.constant 16384 : i32
      %div3A_868 = arith.divsi %get3A_866, %div3A : i32
      %add3A = arith.constant 656208 : i32
      %add3A_869 = arith.addi %add3A, %div3A_868 : i32
      %dma_start3A = arith.constant 0 : i32
      %dma_start3A_870 = tpu.memref_slice %arg4[%add3A_869, %dma_start3A] : memref<1000000x32xf32, #tpu.memory_space<hbm>> -> memref<1x32xf32, #tpu.memory_space<hbm>>
      %dma_start3A_871 = arith.constant 0 : i32
      %dma_start3A_872 = tpu.memref_slice %arg1[%rem3A_867, %dma_start3A_871] : memref<16384x32xf32, #tpu.memory_space<hbm>> -> memref<1x32xf32, #tpu.memory_space<hbm>>
      tpu.enqueue_dma source(%dma_start3A_872 : memref<1x32xf32, #tpu.memory_space<hbm>>) target(%dma_start3A_870 : memref<1x32xf32, #tpu.memory_space<hbm>>) target_semaphore(%arg5 : memref<!tpu.dma_semaphore, #tpu.memory_space<semaphore_mem>>)
      %while3A_873 = arith.constant 0 : i32
      scf.yield %while3A_873 : i32
    }
    %while3A_580 = arith.constant 0 : i32
    %while3A_581 = arith.constant 0 : i32
    %while3A_582 = arith.subi %get3A_567, %while3A_580 : i32
    %while3A_583 = arith.addi %while3A_580, %while3A_582 : i32
    %while3A_584 = arith.constant 1 : i32
    %while3A_585 = arith.divsi %while3A_582, %while3A_584 : i32
    %while3A_586 = arith.muli %while3A_585, %while3A_584 : i32
    %while3A_587 = arith.addi %while3A_580, %while3A_586 : i32
    %while3A_588 = arith.constant 1 : i32
    %while3A_589 = scf.for %while3A_862 = %while3A_580 to %while3A_587 step %while3A_588 iter_args(%while3A_863 = %while3A_581) -> (i32)  : i32 {
      %get3A_864 = arith.constant 21 : index
      %get3A_865 = arith.index_cast %while3A_862 : i32 to index
      %get3A_866 = memref.load %arg2[%get3A_864, %get3A_865] : memref<32x512xi32, #tpu.memory_space<smem>>
      %rem3A = arith.constant 16384 : i32
      %rem3A_867 = arith.remsi %get3A_866, %rem3A : i32
      %div3A = arith.constant 16384 : i32
      %div3A_868 = arith.divsi %get3A_866, %div3A : i32
      %add3A = arith.constant 656208 : i32
      %add3A_869 = arith.addi %add3A, %div3A_868 : i32
      %dma_wait3A = arith.constant 0 : i32
      %dma_wait3A_870 = tpu.memref_slice %arg4[%add3A_869, %dma_wait3A] : memref<1000000x32xf32, #tpu.memory_space<hbm>> -> memref<1x32xf32, #tpu.memory_space<hbm>>
      %dma_wait3A_871 = arith.constant 0 : i32
      %dma_wait3A_872 = tpu.memref_slice %arg1[%rem3A_867, %dma_wait3A_871] : memref<16384x32xf32, #tpu.memory_space<hbm>> -> memref<1x32xf32, #tpu.memory_space<hbm>>
      tpu.wait_dma2 semaphore(%arg5 : memref<!tpu.dma_semaphore, #tpu.memory_space<semaphore_mem>>) src(%dma_wait3A_872 : memref<1x32xf32, #tpu.memory_space<hbm>>) dst(%dma_wait3A_870 : memref<1x32xf32, #tpu.memory_space<hbm>>)
      %while3A_873 = arith.constant 0 : i32
      scf.yield %while3A_873 : i32
    }
    %while3A_590 = arith.constant 1 : i32
    %while3A_591 = scf.for %while3A_862 = %while3A_587 to %while3A_583 step %while3A_590 iter_args(%while3A_863 = %while3A_589) -> (i32)  : i32 {
      %get3A_864 = arith.constant 21 : index
      %get3A_865 = arith.index_cast %while3A_862 : i32 to index
      %get3A_866 = memref.load %arg2[%get3A_864, %get3A_865] : memref<32x512xi32, #tpu.memory_space<smem>>
      %rem3A = arith.constant 16384 : i32
      %rem3A_867 = arith.remsi %get3A_866, %rem3A : i32
      %div3A = arith.constant 16384 : i32
      %div3A_868 = arith.divsi %get3A_866, %div3A : i32
      %add3A = arith.constant 656208 : i32
      %add3A_869 = arith.addi %add3A, %div3A_868 : i32
      %dma_wait3A = arith.constant 0 : i32
      %dma_wait3A_870 = tpu.memref_slice %arg4[%add3A_869, %dma_wait3A] : memref<1000000x32xf32, #tpu.memory_space<hbm>> -> memref<1x32xf32, #tpu.memory_space<hbm>>
      %dma_wait3A_871 = arith.constant 0 : i32
      %dma_wait3A_872 = tpu.memref_slice %arg1[%rem3A_867, %dma_wait3A_871] : memref<16384x32xf32, #tpu.memory_space<hbm>> -> memref<1x32xf32, #tpu.memory_space<hbm>>
      tpu.wait_dma2 semaphore(%arg5 : memref<!tpu.dma_semaphore, #tpu.memory_space<semaphore_mem>>) src(%dma_wait3A_872 : memref<1x32xf32, #tpu.memory_space<hbm>>) dst(%dma_wait3A_870 : memref<1x32xf32, #tpu.memory_space<hbm>>)
      %while3A_873 = arith.constant 0 : i32
      scf.yield %while3A_873 : i32
    }
    %get3A_592 = arith.constant 22 : index
    %get3A_593 = arith.constant 0 : index
    %get3A_594 = memref.load %arg3[%get3A_592, %get3A_593] : memref<32x16xi32, #tpu.memory_space<smem>>
    %while3A_595 = arith.constant 0 : i32
    %while3A_596 = arith.constant 0 : i32
    %while3A_597 = arith.subi %get3A_594, %while3A_595 : i32
    %while3A_598 = arith.addi %while3A_595, %while3A_597 : i32
    %while3A_599 = arith.constant 1 : i32
    %while3A_600 = arith.divsi %while3A_597, %while3A_599 : i32
    %while3A_601 = arith.muli %while3A_600, %while3A_599 : i32
    %while3A_602 = arith.addi %while3A_595, %while3A_601 : i32
    %while3A_603 = arith.constant 1 : i32
    %while3A_604 = scf.for %while3A_862 = %while3A_595 to %while3A_602 step %while3A_603 iter_args(%while3A_863 = %while3A_596) -> (i32)  : i32 {
      %get3A_864 = arith.constant 22 : index
      %get3A_865 = arith.index_cast %while3A_862 : i32 to index
      %get3A_866 = memref.load %arg2[%get3A_864, %get3A_865] : memref<32x512xi32, #tpu.memory_space<smem>>
      %rem3A = arith.constant 16384 : i32
      %rem3A_867 = arith.remsi %get3A_866, %rem3A : i32
      %div3A = arith.constant 16384 : i32
      %div3A_868 = arith.divsi %get3A_866, %div3A : i32
      %add3A = arith.constant 687456 : i32
      %add3A_869 = arith.addi %add3A, %div3A_868 : i32
      %dma_start3A = arith.constant 0 : i32
      %dma_start3A_870 = tpu.memref_slice %arg4[%add3A_869, %dma_start3A] : memref<1000000x32xf32, #tpu.memory_space<hbm>> -> memref<1x32xf32, #tpu.memory_space<hbm>>
      %dma_start3A_871 = arith.constant 0 : i32
      %dma_start3A_872 = tpu.memref_slice %arg1[%rem3A_867, %dma_start3A_871] : memref<16384x32xf32, #tpu.memory_space<hbm>> -> memref<1x32xf32, #tpu.memory_space<hbm>>
      tpu.enqueue_dma source(%dma_start3A_872 : memref<1x32xf32, #tpu.memory_space<hbm>>) target(%dma_start3A_870 : memref<1x32xf32, #tpu.memory_space<hbm>>) target_semaphore(%arg5 : memref<!tpu.dma_semaphore, #tpu.memory_space<semaphore_mem>>)
      %while3A_873 = arith.constant 0 : i32
      scf.yield %while3A_873 : i32
    }
    %while3A_605 = arith.constant 1 : i32
    %while3A_606 = scf.for %while3A_862 = %while3A_602 to %while3A_598 step %while3A_605 iter_args(%while3A_863 = %while3A_604) -> (i32)  : i32 {
      %get3A_864 = arith.constant 22 : index
      %get3A_865 = arith.index_cast %while3A_862 : i32 to index
      %get3A_866 = memref.load %arg2[%get3A_864, %get3A_865] : memref<32x512xi32, #tpu.memory_space<smem>>
      %rem3A = arith.constant 16384 : i32
      %rem3A_867 = arith.remsi %get3A_866, %rem3A : i32
      %div3A = arith.constant 16384 : i32
      %div3A_868 = arith.divsi %get3A_866, %div3A : i32
      %add3A = arith.constant 687456 : i32
      %add3A_869 = arith.addi %add3A, %div3A_868 : i32
      %dma_start3A = arith.constant 0 : i32
      %dma_start3A_870 = tpu.memref_slice %arg4[%add3A_869, %dma_start3A] : memref<1000000x32xf32, #tpu.memory_space<hbm>> -> memref<1x32xf32, #tpu.memory_space<hbm>>
      %dma_start3A_871 = arith.constant 0 : i32
      %dma_start3A_872 = tpu.memref_slice %arg1[%rem3A_867, %dma_start3A_871] : memref<16384x32xf32, #tpu.memory_space<hbm>> -> memref<1x32xf32, #tpu.memory_space<hbm>>
      tpu.enqueue_dma source(%dma_start3A_872 : memref<1x32xf32, #tpu.memory_space<hbm>>) target(%dma_start3A_870 : memref<1x32xf32, #tpu.memory_space<hbm>>) target_semaphore(%arg5 : memref<!tpu.dma_semaphore, #tpu.memory_space<semaphore_mem>>)
      %while3A_873 = arith.constant 0 : i32
      scf.yield %while3A_873 : i32
    }
    %while3A_607 = arith.constant 0 : i32
    %while3A_608 = arith.constant 0 : i32
    %while3A_609 = arith.subi %get3A_594, %while3A_607 : i32
    %while3A_610 = arith.addi %while3A_607, %while3A_609 : i32
    %while3A_611 = arith.constant 1 : i32
    %while3A_612 = arith.divsi %while3A_609, %while3A_611 : i32
    %while3A_613 = arith.muli %while3A_612, %while3A_611 : i32
    %while3A_614 = arith.addi %while3A_607, %while3A_613 : i32
    %while3A_615 = arith.constant 1 : i32
    %while3A_616 = scf.for %while3A_862 = %while3A_607 to %while3A_614 step %while3A_615 iter_args(%while3A_863 = %while3A_608) -> (i32)  : i32 {
      %get3A_864 = arith.constant 22 : index
      %get3A_865 = arith.index_cast %while3A_862 : i32 to index
      %get3A_866 = memref.load %arg2[%get3A_864, %get3A_865] : memref<32x512xi32, #tpu.memory_space<smem>>
      %rem3A = arith.constant 16384 : i32
      %rem3A_867 = arith.remsi %get3A_866, %rem3A : i32
      %div3A = arith.constant 16384 : i32
      %div3A_868 = arith.divsi %get3A_866, %div3A : i32
      %add3A = arith.constant 687456 : i32
      %add3A_869 = arith.addi %add3A, %div3A_868 : i32
      %dma_wait3A = arith.constant 0 : i32
      %dma_wait3A_870 = tpu.memref_slice %arg4[%add3A_869, %dma_wait3A] : memref<1000000x32xf32, #tpu.memory_space<hbm>> -> memref<1x32xf32, #tpu.memory_space<hbm>>
      %dma_wait3A_871 = arith.constant 0 : i32
      %dma_wait3A_872 = tpu.memref_slice %arg1[%rem3A_867, %dma_wait3A_871] : memref<16384x32xf32, #tpu.memory_space<hbm>> -> memref<1x32xf32, #tpu.memory_space<hbm>>
      tpu.wait_dma2 semaphore(%arg5 : memref<!tpu.dma_semaphore, #tpu.memory_space<semaphore_mem>>) src(%dma_wait3A_872 : memref<1x32xf32, #tpu.memory_space<hbm>>) dst(%dma_wait3A_870 : memref<1x32xf32, #tpu.memory_space<hbm>>)
      %while3A_873 = arith.constant 0 : i32
      scf.yield %while3A_873 : i32
    }
    %while3A_617 = arith.constant 1 : i32
    %while3A_618 = scf.for %while3A_862 = %while3A_614 to %while3A_610 step %while3A_617 iter_args(%while3A_863 = %while3A_616) -> (i32)  : i32 {
      %get3A_864 = arith.constant 22 : index
      %get3A_865 = arith.index_cast %while3A_862 : i32 to index
      %get3A_866 = memref.load %arg2[%get3A_864, %get3A_865] : memref<32x512xi32, #tpu.memory_space<smem>>
      %rem3A = arith.constant 16384 : i32
      %rem3A_867 = arith.remsi %get3A_866, %rem3A : i32
      %div3A = arith.constant 16384 : i32
      %div3A_868 = arith.divsi %get3A_866, %div3A : i32
      %add3A = arith.constant 687456 : i32
      %add3A_869 = arith.addi %add3A, %div3A_868 : i32
      %dma_wait3A = arith.constant 0 : i32
      %dma_wait3A_870 = tpu.memref_slice %arg4[%add3A_869, %dma_wait3A] : memref<1000000x32xf32, #tpu.memory_space<hbm>> -> memref<1x32xf32, #tpu.memory_space<hbm>>
      %dma_wait3A_871 = arith.constant 0 : i32
      %dma_wait3A_872 = tpu.memref_slice %arg1[%rem3A_867, %dma_wait3A_871] : memref<16384x32xf32, #tpu.memory_space<hbm>> -> memref<1x32xf32, #tpu.memory_space<hbm>>
      tpu.wait_dma2 semaphore(%arg5 : memref<!tpu.dma_semaphore, #tpu.memory_space<semaphore_mem>>) src(%dma_wait3A_872 : memref<1x32xf32, #tpu.memory_space<hbm>>) dst(%dma_wait3A_870 : memref<1x32xf32, #tpu.memory_space<hbm>>)
      %while3A_873 = arith.constant 0 : i32
      scf.yield %while3A_873 : i32
    }
    %get3A_619 = arith.constant 23 : index
    %get3A_620 = arith.constant 0 : index
    %get3A_621 = memref.load %arg3[%get3A_619, %get3A_620] : memref<32x16xi32, #tpu.memory_space<smem>>
    %while3A_622 = arith.constant 0 : i32
    %while3A_623 = arith.constant 0 : i32
    %while3A_624 = arith.subi %get3A_621, %while3A_622 : i32
    %while3A_625 = arith.addi %while3A_622, %while3A_624 : i32
    %while3A_626 = arith.constant 1 : i32
    %while3A_627 = arith.divsi %while3A_624, %while3A_626 : i32
    %while3A_628 = arith.muli %while3A_627, %while3A_626 : i32
    %while3A_629 = arith.addi %while3A_622, %while3A_628 : i32
    %while3A_630 = arith.constant 1 : i32
    %while3A_631 = scf.for %while3A_862 = %while3A_622 to %while3A_629 step %while3A_630 iter_args(%while3A_863 = %while3A_623) -> (i32)  : i32 {
      %get3A_864 = arith.constant 23 : index
      %get3A_865 = arith.index_cast %while3A_862 : i32 to index
      %get3A_866 = memref.load %arg2[%get3A_864, %get3A_865] : memref<32x512xi32, #tpu.memory_space<smem>>
      %rem3A = arith.constant 16384 : i32
      %rem3A_867 = arith.remsi %get3A_866, %rem3A : i32
      %div3A = arith.constant 16384 : i32
      %div3A_868 = arith.divsi %get3A_866, %div3A : i32
      %add3A = arith.constant 718704 : i32
      %add3A_869 = arith.addi %add3A, %div3A_868 : i32
      %dma_start3A = arith.constant 0 : i32
      %dma_start3A_870 = tpu.memref_slice %arg4[%add3A_869, %dma_start3A] : memref<1000000x32xf32, #tpu.memory_space<hbm>> -> memref<1x32xf32, #tpu.memory_space<hbm>>
      %dma_start3A_871 = arith.constant 0 : i32
      %dma_start3A_872 = tpu.memref_slice %arg1[%rem3A_867, %dma_start3A_871] : memref<16384x32xf32, #tpu.memory_space<hbm>> -> memref<1x32xf32, #tpu.memory_space<hbm>>
      tpu.enqueue_dma source(%dma_start3A_872 : memref<1x32xf32, #tpu.memory_space<hbm>>) target(%dma_start3A_870 : memref<1x32xf32, #tpu.memory_space<hbm>>) target_semaphore(%arg5 : memref<!tpu.dma_semaphore, #tpu.memory_space<semaphore_mem>>)
      %while3A_873 = arith.constant 0 : i32
      scf.yield %while3A_873 : i32
    }
    %while3A_632 = arith.constant 1 : i32
    %while3A_633 = scf.for %while3A_862 = %while3A_629 to %while3A_625 step %while3A_632 iter_args(%while3A_863 = %while3A_631) -> (i32)  : i32 {
      %get3A_864 = arith.constant 23 : index
      %get3A_865 = arith.index_cast %while3A_862 : i32 to index
      %get3A_866 = memref.load %arg2[%get3A_864, %get3A_865] : memref<32x512xi32, #tpu.memory_space<smem>>
      %rem3A = arith.constant 16384 : i32
      %rem3A_867 = arith.remsi %get3A_866, %rem3A : i32
      %div3A = arith.constant 16384 : i32
      %div3A_868 = arith.divsi %get3A_866, %div3A : i32
      %add3A = arith.constant 718704 : i32
      %add3A_869 = arith.addi %add3A, %div3A_868 : i32
      %dma_start3A = arith.constant 0 : i32
      %dma_start3A_870 = tpu.memref_slice %arg4[%add3A_869, %dma_start3A] : memref<1000000x32xf32, #tpu.memory_space<hbm>> -> memref<1x32xf32, #tpu.memory_space<hbm>>
      %dma_start3A_871 = arith.constant 0 : i32
      %dma_start3A_872 = tpu.memref_slice %arg1[%rem3A_867, %dma_start3A_871] : memref<16384x32xf32, #tpu.memory_space<hbm>> -> memref<1x32xf32, #tpu.memory_space<hbm>>
      tpu.enqueue_dma source(%dma_start3A_872 : memref<1x32xf32, #tpu.memory_space<hbm>>) target(%dma_start3A_870 : memref<1x32xf32, #tpu.memory_space<hbm>>) target_semaphore(%arg5 : memref<!tpu.dma_semaphore, #tpu.memory_space<semaphore_mem>>)
      %while3A_873 = arith.constant 0 : i32
      scf.yield %while3A_873 : i32
    }
    %while3A_634 = arith.constant 0 : i32
    %while3A_635 = arith.constant 0 : i32
    %while3A_636 = arith.subi %get3A_621, %while3A_634 : i32
    %while3A_637 = arith.addi %while3A_634, %while3A_636 : i32
    %while3A_638 = arith.constant 1 : i32
    %while3A_639 = arith.divsi %while3A_636, %while3A_638 : i32
    %while3A_640 = arith.muli %while3A_639, %while3A_638 : i32
    %while3A_641 = arith.addi %while3A_634, %while3A_640 : i32
    %while3A_642 = arith.constant 1 : i32
    %while3A_643 = scf.for %while3A_862 = %while3A_634 to %while3A_641 step %while3A_642 iter_args(%while3A_863 = %while3A_635) -> (i32)  : i32 {
      %get3A_864 = arith.constant 23 : index
      %get3A_865 = arith.index_cast %while3A_862 : i32 to index
      %get3A_866 = memref.load %arg2[%get3A_864, %get3A_865] : memref<32x512xi32, #tpu.memory_space<smem>>
      %rem3A = arith.constant 16384 : i32
      %rem3A_867 = arith.remsi %get3A_866, %rem3A : i32
      %div3A = arith.constant 16384 : i32
      %div3A_868 = arith.divsi %get3A_866, %div3A : i32
      %add3A = arith.constant 718704 : i32
      %add3A_869 = arith.addi %add3A, %div3A_868 : i32
      %dma_wait3A = arith.constant 0 : i32
      %dma_wait3A_870 = tpu.memref_slice %arg4[%add3A_869, %dma_wait3A] : memref<1000000x32xf32, #tpu.memory_space<hbm>> -> memref<1x32xf32, #tpu.memory_space<hbm>>
      %dma_wait3A_871 = arith.constant 0 : i32
      %dma_wait3A_872 = tpu.memref_slice %arg1[%rem3A_867, %dma_wait3A_871] : memref<16384x32xf32, #tpu.memory_space<hbm>> -> memref<1x32xf32, #tpu.memory_space<hbm>>
      tpu.wait_dma2 semaphore(%arg5 : memref<!tpu.dma_semaphore, #tpu.memory_space<semaphore_mem>>) src(%dma_wait3A_872 : memref<1x32xf32, #tpu.memory_space<hbm>>) dst(%dma_wait3A_870 : memref<1x32xf32, #tpu.memory_space<hbm>>)
      %while3A_873 = arith.constant 0 : i32
      scf.yield %while3A_873 : i32
    }
    %while3A_644 = arith.constant 1 : i32
    %while3A_645 = scf.for %while3A_862 = %while3A_641 to %while3A_637 step %while3A_644 iter_args(%while3A_863 = %while3A_643) -> (i32)  : i32 {
      %get3A_864 = arith.constant 23 : index
      %get3A_865 = arith.index_cast %while3A_862 : i32 to index
      %get3A_866 = memref.load %arg2[%get3A_864, %get3A_865] : memref<32x512xi32, #tpu.memory_space<smem>>
      %rem3A = arith.constant 16384 : i32
      %rem3A_867 = arith.remsi %get3A_866, %rem3A : i32
      %div3A = arith.constant 16384 : i32
      %div3A_868 = arith.divsi %get3A_866, %div3A : i32
      %add3A = arith.constant 718704 : i32
      %add3A_869 = arith.addi %add3A, %div3A_868 : i32
      %dma_wait3A = arith.constant 0 : i32
      %dma_wait3A_870 = tpu.memref_slice %arg4[%add3A_869, %dma_wait3A] : memref<1000000x32xf32, #tpu.memory_space<hbm>> -> memref<1x32xf32, #tpu.memory_space<hbm>>
      %dma_wait3A_871 = arith.constant 0 : i32
      %dma_wait3A_872 = tpu.memref_slice %arg1[%rem3A_867, %dma_wait3A_871] : memref<16384x32xf32, #tpu.memory_space<hbm>> -> memref<1x32xf32, #tpu.memory_space<hbm>>
      tpu.wait_dma2 semaphore(%arg5 : memref<!tpu.dma_semaphore, #tpu.memory_space<semaphore_mem>>) src(%dma_wait3A_872 : memref<1x32xf32, #tpu.memory_space<hbm>>) dst(%dma_wait3A_870 : memref<1x32xf32, #tpu.memory_space<hbm>>)
      %while3A_873 = arith.constant 0 : i32
      scf.yield %while3A_873 : i32
    }
    %get3A_646 = arith.constant 24 : index
    %get3A_647 = arith.constant 0 : index
    %get3A_648 = memref.load %arg3[%get3A_646, %get3A_647] : memref<32x16xi32, #tpu.memory_space<smem>>
    %while3A_649 = arith.constant 0 : i32
    %while3A_650 = arith.constant 0 : i32
    %while3A_651 = arith.subi %get3A_648, %while3A_649 : i32
    %while3A_652 = arith.addi %while3A_649, %while3A_651 : i32
    %while3A_653 = arith.constant 1 : i32
    %while3A_654 = arith.divsi %while3A_651, %while3A_653 : i32
    %while3A_655 = arith.muli %while3A_654, %while3A_653 : i32
    %while3A_656 = arith.addi %while3A_649, %while3A_655 : i32
    %while3A_657 = arith.constant 1 : i32
    %while3A_658 = scf.for %while3A_862 = %while3A_649 to %while3A_656 step %while3A_657 iter_args(%while3A_863 = %while3A_650) -> (i32)  : i32 {
      %get3A_864 = arith.constant 24 : index
      %get3A_865 = arith.index_cast %while3A_862 : i32 to index
      %get3A_866 = memref.load %arg2[%get3A_864, %get3A_865] : memref<32x512xi32, #tpu.memory_space<smem>>
      %rem3A = arith.constant 16384 : i32
      %rem3A_867 = arith.remsi %get3A_866, %rem3A : i32
      %div3A = arith.constant 16384 : i32
      %div3A_868 = arith.divsi %get3A_866, %div3A : i32
      %add3A = arith.constant 749952 : i32
      %add3A_869 = arith.addi %add3A, %div3A_868 : i32
      %dma_start3A = arith.constant 0 : i32
      %dma_start3A_870 = tpu.memref_slice %arg4[%add3A_869, %dma_start3A] : memref<1000000x32xf32, #tpu.memory_space<hbm>> -> memref<1x32xf32, #tpu.memory_space<hbm>>
      %dma_start3A_871 = arith.constant 0 : i32
      %dma_start3A_872 = tpu.memref_slice %arg1[%rem3A_867, %dma_start3A_871] : memref<16384x32xf32, #tpu.memory_space<hbm>> -> memref<1x32xf32, #tpu.memory_space<hbm>>
      tpu.enqueue_dma source(%dma_start3A_872 : memref<1x32xf32, #tpu.memory_space<hbm>>) target(%dma_start3A_870 : memref<1x32xf32, #tpu.memory_space<hbm>>) target_semaphore(%arg5 : memref<!tpu.dma_semaphore, #tpu.memory_space<semaphore_mem>>)
      %while3A_873 = arith.constant 0 : i32
      scf.yield %while3A_873 : i32
    }
    %while3A_659 = arith.constant 1 : i32
    %while3A_660 = scf.for %while3A_862 = %while3A_656 to %while3A_652 step %while3A_659 iter_args(%while3A_863 = %while3A_658) -> (i32)  : i32 {
      %get3A_864 = arith.constant 24 : index
      %get3A_865 = arith.index_cast %while3A_862 : i32 to index
      %get3A_866 = memref.load %arg2[%get3A_864, %get3A_865] : memref<32x512xi32, #tpu.memory_space<smem>>
      %rem3A = arith.constant 16384 : i32
      %rem3A_867 = arith.remsi %get3A_866, %rem3A : i32
      %div3A = arith.constant 16384 : i32
      %div3A_868 = arith.divsi %get3A_866, %div3A : i32
      %add3A = arith.constant 749952 : i32
      %add3A_869 = arith.addi %add3A, %div3A_868 : i32
      %dma_start3A = arith.constant 0 : i32
      %dma_start3A_870 = tpu.memref_slice %arg4[%add3A_869, %dma_start3A] : memref<1000000x32xf32, #tpu.memory_space<hbm>> -> memref<1x32xf32, #tpu.memory_space<hbm>>
      %dma_start3A_871 = arith.constant 0 : i32
      %dma_start3A_872 = tpu.memref_slice %arg1[%rem3A_867, %dma_start3A_871] : memref<16384x32xf32, #tpu.memory_space<hbm>> -> memref<1x32xf32, #tpu.memory_space<hbm>>
      tpu.enqueue_dma source(%dma_start3A_872 : memref<1x32xf32, #tpu.memory_space<hbm>>) target(%dma_start3A_870 : memref<1x32xf32, #tpu.memory_space<hbm>>) target_semaphore(%arg5 : memref<!tpu.dma_semaphore, #tpu.memory_space<semaphore_mem>>)
      %while3A_873 = arith.constant 0 : i32
      scf.yield %while3A_873 : i32
    }
    %while3A_661 = arith.constant 0 : i32
    %while3A_662 = arith.constant 0 : i32
    %while3A_663 = arith.subi %get3A_648, %while3A_661 : i32
    %while3A_664 = arith.addi %while3A_661, %while3A_663 : i32
    %while3A_665 = arith.constant 1 : i32
    %while3A_666 = arith.divsi %while3A_663, %while3A_665 : i32
    %while3A_667 = arith.muli %while3A_666, %while3A_665 : i32
    %while3A_668 = arith.addi %while3A_661, %while3A_667 : i32
    %while3A_669 = arith.constant 1 : i32
    %while3A_670 = scf.for %while3A_862 = %while3A_661 to %while3A_668 step %while3A_669 iter_args(%while3A_863 = %while3A_662) -> (i32)  : i32 {
      %get3A_864 = arith.constant 24 : index
      %get3A_865 = arith.index_cast %while3A_862 : i32 to index
      %get3A_866 = memref.load %arg2[%get3A_864, %get3A_865] : memref<32x512xi32, #tpu.memory_space<smem>>
      %rem3A = arith.constant 16384 : i32
      %rem3A_867 = arith.remsi %get3A_866, %rem3A : i32
      %div3A = arith.constant 16384 : i32
      %div3A_868 = arith.divsi %get3A_866, %div3A : i32
      %add3A = arith.constant 749952 : i32
      %add3A_869 = arith.addi %add3A, %div3A_868 : i32
      %dma_wait3A = arith.constant 0 : i32
      %dma_wait3A_870 = tpu.memref_slice %arg4[%add3A_869, %dma_wait3A] : memref<1000000x32xf32, #tpu.memory_space<hbm>> -> memref<1x32xf32, #tpu.memory_space<hbm>>
      %dma_wait3A_871 = arith.constant 0 : i32
      %dma_wait3A_872 = tpu.memref_slice %arg1[%rem3A_867, %dma_wait3A_871] : memref<16384x32xf32, #tpu.memory_space<hbm>> -> memref<1x32xf32, #tpu.memory_space<hbm>>
      tpu.wait_dma2 semaphore(%arg5 : memref<!tpu.dma_semaphore, #tpu.memory_space<semaphore_mem>>) src(%dma_wait3A_872 : memref<1x32xf32, #tpu.memory_space<hbm>>) dst(%dma_wait3A_870 : memref<1x32xf32, #tpu.memory_space<hbm>>)
      %while3A_873 = arith.constant 0 : i32
      scf.yield %while3A_873 : i32
    }
    %while3A_671 = arith.constant 1 : i32
    %while3A_672 = scf.for %while3A_862 = %while3A_668 to %while3A_664 step %while3A_671 iter_args(%while3A_863 = %while3A_670) -> (i32)  : i32 {
      %get3A_864 = arith.constant 24 : index
      %get3A_865 = arith.index_cast %while3A_862 : i32 to index
      %get3A_866 = memref.load %arg2[%get3A_864, %get3A_865] : memref<32x512xi32, #tpu.memory_space<smem>>
      %rem3A = arith.constant 16384 : i32
      %rem3A_867 = arith.remsi %get3A_866, %rem3A : i32
      %div3A = arith.constant 16384 : i32
      %div3A_868 = arith.divsi %get3A_866, %div3A : i32
      %add3A = arith.constant 749952 : i32
      %add3A_869 = arith.addi %add3A, %div3A_868 : i32
      %dma_wait3A = arith.constant 0 : i32
      %dma_wait3A_870 = tpu.memref_slice %arg4[%add3A_869, %dma_wait3A] : memref<1000000x32xf32, #tpu.memory_space<hbm>> -> memref<1x32xf32, #tpu.memory_space<hbm>>
      %dma_wait3A_871 = arith.constant 0 : i32
      %dma_wait3A_872 = tpu.memref_slice %arg1[%rem3A_867, %dma_wait3A_871] : memref<16384x32xf32, #tpu.memory_space<hbm>> -> memref<1x32xf32, #tpu.memory_space<hbm>>
      tpu.wait_dma2 semaphore(%arg5 : memref<!tpu.dma_semaphore, #tpu.memory_space<semaphore_mem>>) src(%dma_wait3A_872 : memref<1x32xf32, #tpu.memory_space<hbm>>) dst(%dma_wait3A_870 : memref<1x32xf32, #tpu.memory_space<hbm>>)
      %while3A_873 = arith.constant 0 : i32
      scf.yield %while3A_873 : i32
    }
    %get3A_673 = arith.constant 25 : index
    %get3A_674 = arith.constant 0 : index
    %get3A_675 = memref.load %arg3[%get3A_673, %get3A_674] : memref<32x16xi32, #tpu.memory_space<smem>>
    %while3A_676 = arith.constant 0 : i32
    %while3A_677 = arith.constant 0 : i32
    %while3A_678 = arith.subi %get3A_675, %while3A_676 : i32
    %while3A_679 = arith.addi %while3A_676, %while3A_678 : i32
    %while3A_680 = arith.constant 1 : i32
    %while3A_681 = arith.divsi %while3A_678, %while3A_680 : i32
    %while3A_682 = arith.muli %while3A_681, %while3A_680 : i32
    %while3A_683 = arith.addi %while3A_676, %while3A_682 : i32
    %while3A_684 = arith.constant 1 : i32
    %while3A_685 = scf.for %while3A_862 = %while3A_676 to %while3A_683 step %while3A_684 iter_args(%while3A_863 = %while3A_677) -> (i32)  : i32 {
      %get3A_864 = arith.constant 25 : index
      %get3A_865 = arith.index_cast %while3A_862 : i32 to index
      %get3A_866 = memref.load %arg2[%get3A_864, %get3A_865] : memref<32x512xi32, #tpu.memory_space<smem>>
      %rem3A = arith.constant 16384 : i32
      %rem3A_867 = arith.remsi %get3A_866, %rem3A : i32
      %div3A = arith.constant 16384 : i32
      %div3A_868 = arith.divsi %get3A_866, %div3A : i32
      %add3A = arith.constant 781208 : i32
      %add3A_869 = arith.addi %add3A, %div3A_868 : i32
      %dma_start3A = arith.constant 0 : i32
      %dma_start3A_870 = tpu.memref_slice %arg4[%add3A_869, %dma_start3A] : memref<1000000x32xf32, #tpu.memory_space<hbm>> -> memref<1x32xf32, #tpu.memory_space<hbm>>
      %dma_start3A_871 = arith.constant 0 : i32
      %dma_start3A_872 = tpu.memref_slice %arg1[%rem3A_867, %dma_start3A_871] : memref<16384x32xf32, #tpu.memory_space<hbm>> -> memref<1x32xf32, #tpu.memory_space<hbm>>
      tpu.enqueue_dma source(%dma_start3A_872 : memref<1x32xf32, #tpu.memory_space<hbm>>) target(%dma_start3A_870 : memref<1x32xf32, #tpu.memory_space<hbm>>) target_semaphore(%arg5 : memref<!tpu.dma_semaphore, #tpu.memory_space<semaphore_mem>>)
      %while3A_873 = arith.constant 0 : i32
      scf.yield %while3A_873 : i32
    }
    %while3A_686 = arith.constant 1 : i32
    %while3A_687 = scf.for %while3A_862 = %while3A_683 to %while3A_679 step %while3A_686 iter_args(%while3A_863 = %while3A_685) -> (i32)  : i32 {
      %get3A_864 = arith.constant 25 : index
      %get3A_865 = arith.index_cast %while3A_862 : i32 to index
      %get3A_866 = memref.load %arg2[%get3A_864, %get3A_865] : memref<32x512xi32, #tpu.memory_space<smem>>
      %rem3A = arith.constant 16384 : i32
      %rem3A_867 = arith.remsi %get3A_866, %rem3A : i32
      %div3A = arith.constant 16384 : i32
      %div3A_868 = arith.divsi %get3A_866, %div3A : i32
      %add3A = arith.constant 781208 : i32
      %add3A_869 = arith.addi %add3A, %div3A_868 : i32
      %dma_start3A = arith.constant 0 : i32
      %dma_start3A_870 = tpu.memref_slice %arg4[%add3A_869, %dma_start3A] : memref<1000000x32xf32, #tpu.memory_space<hbm>> -> memref<1x32xf32, #tpu.memory_space<hbm>>
      %dma_start3A_871 = arith.constant 0 : i32
      %dma_start3A_872 = tpu.memref_slice %arg1[%rem3A_867, %dma_start3A_871] : memref<16384x32xf32, #tpu.memory_space<hbm>> -> memref<1x32xf32, #tpu.memory_space<hbm>>
      tpu.enqueue_dma source(%dma_start3A_872 : memref<1x32xf32, #tpu.memory_space<hbm>>) target(%dma_start3A_870 : memref<1x32xf32, #tpu.memory_space<hbm>>) target_semaphore(%arg5 : memref<!tpu.dma_semaphore, #tpu.memory_space<semaphore_mem>>)
      %while3A_873 = arith.constant 0 : i32
      scf.yield %while3A_873 : i32
    }
    %while3A_688 = arith.constant 0 : i32
    %while3A_689 = arith.constant 0 : i32
    %while3A_690 = arith.subi %get3A_675, %while3A_688 : i32
    %while3A_691 = arith.addi %while3A_688, %while3A_690 : i32
    %while3A_692 = arith.constant 1 : i32
    %while3A_693 = arith.divsi %while3A_690, %while3A_692 : i32
    %while3A_694 = arith.muli %while3A_693, %while3A_692 : i32
    %while3A_695 = arith.addi %while3A_688, %while3A_694 : i32
    %while3A_696 = arith.constant 1 : i32
    %while3A_697 = scf.for %while3A_862 = %while3A_688 to %while3A_695 step %while3A_696 iter_args(%while3A_863 = %while3A_689) -> (i32)  : i32 {
      %get3A_864 = arith.constant 25 : index
      %get3A_865 = arith.index_cast %while3A_862 : i32 to index
      %get3A_866 = memref.load %arg2[%get3A_864, %get3A_865] : memref<32x512xi32, #tpu.memory_space<smem>>
      %rem3A = arith.constant 16384 : i32
      %rem3A_867 = arith.remsi %get3A_866, %rem3A : i32
      %div3A = arith.constant 16384 : i32
      %div3A_868 = arith.divsi %get3A_866, %div3A : i32
      %add3A = arith.constant 781208 : i32
      %add3A_869 = arith.addi %add3A, %div3A_868 : i32
      %dma_wait3A = arith.constant 0 : i32
      %dma_wait3A_870 = tpu.memref_slice %arg4[%add3A_869, %dma_wait3A] : memref<1000000x32xf32, #tpu.memory_space<hbm>> -> memref<1x32xf32, #tpu.memory_space<hbm>>
      %dma_wait3A_871 = arith.constant 0 : i32
      %dma_wait3A_872 = tpu.memref_slice %arg1[%rem3A_867, %dma_wait3A_871] : memref<16384x32xf32, #tpu.memory_space<hbm>> -> memref<1x32xf32, #tpu.memory_space<hbm>>
      tpu.wait_dma2 semaphore(%arg5 : memref<!tpu.dma_semaphore, #tpu.memory_space<semaphore_mem>>) src(%dma_wait3A_872 : memref<1x32xf32, #tpu.memory_space<hbm>>) dst(%dma_wait3A_870 : memref<1x32xf32, #tpu.memory_space<hbm>>)
      %while3A_873 = arith.constant 0 : i32
      scf.yield %while3A_873 : i32
    }
    %while3A_698 = arith.constant 1 : i32
    %while3A_699 = scf.for %while3A_862 = %while3A_695 to %while3A_691 step %while3A_698 iter_args(%while3A_863 = %while3A_697) -> (i32)  : i32 {
      %get3A_864 = arith.constant 25 : index
      %get3A_865 = arith.index_cast %while3A_862 : i32 to index
      %get3A_866 = memref.load %arg2[%get3A_864, %get3A_865] : memref<32x512xi32, #tpu.memory_space<smem>>
      %rem3A = arith.constant 16384 : i32
      %rem3A_867 = arith.remsi %get3A_866, %rem3A : i32
      %div3A = arith.constant 16384 : i32
      %div3A_868 = arith.divsi %get3A_866, %div3A : i32
      %add3A = arith.constant 781208 : i32
      %add3A_869 = arith.addi %add3A, %div3A_868 : i32
      %dma_wait3A = arith.constant 0 : i32
      %dma_wait3A_870 = tpu.memref_slice %arg4[%add3A_869, %dma_wait3A] : memref<1000000x32xf32, #tpu.memory_space<hbm>> -> memref<1x32xf32, #tpu.memory_space<hbm>>
      %dma_wait3A_871 = arith.constant 0 : i32
      %dma_wait3A_872 = tpu.memref_slice %arg1[%rem3A_867, %dma_wait3A_871] : memref<16384x32xf32, #tpu.memory_space<hbm>> -> memref<1x32xf32, #tpu.memory_space<hbm>>
      tpu.wait_dma2 semaphore(%arg5 : memref<!tpu.dma_semaphore, #tpu.memory_space<semaphore_mem>>) src(%dma_wait3A_872 : memref<1x32xf32, #tpu.memory_space<hbm>>) dst(%dma_wait3A_870 : memref<1x32xf32, #tpu.memory_space<hbm>>)
      %while3A_873 = arith.constant 0 : i32
      scf.yield %while3A_873 : i32
    }
    %get3A_700 = arith.constant 26 : index
    %get3A_701 = arith.constant 0 : index
    %get3A_702 = memref.load %arg3[%get3A_700, %get3A_701] : memref<32x16xi32, #tpu.memory_space<smem>>
    %while3A_703 = arith.constant 0 : i32
    %while3A_704 = arith.constant 0 : i32
    %while3A_705 = arith.subi %get3A_702, %while3A_703 : i32
    %while3A_706 = arith.addi %while3A_703, %while3A_705 : i32
    %while3A_707 = arith.constant 1 : i32
    %while3A_708 = arith.divsi %while3A_705, %while3A_707 : i32
    %while3A_709 = arith.muli %while3A_708, %while3A_707 : i32
    %while3A_710 = arith.addi %while3A_703, %while3A_709 : i32
    %while3A_711 = arith.constant 1 : i32
    %while3A_712 = scf.for %while3A_862 = %while3A_703 to %while3A_710 step %while3A_711 iter_args(%while3A_863 = %while3A_704) -> (i32)  : i32 {
      %get3A_864 = arith.constant 26 : index
      %get3A_865 = arith.index_cast %while3A_862 : i32 to index
      %get3A_866 = memref.load %arg2[%get3A_864, %get3A_865] : memref<32x512xi32, #tpu.memory_space<smem>>
      %rem3A = arith.constant 16384 : i32
      %rem3A_867 = arith.remsi %get3A_866, %rem3A : i32
      %div3A = arith.constant 16384 : i32
      %div3A_868 = arith.divsi %get3A_866, %div3A : i32
      %add3A = arith.constant 812464 : i32
      %add3A_869 = arith.addi %add3A, %div3A_868 : i32
      %dma_start3A = arith.constant 0 : i32
      %dma_start3A_870 = tpu.memref_slice %arg4[%add3A_869, %dma_start3A] : memref<1000000x32xf32, #tpu.memory_space<hbm>> -> memref<1x32xf32, #tpu.memory_space<hbm>>
      %dma_start3A_871 = arith.constant 0 : i32
      %dma_start3A_872 = tpu.memref_slice %arg1[%rem3A_867, %dma_start3A_871] : memref<16384x32xf32, #tpu.memory_space<hbm>> -> memref<1x32xf32, #tpu.memory_space<hbm>>
      tpu.enqueue_dma source(%dma_start3A_872 : memref<1x32xf32, #tpu.memory_space<hbm>>) target(%dma_start3A_870 : memref<1x32xf32, #tpu.memory_space<hbm>>) target_semaphore(%arg5 : memref<!tpu.dma_semaphore, #tpu.memory_space<semaphore_mem>>)
      %while3A_873 = arith.constant 0 : i32
      scf.yield %while3A_873 : i32
    }
    %while3A_713 = arith.constant 1 : i32
    %while3A_714 = scf.for %while3A_862 = %while3A_710 to %while3A_706 step %while3A_713 iter_args(%while3A_863 = %while3A_712) -> (i32)  : i32 {
      %get3A_864 = arith.constant 26 : index
      %get3A_865 = arith.index_cast %while3A_862 : i32 to index
      %get3A_866 = memref.load %arg2[%get3A_864, %get3A_865] : memref<32x512xi32, #tpu.memory_space<smem>>
      %rem3A = arith.constant 16384 : i32
      %rem3A_867 = arith.remsi %get3A_866, %rem3A : i32
      %div3A = arith.constant 16384 : i32
      %div3A_868 = arith.divsi %get3A_866, %div3A : i32
      %add3A = arith.constant 812464 : i32
      %add3A_869 = arith.addi %add3A, %div3A_868 : i32
      %dma_start3A = arith.constant 0 : i32
      %dma_start3A_870 = tpu.memref_slice %arg4[%add3A_869, %dma_start3A] : memref<1000000x32xf32, #tpu.memory_space<hbm>> -> memref<1x32xf32, #tpu.memory_space<hbm>>
      %dma_start3A_871 = arith.constant 0 : i32
      %dma_start3A_872 = tpu.memref_slice %arg1[%rem3A_867, %dma_start3A_871] : memref<16384x32xf32, #tpu.memory_space<hbm>> -> memref<1x32xf32, #tpu.memory_space<hbm>>
      tpu.enqueue_dma source(%dma_start3A_872 : memref<1x32xf32, #tpu.memory_space<hbm>>) target(%dma_start3A_870 : memref<1x32xf32, #tpu.memory_space<hbm>>) target_semaphore(%arg5 : memref<!tpu.dma_semaphore, #tpu.memory_space<semaphore_mem>>)
      %while3A_873 = arith.constant 0 : i32
      scf.yield %while3A_873 : i32
    }
    %while3A_715 = arith.constant 0 : i32
    %while3A_716 = arith.constant 0 : i32
    %while3A_717 = arith.subi %get3A_702, %while3A_715 : i32
    %while3A_718 = arith.addi %while3A_715, %while3A_717 : i32
    %while3A_719 = arith.constant 1 : i32
    %while3A_720 = arith.divsi %while3A_717, %while3A_719 : i32
    %while3A_721 = arith.muli %while3A_720, %while3A_719 : i32
    %while3A_722 = arith.addi %while3A_715, %while3A_721 : i32
    %while3A_723 = arith.constant 1 : i32
    %while3A_724 = scf.for %while3A_862 = %while3A_715 to %while3A_722 step %while3A_723 iter_args(%while3A_863 = %while3A_716) -> (i32)  : i32 {
      %get3A_864 = arith.constant 26 : index
      %get3A_865 = arith.index_cast %while3A_862 : i32 to index
      %get3A_866 = memref.load %arg2[%get3A_864, %get3A_865] : memref<32x512xi32, #tpu.memory_space<smem>>
      %rem3A = arith.constant 16384 : i32
      %rem3A_867 = arith.remsi %get3A_866, %rem3A : i32
      %div3A = arith.constant 16384 : i32
      %div3A_868 = arith.divsi %get3A_866, %div3A : i32
      %add3A = arith.constant 812464 : i32
      %add3A_869 = arith.addi %add3A, %div3A_868 : i32
      %dma_wait3A = arith.constant 0 : i32
      %dma_wait3A_870 = tpu.memref_slice %arg4[%add3A_869, %dma_wait3A] : memref<1000000x32xf32, #tpu.memory_space<hbm>> -> memref<1x32xf32, #tpu.memory_space<hbm>>
      %dma_wait3A_871 = arith.constant 0 : i32
      %dma_wait3A_872 = tpu.memref_slice %arg1[%rem3A_867, %dma_wait3A_871] : memref<16384x32xf32, #tpu.memory_space<hbm>> -> memref<1x32xf32, #tpu.memory_space<hbm>>
      tpu.wait_dma2 semaphore(%arg5 : memref<!tpu.dma_semaphore, #tpu.memory_space<semaphore_mem>>) src(%dma_wait3A_872 : memref<1x32xf32, #tpu.memory_space<hbm>>) dst(%dma_wait3A_870 : memref<1x32xf32, #tpu.memory_space<hbm>>)
      %while3A_873 = arith.constant 0 : i32
      scf.yield %while3A_873 : i32
    }
    %while3A_725 = arith.constant 1 : i32
    %while3A_726 = scf.for %while3A_862 = %while3A_722 to %while3A_718 step %while3A_725 iter_args(%while3A_863 = %while3A_724) -> (i32)  : i32 {
      %get3A_864 = arith.constant 26 : index
      %get3A_865 = arith.index_cast %while3A_862 : i32 to index
      %get3A_866 = memref.load %arg2[%get3A_864, %get3A_865] : memref<32x512xi32, #tpu.memory_space<smem>>
      %rem3A = arith.constant 16384 : i32
      %rem3A_867 = arith.remsi %get3A_866, %rem3A : i32
      %div3A = arith.constant 16384 : i32
      %div3A_868 = arith.divsi %get3A_866, %div3A : i32
      %add3A = arith.constant 812464 : i32
      %add3A_869 = arith.addi %add3A, %div3A_868 : i32
      %dma_wait3A = arith.constant 0 : i32
      %dma_wait3A_870 = tpu.memref_slice %arg4[%add3A_869, %dma_wait3A] : memref<1000000x32xf32, #tpu.memory_space<hbm>> -> memref<1x32xf32, #tpu.memory_space<hbm>>
      %dma_wait3A_871 = arith.constant 0 : i32
      %dma_wait3A_872 = tpu.memref_slice %arg1[%rem3A_867, %dma_wait3A_871] : memref<16384x32xf32, #tpu.memory_space<hbm>> -> memref<1x32xf32, #tpu.memory_space<hbm>>
      tpu.wait_dma2 semaphore(%arg5 : memref<!tpu.dma_semaphore, #tpu.memory_space<semaphore_mem>>) src(%dma_wait3A_872 : memref<1x32xf32, #tpu.memory_space<hbm>>) dst(%dma_wait3A_870 : memref<1x32xf32, #tpu.memory_space<hbm>>)
      %while3A_873 = arith.constant 0 : i32
      scf.yield %while3A_873 : i32
    }
    %get3A_727 = arith.constant 27 : index
    %get3A_728 = arith.constant 0 : index
    %get3A_729 = memref.load %arg3[%get3A_727, %get3A_728] : memref<32x16xi32, #tpu.memory_space<smem>>
    %while3A_730 = arith.constant 0 : i32
    %while3A_731 = arith.constant 0 : i32
    %while3A_732 = arith.subi %get3A_729, %while3A_730 : i32
    %while3A_733 = arith.addi %while3A_730, %while3A_732 : i32
    %while3A_734 = arith.constant 1 : i32
    %while3A_735 = arith.divsi %while3A_732, %while3A_734 : i32
    %while3A_736 = arith.muli %while3A_735, %while3A_734 : i32
    %while3A_737 = arith.addi %while3A_730, %while3A_736 : i32
    %while3A_738 = arith.constant 1 : i32
    %while3A_739 = scf.for %while3A_862 = %while3A_730 to %while3A_737 step %while3A_738 iter_args(%while3A_863 = %while3A_731) -> (i32)  : i32 {
      %get3A_864 = arith.constant 27 : index
      %get3A_865 = arith.index_cast %while3A_862 : i32 to index
      %get3A_866 = memref.load %arg2[%get3A_864, %get3A_865] : memref<32x512xi32, #tpu.memory_space<smem>>
      %rem3A = arith.constant 16384 : i32
      %rem3A_867 = arith.remsi %get3A_866, %rem3A : i32
      %div3A = arith.constant 16384 : i32
      %div3A_868 = arith.divsi %get3A_866, %div3A : i32
      %add3A = arith.constant 843720 : i32
      %add3A_869 = arith.addi %add3A, %div3A_868 : i32
      %dma_start3A = arith.constant 0 : i32
      %dma_start3A_870 = tpu.memref_slice %arg4[%add3A_869, %dma_start3A] : memref<1000000x32xf32, #tpu.memory_space<hbm>> -> memref<1x32xf32, #tpu.memory_space<hbm>>
      %dma_start3A_871 = arith.constant 0 : i32
      %dma_start3A_872 = tpu.memref_slice %arg1[%rem3A_867, %dma_start3A_871] : memref<16384x32xf32, #tpu.memory_space<hbm>> -> memref<1x32xf32, #tpu.memory_space<hbm>>
      tpu.enqueue_dma source(%dma_start3A_872 : memref<1x32xf32, #tpu.memory_space<hbm>>) target(%dma_start3A_870 : memref<1x32xf32, #tpu.memory_space<hbm>>) target_semaphore(%arg5 : memref<!tpu.dma_semaphore, #tpu.memory_space<semaphore_mem>>)
      %while3A_873 = arith.constant 0 : i32
      scf.yield %while3A_873 : i32
    }
    %while3A_740 = arith.constant 1 : i32
    %while3A_741 = scf.for %while3A_862 = %while3A_737 to %while3A_733 step %while3A_740 iter_args(%while3A_863 = %while3A_739) -> (i32)  : i32 {
      %get3A_864 = arith.constant 27 : index
      %get3A_865 = arith.index_cast %while3A_862 : i32 to index
      %get3A_866 = memref.load %arg2[%get3A_864, %get3A_865] : memref<32x512xi32, #tpu.memory_space<smem>>
      %rem3A = arith.constant 16384 : i32
      %rem3A_867 = arith.remsi %get3A_866, %rem3A : i32
      %div3A = arith.constant 16384 : i32
      %div3A_868 = arith.divsi %get3A_866, %div3A : i32
      %add3A = arith.constant 843720 : i32
      %add3A_869 = arith.addi %add3A, %div3A_868 : i32
      %dma_start3A = arith.constant 0 : i32
      %dma_start3A_870 = tpu.memref_slice %arg4[%add3A_869, %dma_start3A] : memref<1000000x32xf32, #tpu.memory_space<hbm>> -> memref<1x32xf32, #tpu.memory_space<hbm>>
      %dma_start3A_871 = arith.constant 0 : i32
      %dma_start3A_872 = tpu.memref_slice %arg1[%rem3A_867, %dma_start3A_871] : memref<16384x32xf32, #tpu.memory_space<hbm>> -> memref<1x32xf32, #tpu.memory_space<hbm>>
      tpu.enqueue_dma source(%dma_start3A_872 : memref<1x32xf32, #tpu.memory_space<hbm>>) target(%dma_start3A_870 : memref<1x32xf32, #tpu.memory_space<hbm>>) target_semaphore(%arg5 : memref<!tpu.dma_semaphore, #tpu.memory_space<semaphore_mem>>)
      %while3A_873 = arith.constant 0 : i32
      scf.yield %while3A_873 : i32
    }
    %while3A_742 = arith.constant 0 : i32
    %while3A_743 = arith.constant 0 : i32
    %while3A_744 = arith.subi %get3A_729, %while3A_742 : i32
    %while3A_745 = arith.addi %while3A_742, %while3A_744 : i32
    %while3A_746 = arith.constant 1 : i32
    %while3A_747 = arith.divsi %while3A_744, %while3A_746 : i32
    %while3A_748 = arith.muli %while3A_747, %while3A_746 : i32
    %while3A_749 = arith.addi %while3A_742, %while3A_748 : i32
    %while3A_750 = arith.constant 1 : i32
    %while3A_751 = scf.for %while3A_862 = %while3A_742 to %while3A_749 step %while3A_750 iter_args(%while3A_863 = %while3A_743) -> (i32)  : i32 {
      %get3A_864 = arith.constant 27 : index
      %get3A_865 = arith.index_cast %while3A_862 : i32 to index
      %get3A_866 = memref.load %arg2[%get3A_864, %get3A_865] : memref<32x512xi32, #tpu.memory_space<smem>>
      %rem3A = arith.constant 16384 : i32
      %rem3A_867 = arith.remsi %get3A_866, %rem3A : i32
      %div3A = arith.constant 16384 : i32
      %div3A_868 = arith.divsi %get3A_866, %div3A : i32
      %add3A = arith.constant 843720 : i32
      %add3A_869 = arith.addi %add3A, %div3A_868 : i32
      %dma_wait3A = arith.constant 0 : i32
      %dma_wait3A_870 = tpu.memref_slice %arg4[%add3A_869, %dma_wait3A] : memref<1000000x32xf32, #tpu.memory_space<hbm>> -> memref<1x32xf32, #tpu.memory_space<hbm>>
      %dma_wait3A_871 = arith.constant 0 : i32
      %dma_wait3A_872 = tpu.memref_slice %arg1[%rem3A_867, %dma_wait3A_871] : memref<16384x32xf32, #tpu.memory_space<hbm>> -> memref<1x32xf32, #tpu.memory_space<hbm>>
      tpu.wait_dma2 semaphore(%arg5 : memref<!tpu.dma_semaphore, #tpu.memory_space<semaphore_mem>>) src(%dma_wait3A_872 : memref<1x32xf32, #tpu.memory_space<hbm>>) dst(%dma_wait3A_870 : memref<1x32xf32, #tpu.memory_space<hbm>>)
      %while3A_873 = arith.constant 0 : i32
      scf.yield %while3A_873 : i32
    }
    %while3A_752 = arith.constant 1 : i32
    %while3A_753 = scf.for %while3A_862 = %while3A_749 to %while3A_745 step %while3A_752 iter_args(%while3A_863 = %while3A_751) -> (i32)  : i32 {
      %get3A_864 = arith.constant 27 : index
      %get3A_865 = arith.index_cast %while3A_862 : i32 to index
      %get3A_866 = memref.load %arg2[%get3A_864, %get3A_865] : memref<32x512xi32, #tpu.memory_space<smem>>
      %rem3A = arith.constant 16384 : i32
      %rem3A_867 = arith.remsi %get3A_866, %rem3A : i32
      %div3A = arith.constant 16384 : i32
      %div3A_868 = arith.divsi %get3A_866, %div3A : i32
      %add3A = arith.constant 843720 : i32
      %add3A_869 = arith.addi %add3A, %div3A_868 : i32
      %dma_wait3A = arith.constant 0 : i32
      %dma_wait3A_870 = tpu.memref_slice %arg4[%add3A_869, %dma_wait3A] : memref<1000000x32xf32, #tpu.memory_space<hbm>> -> memref<1x32xf32, #tpu.memory_space<hbm>>
      %dma_wait3A_871 = arith.constant 0 : i32
      %dma_wait3A_872 = tpu.memref_slice %arg1[%rem3A_867, %dma_wait3A_871] : memref<16384x32xf32, #tpu.memory_space<hbm>> -> memref<1x32xf32, #tpu.memory_space<hbm>>
      tpu.wait_dma2 semaphore(%arg5 : memref<!tpu.dma_semaphore, #tpu.memory_space<semaphore_mem>>) src(%dma_wait3A_872 : memref<1x32xf32, #tpu.memory_space<hbm>>) dst(%dma_wait3A_870 : memref<1x32xf32, #tpu.memory_space<hbm>>)
      %while3A_873 = arith.constant 0 : i32
      scf.yield %while3A_873 : i32
    }
    %get3A_754 = arith.constant 28 : index
    %get3A_755 = arith.constant 0 : index
    %get3A_756 = memref.load %arg3[%get3A_754, %get3A_755] : memref<32x16xi32, #tpu.memory_space<smem>>
    %while3A_757 = arith.constant 0 : i32
    %while3A_758 = arith.constant 0 : i32
    %while3A_759 = arith.subi %get3A_756, %while3A_757 : i32
    %while3A_760 = arith.addi %while3A_757, %while3A_759 : i32
    %while3A_761 = arith.constant 1 : i32
    %while3A_762 = arith.divsi %while3A_759, %while3A_761 : i32
    %while3A_763 = arith.muli %while3A_762, %while3A_761 : i32
    %while3A_764 = arith.addi %while3A_757, %while3A_763 : i32
    %while3A_765 = arith.constant 1 : i32
    %while3A_766 = scf.for %while3A_862 = %while3A_757 to %while3A_764 step %while3A_765 iter_args(%while3A_863 = %while3A_758) -> (i32)  : i32 {
      %get3A_864 = arith.constant 28 : index
      %get3A_865 = arith.index_cast %while3A_862 : i32 to index
      %get3A_866 = memref.load %arg2[%get3A_864, %get3A_865] : memref<32x512xi32, #tpu.memory_space<smem>>
      %rem3A = arith.constant 16384 : i32
      %rem3A_867 = arith.remsi %get3A_866, %rem3A : i32
      %div3A = arith.constant 16384 : i32
      %div3A_868 = arith.divsi %get3A_866, %div3A : i32
      %add3A = arith.constant 874976 : i32
      %add3A_869 = arith.addi %add3A, %div3A_868 : i32
      %dma_start3A = arith.constant 0 : i32
      %dma_start3A_870 = tpu.memref_slice %arg4[%add3A_869, %dma_start3A] : memref<1000000x32xf32, #tpu.memory_space<hbm>> -> memref<1x32xf32, #tpu.memory_space<hbm>>
      %dma_start3A_871 = arith.constant 0 : i32
      %dma_start3A_872 = tpu.memref_slice %arg1[%rem3A_867, %dma_start3A_871] : memref<16384x32xf32, #tpu.memory_space<hbm>> -> memref<1x32xf32, #tpu.memory_space<hbm>>
      tpu.enqueue_dma source(%dma_start3A_872 : memref<1x32xf32, #tpu.memory_space<hbm>>) target(%dma_start3A_870 : memref<1x32xf32, #tpu.memory_space<hbm>>) target_semaphore(%arg5 : memref<!tpu.dma_semaphore, #tpu.memory_space<semaphore_mem>>)
      %while3A_873 = arith.constant 0 : i32
      scf.yield %while3A_873 : i32
    }
    %while3A_767 = arith.constant 1 : i32
    %while3A_768 = scf.for %while3A_862 = %while3A_764 to %while3A_760 step %while3A_767 iter_args(%while3A_863 = %while3A_766) -> (i32)  : i32 {
      %get3A_864 = arith.constant 28 : index
      %get3A_865 = arith.index_cast %while3A_862 : i32 to index
      %get3A_866 = memref.load %arg2[%get3A_864, %get3A_865] : memref<32x512xi32, #tpu.memory_space<smem>>
      %rem3A = arith.constant 16384 : i32
      %rem3A_867 = arith.remsi %get3A_866, %rem3A : i32
      %div3A = arith.constant 16384 : i32
      %div3A_868 = arith.divsi %get3A_866, %div3A : i32
      %add3A = arith.constant 874976 : i32
      %add3A_869 = arith.addi %add3A, %div3A_868 : i32
      %dma_start3A = arith.constant 0 : i32
      %dma_start3A_870 = tpu.memref_slice %arg4[%add3A_869, %dma_start3A] : memref<1000000x32xf32, #tpu.memory_space<hbm>> -> memref<1x32xf32, #tpu.memory_space<hbm>>
      %dma_start3A_871 = arith.constant 0 : i32
      %dma_start3A_872 = tpu.memref_slice %arg1[%rem3A_867, %dma_start3A_871] : memref<16384x32xf32, #tpu.memory_space<hbm>> -> memref<1x32xf32, #tpu.memory_space<hbm>>
      tpu.enqueue_dma source(%dma_start3A_872 : memref<1x32xf32, #tpu.memory_space<hbm>>) target(%dma_start3A_870 : memref<1x32xf32, #tpu.memory_space<hbm>>) target_semaphore(%arg5 : memref<!tpu.dma_semaphore, #tpu.memory_space<semaphore_mem>>)
      %while3A_873 = arith.constant 0 : i32
      scf.yield %while3A_873 : i32
    }
    %while3A_769 = arith.constant 0 : i32
    %while3A_770 = arith.constant 0 : i32
    %while3A_771 = arith.subi %get3A_756, %while3A_769 : i32
    %while3A_772 = arith.addi %while3A_769, %while3A_771 : i32
    %while3A_773 = arith.constant 1 : i32
    %while3A_774 = arith.divsi %while3A_771, %while3A_773 : i32
    %while3A_775 = arith.muli %while3A_774, %while3A_773 : i32
    %while3A_776 = arith.addi %while3A_769, %while3A_775 : i32
    %while3A_777 = arith.constant 1 : i32
    %while3A_778 = scf.for %while3A_862 = %while3A_769 to %while3A_776 step %while3A_777 iter_args(%while3A_863 = %while3A_770) -> (i32)  : i32 {
      %get3A_864 = arith.constant 28 : index
      %get3A_865 = arith.index_cast %while3A_862 : i32 to index
      %get3A_866 = memref.load %arg2[%get3A_864, %get3A_865] : memref<32x512xi32, #tpu.memory_space<smem>>
      %rem3A = arith.constant 16384 : i32
      %rem3A_867 = arith.remsi %get3A_866, %rem3A : i32
      %div3A = arith.constant 16384 : i32
      %div3A_868 = arith.divsi %get3A_866, %div3A : i32
      %add3A = arith.constant 874976 : i32
      %add3A_869 = arith.addi %add3A, %div3A_868 : i32
      %dma_wait3A = arith.constant 0 : i32
      %dma_wait3A_870 = tpu.memref_slice %arg4[%add3A_869, %dma_wait3A] : memref<1000000x32xf32, #tpu.memory_space<hbm>> -> memref<1x32xf32, #tpu.memory_space<hbm>>
      %dma_wait3A_871 = arith.constant 0 : i32
      %dma_wait3A_872 = tpu.memref_slice %arg1[%rem3A_867, %dma_wait3A_871] : memref<16384x32xf32, #tpu.memory_space<hbm>> -> memref<1x32xf32, #tpu.memory_space<hbm>>
      tpu.wait_dma2 semaphore(%arg5 : memref<!tpu.dma_semaphore, #tpu.memory_space<semaphore_mem>>) src(%dma_wait3A_872 : memref<1x32xf32, #tpu.memory_space<hbm>>) dst(%dma_wait3A_870 : memref<1x32xf32, #tpu.memory_space<hbm>>)
      %while3A_873 = arith.constant 0 : i32
      scf.yield %while3A_873 : i32
    }
    %while3A_779 = arith.constant 1 : i32
    %while3A_780 = scf.for %while3A_862 = %while3A_776 to %while3A_772 step %while3A_779 iter_args(%while3A_863 = %while3A_778) -> (i32)  : i32 {
      %get3A_864 = arith.constant 28 : index
      %get3A_865 = arith.index_cast %while3A_862 : i32 to index
      %get3A_866 = memref.load %arg2[%get3A_864, %get3A_865] : memref<32x512xi32, #tpu.memory_space<smem>>
      %rem3A = arith.constant 16384 : i32
      %rem3A_867 = arith.remsi %get3A_866, %rem3A : i32
      %div3A = arith.constant 16384 : i32
      %div3A_868 = arith.divsi %get3A_866, %div3A : i32
      %add3A = arith.constant 874976 : i32
      %add3A_869 = arith.addi %add3A, %div3A_868 : i32
      %dma_wait3A = arith.constant 0 : i32
      %dma_wait3A_870 = tpu.memref_slice %arg4[%add3A_869, %dma_wait3A] : memref<1000000x32xf32, #tpu.memory_space<hbm>> -> memref<1x32xf32, #tpu.memory_space<hbm>>
      %dma_wait3A_871 = arith.constant 0 : i32
      %dma_wait3A_872 = tpu.memref_slice %arg1[%rem3A_867, %dma_wait3A_871] : memref<16384x32xf32, #tpu.memory_space<hbm>> -> memref<1x32xf32, #tpu.memory_space<hbm>>
      tpu.wait_dma2 semaphore(%arg5 : memref<!tpu.dma_semaphore, #tpu.memory_space<semaphore_mem>>) src(%dma_wait3A_872 : memref<1x32xf32, #tpu.memory_space<hbm>>) dst(%dma_wait3A_870 : memref<1x32xf32, #tpu.memory_space<hbm>>)
      %while3A_873 = arith.constant 0 : i32
      scf.yield %while3A_873 : i32
    }
    %get3A_781 = arith.constant 29 : index
    %get3A_782 = arith.constant 0 : index
    %get3A_783 = memref.load %arg3[%get3A_781, %get3A_782] : memref<32x16xi32, #tpu.memory_space<smem>>
    %while3A_784 = arith.constant 0 : i32
    %while3A_785 = arith.constant 0 : i32
    %while3A_786 = arith.subi %get3A_783, %while3A_784 : i32
    %while3A_787 = arith.addi %while3A_784, %while3A_786 : i32
    %while3A_788 = arith.constant 1 : i32
    %while3A_789 = arith.divsi %while3A_786, %while3A_788 : i32
    %while3A_790 = arith.muli %while3A_789, %while3A_788 : i32
    %while3A_791 = arith.addi %while3A_784, %while3A_790 : i32
    %while3A_792 = arith.constant 1 : i32
    %while3A_793 = scf.for %while3A_862 = %while3A_784 to %while3A_791 step %while3A_792 iter_args(%while3A_863 = %while3A_785) -> (i32)  : i32 {
      %get3A_864 = arith.constant 29 : index
      %get3A_865 = arith.index_cast %while3A_862 : i32 to index
      %get3A_866 = memref.load %arg2[%get3A_864, %get3A_865] : memref<32x512xi32, #tpu.memory_space<smem>>
      %rem3A = arith.constant 16384 : i32
      %rem3A_867 = arith.remsi %get3A_866, %rem3A : i32
      %div3A = arith.constant 16384 : i32
      %div3A_868 = arith.divsi %get3A_866, %div3A : i32
      %add3A = arith.constant 906232 : i32
      %add3A_869 = arith.addi %add3A, %div3A_868 : i32
      %dma_start3A = arith.constant 0 : i32
      %dma_start3A_870 = tpu.memref_slice %arg4[%add3A_869, %dma_start3A] : memref<1000000x32xf32, #tpu.memory_space<hbm>> -> memref<1x32xf32, #tpu.memory_space<hbm>>
      %dma_start3A_871 = arith.constant 0 : i32
      %dma_start3A_872 = tpu.memref_slice %arg1[%rem3A_867, %dma_start3A_871] : memref<16384x32xf32, #tpu.memory_space<hbm>> -> memref<1x32xf32, #tpu.memory_space<hbm>>
      tpu.enqueue_dma source(%dma_start3A_872 : memref<1x32xf32, #tpu.memory_space<hbm>>) target(%dma_start3A_870 : memref<1x32xf32, #tpu.memory_space<hbm>>) target_semaphore(%arg5 : memref<!tpu.dma_semaphore, #tpu.memory_space<semaphore_mem>>)
      %while3A_873 = arith.constant 0 : i32
      scf.yield %while3A_873 : i32
    }
    %while3A_794 = arith.constant 1 : i32
    %while3A_795 = scf.for %while3A_862 = %while3A_791 to %while3A_787 step %while3A_794 iter_args(%while3A_863 = %while3A_793) -> (i32)  : i32 {
      %get3A_864 = arith.constant 29 : index
      %get3A_865 = arith.index_cast %while3A_862 : i32 to index
      %get3A_866 = memref.load %arg2[%get3A_864, %get3A_865] : memref<32x512xi32, #tpu.memory_space<smem>>
      %rem3A = arith.constant 16384 : i32
      %rem3A_867 = arith.remsi %get3A_866, %rem3A : i32
      %div3A = arith.constant 16384 : i32
      %div3A_868 = arith.divsi %get3A_866, %div3A : i32
      %add3A = arith.constant 906232 : i32
      %add3A_869 = arith.addi %add3A, %div3A_868 : i32
      %dma_start3A = arith.constant 0 : i32
      %dma_start3A_870 = tpu.memref_slice %arg4[%add3A_869, %dma_start3A] : memref<1000000x32xf32, #tpu.memory_space<hbm>> -> memref<1x32xf32, #tpu.memory_space<hbm>>
      %dma_start3A_871 = arith.constant 0 : i32
      %dma_start3A_872 = tpu.memref_slice %arg1[%rem3A_867, %dma_start3A_871] : memref<16384x32xf32, #tpu.memory_space<hbm>> -> memref<1x32xf32, #tpu.memory_space<hbm>>
      tpu.enqueue_dma source(%dma_start3A_872 : memref<1x32xf32, #tpu.memory_space<hbm>>) target(%dma_start3A_870 : memref<1x32xf32, #tpu.memory_space<hbm>>) target_semaphore(%arg5 : memref<!tpu.dma_semaphore, #tpu.memory_space<semaphore_mem>>)
      %while3A_873 = arith.constant 0 : i32
      scf.yield %while3A_873 : i32
    }
    %while3A_796 = arith.constant 0 : i32
    %while3A_797 = arith.constant 0 : i32
    %while3A_798 = arith.subi %get3A_783, %while3A_796 : i32
    %while3A_799 = arith.addi %while3A_796, %while3A_798 : i32
    %while3A_800 = arith.constant 1 : i32
    %while3A_801 = arith.divsi %while3A_798, %while3A_800 : i32
    %while3A_802 = arith.muli %while3A_801, %while3A_800 : i32
    %while3A_803 = arith.addi %while3A_796, %while3A_802 : i32
    %while3A_804 = arith.constant 1 : i32
    %while3A_805 = scf.for %while3A_862 = %while3A_796 to %while3A_803 step %while3A_804 iter_args(%while3A_863 = %while3A_797) -> (i32)  : i32 {
      %get3A_864 = arith.constant 29 : index
      %get3A_865 = arith.index_cast %while3A_862 : i32 to index
      %get3A_866 = memref.load %arg2[%get3A_864, %get3A_865] : memref<32x512xi32, #tpu.memory_space<smem>>
      %rem3A = arith.constant 16384 : i32
      %rem3A_867 = arith.remsi %get3A_866, %rem3A : i32
      %div3A = arith.constant 16384 : i32
      %div3A_868 = arith.divsi %get3A_866, %div3A : i32
      %add3A = arith.constant 906232 : i32
      %add3A_869 = arith.addi %add3A, %div3A_868 : i32
      %dma_wait3A = arith.constant 0 : i32
      %dma_wait3A_870 = tpu.memref_slice %arg4[%add3A_869, %dma_wait3A] : memref<1000000x32xf32, #tpu.memory_space<hbm>> -> memref<1x32xf32, #tpu.memory_space<hbm>>
      %dma_wait3A_871 = arith.constant 0 : i32
      %dma_wait3A_872 = tpu.memref_slice %arg1[%rem3A_867, %dma_wait3A_871] : memref<16384x32xf32, #tpu.memory_space<hbm>> -> memref<1x32xf32, #tpu.memory_space<hbm>>
      tpu.wait_dma2 semaphore(%arg5 : memref<!tpu.dma_semaphore, #tpu.memory_space<semaphore_mem>>) src(%dma_wait3A_872 : memref<1x32xf32, #tpu.memory_space<hbm>>) dst(%dma_wait3A_870 : memref<1x32xf32, #tpu.memory_space<hbm>>)
      %while3A_873 = arith.constant 0 : i32
      scf.yield %while3A_873 : i32
    }
    %while3A_806 = arith.constant 1 : i32
    %while3A_807 = scf.for %while3A_862 = %while3A_803 to %while3A_799 step %while3A_806 iter_args(%while3A_863 = %while3A_805) -> (i32)  : i32 {
      %get3A_864 = arith.constant 29 : index
      %get3A_865 = arith.index_cast %while3A_862 : i32 to index
      %get3A_866 = memref.load %arg2[%get3A_864, %get3A_865] : memref<32x512xi32, #tpu.memory_space<smem>>
      %rem3A = arith.constant 16384 : i32
      %rem3A_867 = arith.remsi %get3A_866, %rem3A : i32
      %div3A = arith.constant 16384 : i32
      %div3A_868 = arith.divsi %get3A_866, %div3A : i32
      %add3A = arith.constant 906232 : i32
      %add3A_869 = arith.addi %add3A, %div3A_868 : i32
      %dma_wait3A = arith.constant 0 : i32
      %dma_wait3A_870 = tpu.memref_slice %arg4[%add3A_869, %dma_wait3A] : memref<1000000x32xf32, #tpu.memory_space<hbm>> -> memref<1x32xf32, #tpu.memory_space<hbm>>
      %dma_wait3A_871 = arith.constant 0 : i32
      %dma_wait3A_872 = tpu.memref_slice %arg1[%rem3A_867, %dma_wait3A_871] : memref<16384x32xf32, #tpu.memory_space<hbm>> -> memref<1x32xf32, #tpu.memory_space<hbm>>
      tpu.wait_dma2 semaphore(%arg5 : memref<!tpu.dma_semaphore, #tpu.memory_space<semaphore_mem>>) src(%dma_wait3A_872 : memref<1x32xf32, #tpu.memory_space<hbm>>) dst(%dma_wait3A_870 : memref<1x32xf32, #tpu.memory_space<hbm>>)
      %while3A_873 = arith.constant 0 : i32
      scf.yield %while3A_873 : i32
    }
    %get3A_808 = arith.constant 30 : index
    %get3A_809 = arith.constant 0 : index
    %get3A_810 = memref.load %arg3[%get3A_808, %get3A_809] : memref<32x16xi32, #tpu.memory_space<smem>>
    %while3A_811 = arith.constant 0 : i32
    %while3A_812 = arith.constant 0 : i32
    %while3A_813 = arith.subi %get3A_810, %while3A_811 : i32
    %while3A_814 = arith.addi %while3A_811, %while3A_813 : i32
    %while3A_815 = arith.constant 1 : i32
    %while3A_816 = arith.divsi %while3A_813, %while3A_815 : i32
    %while3A_817 = arith.muli %while3A_816, %while3A_815 : i32
    %while3A_818 = arith.addi %while3A_811, %while3A_817 : i32
    %while3A_819 = arith.constant 1 : i32
    %while3A_820 = scf.for %while3A_862 = %while3A_811 to %while3A_818 step %while3A_819 iter_args(%while3A_863 = %while3A_812) -> (i32)  : i32 {
      %get3A_864 = arith.constant 30 : index
      %get3A_865 = arith.index_cast %while3A_862 : i32 to index
      %get3A_866 = memref.load %arg2[%get3A_864, %get3A_865] : memref<32x512xi32, #tpu.memory_space<smem>>
      %rem3A = arith.constant 16384 : i32
      %rem3A_867 = arith.remsi %get3A_866, %rem3A : i32
      %div3A = arith.constant 16384 : i32
      %div3A_868 = arith.divsi %get3A_866, %div3A : i32
      %add3A = arith.constant 937488 : i32
      %add3A_869 = arith.addi %add3A, %div3A_868 : i32
      %dma_start3A = arith.constant 0 : i32
      %dma_start3A_870 = tpu.memref_slice %arg4[%add3A_869, %dma_start3A] : memref<1000000x32xf32, #tpu.memory_space<hbm>> -> memref<1x32xf32, #tpu.memory_space<hbm>>
      %dma_start3A_871 = arith.constant 0 : i32
      %dma_start3A_872 = tpu.memref_slice %arg1[%rem3A_867, %dma_start3A_871] : memref<16384x32xf32, #tpu.memory_space<hbm>> -> memref<1x32xf32, #tpu.memory_space<hbm>>
      tpu.enqueue_dma source(%dma_start3A_872 : memref<1x32xf32, #tpu.memory_space<hbm>>) target(%dma_start3A_870 : memref<1x32xf32, #tpu.memory_space<hbm>>) target_semaphore(%arg5 : memref<!tpu.dma_semaphore, #tpu.memory_space<semaphore_mem>>)
      %while3A_873 = arith.constant 0 : i32
      scf.yield %while3A_873 : i32
    }
    %while3A_821 = arith.constant 1 : i32
    %while3A_822 = scf.for %while3A_862 = %while3A_818 to %while3A_814 step %while3A_821 iter_args(%while3A_863 = %while3A_820) -> (i32)  : i32 {
      %get3A_864 = arith.constant 30 : index
      %get3A_865 = arith.index_cast %while3A_862 : i32 to index
      %get3A_866 = memref.load %arg2[%get3A_864, %get3A_865] : memref<32x512xi32, #tpu.memory_space<smem>>
      %rem3A = arith.constant 16384 : i32
      %rem3A_867 = arith.remsi %get3A_866, %rem3A : i32
      %div3A = arith.constant 16384 : i32
      %div3A_868 = arith.divsi %get3A_866, %div3A : i32
      %add3A = arith.constant 937488 : i32
      %add3A_869 = arith.addi %add3A, %div3A_868 : i32
      %dma_start3A = arith.constant 0 : i32
      %dma_start3A_870 = tpu.memref_slice %arg4[%add3A_869, %dma_start3A] : memref<1000000x32xf32, #tpu.memory_space<hbm>> -> memref<1x32xf32, #tpu.memory_space<hbm>>
      %dma_start3A_871 = arith.constant 0 : i32
      %dma_start3A_872 = tpu.memref_slice %arg1[%rem3A_867, %dma_start3A_871] : memref<16384x32xf32, #tpu.memory_space<hbm>> -> memref<1x32xf32, #tpu.memory_space<hbm>>
      tpu.enqueue_dma source(%dma_start3A_872 : memref<1x32xf32, #tpu.memory_space<hbm>>) target(%dma_start3A_870 : memref<1x32xf32, #tpu.memory_space<hbm>>) target_semaphore(%arg5 : memref<!tpu.dma_semaphore, #tpu.memory_space<semaphore_mem>>)
      %while3A_873 = arith.constant 0 : i32
      scf.yield %while3A_873 : i32
    }
    %while3A_823 = arith.constant 0 : i32
    %while3A_824 = arith.constant 0 : i32
    %while3A_825 = arith.subi %get3A_810, %while3A_823 : i32
    %while3A_826 = arith.addi %while3A_823, %while3A_825 : i32
    %while3A_827 = arith.constant 1 : i32
    %while3A_828 = arith.divsi %while3A_825, %while3A_827 : i32
    %while3A_829 = arith.muli %while3A_828, %while3A_827 : i32
    %while3A_830 = arith.addi %while3A_823, %while3A_829 : i32
    %while3A_831 = arith.constant 1 : i32
    %while3A_832 = scf.for %while3A_862 = %while3A_823 to %while3A_830 step %while3A_831 iter_args(%while3A_863 = %while3A_824) -> (i32)  : i32 {
      %get3A_864 = arith.constant 30 : index
      %get3A_865 = arith.index_cast %while3A_862 : i32 to index
      %get3A_866 = memref.load %arg2[%get3A_864, %get3A_865] : memref<32x512xi32, #tpu.memory_space<smem>>
      %rem3A = arith.constant 16384 : i32
      %rem3A_867 = arith.remsi %get3A_866, %rem3A : i32
      %div3A = arith.constant 16384 : i32
      %div3A_868 = arith.divsi %get3A_866, %div3A : i32
      %add3A = arith.constant 937488 : i32
      %add3A_869 = arith.addi %add3A, %div3A_868 : i32
      %dma_wait3A = arith.constant 0 : i32
      %dma_wait3A_870 = tpu.memref_slice %arg4[%add3A_869, %dma_wait3A] : memref<1000000x32xf32, #tpu.memory_space<hbm>> -> memref<1x32xf32, #tpu.memory_space<hbm>>
      %dma_wait3A_871 = arith.constant 0 : i32
      %dma_wait3A_872 = tpu.memref_slice %arg1[%rem3A_867, %dma_wait3A_871] : memref<16384x32xf32, #tpu.memory_space<hbm>> -> memref<1x32xf32, #tpu.memory_space<hbm>>
      tpu.wait_dma2 semaphore(%arg5 : memref<!tpu.dma_semaphore, #tpu.memory_space<semaphore_mem>>) src(%dma_wait3A_872 : memref<1x32xf32, #tpu.memory_space<hbm>>) dst(%dma_wait3A_870 : memref<1x32xf32, #tpu.memory_space<hbm>>)
      %while3A_873 = arith.constant 0 : i32
      scf.yield %while3A_873 : i32
    }
    %while3A_833 = arith.constant 1 : i32
    %while3A_834 = scf.for %while3A_862 = %while3A_830 to %while3A_826 step %while3A_833 iter_args(%while3A_863 = %while3A_832) -> (i32)  : i32 {
      %get3A_864 = arith.constant 30 : index
      %get3A_865 = arith.index_cast %while3A_862 : i32 to index
      %get3A_866 = memref.load %arg2[%get3A_864, %get3A_865] : memref<32x512xi32, #tpu.memory_space<smem>>
      %rem3A = arith.constant 16384 : i32
      %rem3A_867 = arith.remsi %get3A_866, %rem3A : i32
      %div3A = arith.constant 16384 : i32
      %div3A_868 = arith.divsi %get3A_866, %div3A : i32
      %add3A = arith.constant 937488 : i32
      %add3A_869 = arith.addi %add3A, %div3A_868 : i32
      %dma_wait3A = arith.constant 0 : i32
      %dma_wait3A_870 = tpu.memref_slice %arg4[%add3A_869, %dma_wait3A] : memref<1000000x32xf32, #tpu.memory_space<hbm>> -> memref<1x32xf32, #tpu.memory_space<hbm>>
      %dma_wait3A_871 = arith.constant 0 : i32
      %dma_wait3A_872 = tpu.memref_slice %arg1[%rem3A_867, %dma_wait3A_871] : memref<16384x32xf32, #tpu.memory_space<hbm>> -> memref<1x32xf32, #tpu.memory_space<hbm>>
      tpu.wait_dma2 semaphore(%arg5 : memref<!tpu.dma_semaphore, #tpu.memory_space<semaphore_mem>>) src(%dma_wait3A_872 : memref<1x32xf32, #tpu.memory_space<hbm>>) dst(%dma_wait3A_870 : memref<1x32xf32, #tpu.memory_space<hbm>>)
      %while3A_873 = arith.constant 0 : i32
      scf.yield %while3A_873 : i32
    }
    %get3A_835 = arith.constant 31 : index
    %get3A_836 = arith.constant 0 : index
    %get3A_837 = memref.load %arg3[%get3A_835, %get3A_836] : memref<32x16xi32, #tpu.memory_space<smem>>
    %while3A_838 = arith.constant 0 : i32
    %while3A_839 = arith.constant 0 : i32
    %while3A_840 = arith.subi %get3A_837, %while3A_838 : i32
    %while3A_841 = arith.addi %while3A_838, %while3A_840 : i32
    %while3A_842 = arith.constant 1 : i32
    %while3A_843 = arith.divsi %while3A_840, %while3A_842 : i32
    %while3A_844 = arith.muli %while3A_843, %while3A_842 : i32
    %while3A_845 = arith.addi %while3A_838, %while3A_844 : i32
    %while3A_846 = arith.constant 1 : i32
    %while3A_847 = scf.for %while3A_862 = %while3A_838 to %while3A_845 step %while3A_846 iter_args(%while3A_863 = %while3A_839) -> (i32)  : i32 {
      %get3A_864 = arith.constant 31 : index
      %get3A_865 = arith.index_cast %while3A_862 : i32 to index
      %get3A_866 = memref.load %arg2[%get3A_864, %get3A_865] : memref<32x512xi32, #tpu.memory_space<smem>>
      %rem3A = arith.constant 16384 : i32
      %rem3A_867 = arith.remsi %get3A_866, %rem3A : i32
      %div3A = arith.constant 16384 : i32
      %div3A_868 = arith.divsi %get3A_866, %div3A : i32
      %add3A = arith.constant 968744 : i32
      %add3A_869 = arith.addi %add3A, %div3A_868 : i32
      %dma_start3A = arith.constant 0 : i32
      %dma_start3A_870 = tpu.memref_slice %arg4[%add3A_869, %dma_start3A] : memref<1000000x32xf32, #tpu.memory_space<hbm>> -> memref<1x32xf32, #tpu.memory_space<hbm>>
      %dma_start3A_871 = arith.constant 0 : i32
      %dma_start3A_872 = tpu.memref_slice %arg1[%rem3A_867, %dma_start3A_871] : memref<16384x32xf32, #tpu.memory_space<hbm>> -> memref<1x32xf32, #tpu.memory_space<hbm>>
      tpu.enqueue_dma source(%dma_start3A_872 : memref<1x32xf32, #tpu.memory_space<hbm>>) target(%dma_start3A_870 : memref<1x32xf32, #tpu.memory_space<hbm>>) target_semaphore(%arg5 : memref<!tpu.dma_semaphore, #tpu.memory_space<semaphore_mem>>)
      %while3A_873 = arith.constant 0 : i32
      scf.yield %while3A_873 : i32
    }
    %while3A_848 = arith.constant 1 : i32
    %while3A_849 = scf.for %while3A_862 = %while3A_845 to %while3A_841 step %while3A_848 iter_args(%while3A_863 = %while3A_847) -> (i32)  : i32 {
      %get3A_864 = arith.constant 31 : index
      %get3A_865 = arith.index_cast %while3A_862 : i32 to index
      %get3A_866 = memref.load %arg2[%get3A_864, %get3A_865] : memref<32x512xi32, #tpu.memory_space<smem>>
      %rem3A = arith.constant 16384 : i32
      %rem3A_867 = arith.remsi %get3A_866, %rem3A : i32
      %div3A = arith.constant 16384 : i32
      %div3A_868 = arith.divsi %get3A_866, %div3A : i32
      %add3A = arith.constant 968744 : i32
      %add3A_869 = arith.addi %add3A, %div3A_868 : i32
      %dma_start3A = arith.constant 0 : i32
      %dma_start3A_870 = tpu.memref_slice %arg4[%add3A_869, %dma_start3A] : memref<1000000x32xf32, #tpu.memory_space<hbm>> -> memref<1x32xf32, #tpu.memory_space<hbm>>
      %dma_start3A_871 = arith.constant 0 : i32
      %dma_start3A_872 = tpu.memref_slice %arg1[%rem3A_867, %dma_start3A_871] : memref<16384x32xf32, #tpu.memory_space<hbm>> -> memref<1x32xf32, #tpu.memory_space<hbm>>
      tpu.enqueue_dma source(%dma_start3A_872 : memref<1x32xf32, #tpu.memory_space<hbm>>) target(%dma_start3A_870 : memref<1x32xf32, #tpu.memory_space<hbm>>) target_semaphore(%arg5 : memref<!tpu.dma_semaphore, #tpu.memory_space<semaphore_mem>>)
      %while3A_873 = arith.constant 0 : i32
      scf.yield %while3A_873 : i32
    }
    %while3A_850 = arith.constant 0 : i32
    %while3A_851 = arith.constant 0 : i32
    %while3A_852 = arith.subi %get3A_837, %while3A_850 : i32
    %while3A_853 = arith.addi %while3A_850, %while3A_852 : i32
    %while3A_854 = arith.constant 1 : i32
    %while3A_855 = arith.divsi %while3A_852, %while3A_854 : i32
    %while3A_856 = arith.muli %while3A_855, %while3A_854 : i32
    %while3A_857 = arith.addi %while3A_850, %while3A_856 : i32
    %while3A_858 = arith.constant 1 : i32
    %while3A_859 = scf.for %while3A_862 = %while3A_850 to %while3A_857 step %while3A_858 iter_args(%while3A_863 = %while3A_851) -> (i32)  : i32 {
      %get3A_864 = arith.constant 31 : index
      %get3A_865 = arith.index_cast %while3A_862 : i32 to index
      %get3A_866 = memref.load %arg2[%get3A_864, %get3A_865] : memref<32x512xi32, #tpu.memory_space<smem>>
      %rem3A = arith.constant 16384 : i32
      %rem3A_867 = arith.remsi %get3A_866, %rem3A : i32
      %div3A = arith.constant 16384 : i32
      %div3A_868 = arith.divsi %get3A_866, %div3A : i32
      %add3A = arith.constant 968744 : i32
      %add3A_869 = arith.addi %add3A, %div3A_868 : i32
      %dma_wait3A = arith.constant 0 : i32
      %dma_wait3A_870 = tpu.memref_slice %arg4[%add3A_869, %dma_wait3A] : memref<1000000x32xf32, #tpu.memory_space<hbm>> -> memref<1x32xf32, #tpu.memory_space<hbm>>
      %dma_wait3A_871 = arith.constant 0 : i32
      %dma_wait3A_872 = tpu.memref_slice %arg1[%rem3A_867, %dma_wait3A_871] : memref<16384x32xf32, #tpu.memory_space<hbm>> -> memref<1x32xf32, #tpu.memory_space<hbm>>
      tpu.wait_dma2 semaphore(%arg5 : memref<!tpu.dma_semaphore, #tpu.memory_space<semaphore_mem>>) src(%dma_wait3A_872 : memref<1x32xf32, #tpu.memory_space<hbm>>) dst(%dma_wait3A_870 : memref<1x32xf32, #tpu.memory_space<hbm>>)
      %while3A_873 = arith.constant 0 : i32
      scf.yield %while3A_873 : i32
    }
    %while3A_860 = arith.constant 1 : i32
    %while3A_861 = scf.for %while3A_862 = %while3A_857 to %while3A_853 step %while3A_860 iter_args(%while3A_863 = %while3A_859) -> (i32)  : i32 {
      %get3A_864 = arith.constant 31 : index
      %get3A_865 = arith.index_cast %while3A_862 : i32 to index
      %get3A_866 = memref.load %arg2[%get3A_864, %get3A_865] : memref<32x512xi32, #tpu.memory_space<smem>>
      %rem3A = arith.constant 16384 : i32
      %rem3A_867 = arith.remsi %get3A_866, %rem3A : i32
      %div3A = arith.constant 16384 : i32
      %div3A_868 = arith.divsi %get3A_866, %div3A : i32
      %add3A = arith.constant 968744 : i32
      %add3A_869 = arith.addi %add3A, %div3A_868 : i32
      %dma_wait3A = arith.constant 0 : i32
      %dma_wait3A_870 = tpu.memref_slice %arg4[%add3A_869, %dma_wait3A] : memref<1000000x32xf32, #tpu.memory_space<hbm>> -> memref<1x32xf32, #tpu.memory_space<hbm>>
      %dma_wait3A_871 = arith.constant 0 : i32
      %dma_wait3A_872 = tpu.memref_slice %arg1[%rem3A_867, %dma_wait3A_871] : memref<16384x32xf32, #tpu.memory_space<hbm>> -> memref<1x32xf32, #tpu.memory_space<hbm>>
      tpu.wait_dma2 semaphore(%arg5 : memref<!tpu.dma_semaphore, #tpu.memory_space<semaphore_mem>>) src(%dma_wait3A_872 : memref<1x32xf32, #tpu.memory_space<hbm>>) dst(%dma_wait3A_870 : memref<1x32xf32, #tpu.memory_space<hbm>>)
      %while3A_873 = arith.constant 0 : i32
      scf.yield %while3A_873 : i32
    }
    return
  }
}

</mosaic_0001>

<sc_bundles>
// kernel: kernel.4.cloned.1.call-start
scs
__scs_entry_jumppad:
0x0: {  	(pc) =	sbr.rel $0x88, $3  }
0x1: {  	(tag) =	ssettag $0x0;
	lr =	simm.s32 $0x1  }
0x2: {  	[smem:$0x3F9C] =	sst lr;
	_ =	strace $0xD0000000  }
0x3: {  	_ = 	snop  }
0x4: {  	_ = 	snop  }
0x5: {  	_ = 	snop  }
0x6: {  	_ = 	snop  }
0x7: {  	_ = 	snop  }
__scs_overlays_trampoline_lowered:
0x8: {  	[smem:$0x3FAB] =	sst s0  }
0x9: {  	[smem:$0x3FAC] =	sst s1  }
0xa: {  	[smem:$0x3FAD] =	sst s2  }
0xb: {  	[smem:$0x3FAE] =	sst s3  }
0xc: {  	[smem:$0x3FAF] =	sst s4  }
0xd: {  	[smem:$0x3FB0] =	sst s5  }
0xe: {  	[smem:$0x3FB1] =	sst s6  }
0xf: {  	[smem:$0x3FB2] =	sst s7  }
0x10: {  	[smem:$0x3FB3] =	sst s8  }
0x11: {  	[smem:$0x3FB4] =	sst s9;
	s0 =	simm.s32 @!p0 $0x0  }
0x12: {  	s1 =	sld [smem:$0x3F9A];
	s0 =	simm.s32 @p0 $0x1  }
0x13: {  	[smem:$0x3FB5] =	sst s0;
	s0 =	simm.s32 @!p1 $0x0  }
0x14: {  	s2 =	sld [smem:$0x3F99];
	s0 =	simm.s32 @p1 $0x1  }
0x15: {  	[smem:$0x3FB6] =	sst s0;
	s0 =	simm.s32 @!p2 $0x0  }
0x16: {  	s3 =	sld [smem:$0x3FDB];
	s0 =	simm.s32 @p2 $0x1  }
0x17: {  	s4 =	simm.s32 $0x1BF5;
	[smem:$0x3FB8] =	sst s0  }
0x18: {  	s0 =	sld [smem:$0x3F9B];
	_ =	swait.ge [sflag:s4], $0x0  }
0x19: {  	s7 =	sld [smem:$0x3F9C]  }
0x1a: {  	s8 =	sadd.s32 $0xFFFFE003, lr  }
0x1b: {  	s9 =	sadd.s32 $0xFFFFFEF7, lr;
	s5 =	simm.s32 $0xFFFFFFFF;
	p2 =	slt.u32 s8, $0xFFFFF086  }
0x1c: {  	p1 =	slt.u32 s9, $0xF7A;
	s5 =	simm.s32 @!p2 $0x0  }
0x1d: {  	s5 =	simm.s32 @p1 $0x1;
	p0 =	seq.s32 s7, s2  }
0x1e: {  	s7 =	smul.u32 @!p0 $0xF7A, s2;
	p2 =	seq.s32 @!p0 s5, $0x0  }
0x1f: {  	s9 =	smul.u32 $0xF7A, s1;
	s8 =	simm.s32 @!p0 $0x1BF5;
	p2 =	por !p2, p0  }
0x20: {  	[sflag:s8] =	ssyncset.s32 @!p0 $0xFFFFF086;
	s6 =	sadd.s32 @!p0 s3, s7;
	s7 =	simm.s32 @!p0 $0x108  }
0x21: {  	s3 =	sadd.s32 s3, s9;
	s6 =	sadd.s32 @!p0 $0x88, s6;
	s7 =	simm.s32 @p2 $0x1082  }
0x22: {  	[simem:s7], [sflag:s8] =	dma.local @!p0 [hbm:s6], $0xF7A  }
0x23: {  	s9 =	sor.u32 $0xD0000000, s2;
	s6 =	simm.s32 $0x108;
	_ =	swait.ge @!p0 [sflag:s8], $0x0  }
0x24: {  	s3 =	sadd.s32 $0x88, s3;
	s6 =	simm.s32 @!p1 $0x1082;
	[sflag:s4] =	ssyncset.s32 $0xFFFFF086  }
0x25: {  	[simem:s6], [sflag:s4] =	dma.local [hbm:s3], $0xF7A  }
0x26: {  	[smem:$0x3F9C] =	sst s1;
	(tag) =	ssettag s2;
	_ =	strace s9  }
0x27: {  	s1 =	sld [smem:$0x3FAC]  }
0x28: {  	s2 =	sld [smem:$0x3FAD]  }
0x29: {  	s4 =	sld [smem:$0x3FAF]  }
0x2a: {  	p0 =	seq.s32 s5, $0x0;
	s5 =	sld [smem:$0x3FB0]  }
0x2b: {  	s6 =	sld [smem:$0x3FB1]  }
0x2c: {  	s7 =	sld [smem:$0x3FB2]  }
0x2d: {  	s3 =	simm.s32 $0x108;
	s8 =	sld [smem:$0x3FB3]  }
0x2e: {  	s3 =	simm.s32 @!p0 $0x1082;
	s9 =	sld [smem:$0x3FB4]  }
0x2f: {  	lr =	sadd.s32 s0, s3;
	s0 =	sld [smem:$0x3FAB]  }
0x30: {  	s3 =	sld [smem:$0x3FAE]  }
0x31: {  	[smem:$0x3FB7] =	sst s10  }
0x32: {  	s10 =	sld [smem:$0x3FB5];
	_ =	sdelay $0x3  }
0x33: {  	p0 =	seq.s32 s10, $0x1;
	s10 =	sld [smem:$0x3FB7];
	_ =	sdelay $0x3  }
0x34: {  	[smem:$0x3FB7] =	sst s10  }
0x35: {  	s10 =	sld [smem:$0x3FB6];
	_ =	sdelay $0x3  }
0x36: {  	p1 =	seq.s32 s10, $0x1;
	s10 =	sld [smem:$0x3FB7];
	_ =	sdelay $0x3  }
0x37: {  	[smem:$0x3FB7] =	sst s10  }
0x38: {  	s10 =	sld [smem:$0x3FB8]  }
0x39: {  	_ = 	snop;
	(pc) =	sbr.ind lr, $3  }
0x3a: {  	_ = 	snop  }
0x3b: {  	_ = 	snop  }
0x3c: {  	p2 =	seq.s32 s10, $0x1;
	s10 =	sld [smem:$0x3FB7]  }
0x3d: {  	_ =	shalt  }
0x3e: {  	_ =	shalt  }
0x3f: {  	_ =	shalt  }
0x40: {  	_ =	shalt  }
0x41: {  	_ =	shalt  }
0x42: {  	_ =	shalt  }
0x43: {  	_ =	shalt  }
0x44: {  	_ =	shalt  }
0x45: {  	_ =	shalt  }
0x46: {  	_ =	shalt  }
0x47: {  	_ =	shalt  }
0x48: {  	_ =	shalt  }
0x49: {  	_ =	shalt  }
0x4a: {  	_ =	shalt  }
0x4b: {  	_ =	shalt  }
0x4c: {  	_ =	shalt  }
0x4d: {  	_ =	shalt  }
0x4e: {  	_ =	shalt  }
0x4f: {  	_ =	shalt  }
0x50: {  	_ =	shalt  }
0x51: {  	_ =	shalt  }
0x52: {  	_ =	shalt  }
0x53: {  	_ =	shalt  }
0x54: {  	_ =	shalt  }
0x55: {  	_ =	shalt  }
0x56: {  	_ =	shalt  }
0x57: {  	_ =	shalt  }
0x58: {  	_ =	shalt  }
0x59: {  	_ =	shalt  }
0x5a: {  	_ =	shalt  }
0x5b: {  	_ =	shalt  }
0x5c: {  	_ =	shalt  }
0x5d: {  	_ =	shalt  }
0x5e: {  	_ =	shalt  }
0x5f: {  	_ =	shalt  }
0x60: {  	_ =	shalt  }
0x61: {  	_ =	shalt  }
0x62: {  	_ =	shalt  }
0x63: {  	_ =	shalt  }
0x64: {  	_ =	shalt  }
0x65: {  	_ =	shalt  }
0x66: {  	_ =	shalt  }
0x67: {  	_ =	shalt  }
0x68: {  	_ =	shalt  }
0x69: {  	_ =	shalt  }
0x6a: {  	_ =	shalt  }
0x6b: {  	_ =	shalt  }
0x6c: {  	_ =	shalt  }
0x6d: {  	_ =	shalt  }
0x6e: {  	_ =	shalt  }
0x6f: {  	_ =	shalt  }
0x70: {  	_ =	shalt  }
0x71: {  	_ =	shalt  }
0x72: {  	_ =	shalt  }
0x73: {  	_ =	shalt  }
0x74: {  	_ =	shalt  }
0x75: {  	_ =	shalt  }
0x76: {  	_ =	shalt  }
0x77: {  	_ =	shalt  }
0x78: {  	_ =	shalt  }
0x79: {  	_ =	shalt  }
0x7a: {  	_ =	shalt  }
0x7b: {  	_ =	shalt  }
0x7c: {  	_ =	shalt  }
0x7d: {  	_ =	shalt  }
0x7e: {  	_ =	shalt  }
0x7f: {  	_ =	shalt  }
0x80: {  	_ =	shalt  }
0x81: {  	_ =	shalt  }
0x82: {  	_ =	shalt  }
0x83: {  	_ =	shalt  }
0x84: {  	_ =	shalt  }
0x85: {  	_ =	shalt  }
0x86: {  	_ =	shalt  }
0x87: {  	_ =	shalt  }
.Lfunc_end0:
.L_simem_size_0:
called_computation_lowered:
.L_overlay_start_0:
0x88: {  	s2 =	sld [smem:$0x3FD9]  }
0x89: {  	s3 =	sld [smem:$0x3FFE];
	_ =	sdelay $0x1  }
0x8a: {  	s1 =	srdreg.scid  }
0x8b: {  	s0 =	sand.u32 $0x1, s1  }
0x8c: {  	s14 =	sshll.u32 s0, $0xA;
	s2 =	sadd.s32 s3, s2  }
0x8d: {  	s2 =	sadd.s32 s2, s14  }
0x8e: {  	[smem:$0x3FC3] =	sst s2  }
0x8f: {  	_ = 	snop  }
0x90: {  	s2 =	sld [smem:$0x3FD0]  }
0x91: {  	s15 =	sld [smem:$0x3FC8]  }
0x92: {  	s4 =	sld [smem:$0x3FC6]  }
0x93: {  	s6 =	simm.s32 $0xA;
	s7 =	simm.s32 $0x10;
	s5 =	sld [smem:$0x3FC5]  }
0x94: {  	[smem:s7], [sflag:s6] =	dma.local [hbm:s2], $0x1  }
0x95: {  	_ =	swait.eq [sflag:s6], $0x1  }
0x96: {  	[sflag:s6] =	ssyncset.done $0x0  }
0x97: {  	[sflag:s6] =	ssyncadd.s32 $0xFFFFFFFF  }
0x98: {  	s16 =	sld [smem:$0x11];
	(tm) =	ssettm $0x1  }
0x99: {  	s17 =	sld [smem:$0x3FFB];
	_ =	sdelay $0x3  }
0x9a: {  	_ =	strace s17  }
0x9b: {  	s6 =	sld [smem:$0x3FFC];
	_ =	sdelay $0x3  }
0x9c: {  	_ =	strace s6  }
0x9d: {  	s6 =	sld [smem:$0x3FFD];
	_ =	sdelay $0x3  }
0x9e: {  	_ =	strace s6  }
0x9f: {  	_ =	strace $0x8FFFFFFF  }
0xa0: {  	s18 =	sld [smem:$0x3FDB];
	_ =	sdelay $0x1  }
0xa1: {  	s19 =	simm.s32 $_scs_section_size  }
0xa2: {  	s8 =	simm.s32 $_size__tile_overlayer_lowered;
	s9 =	simm.s32 $_tile_overlayer_lowered  }
0xa3: {  	s22 =	simm.s32 $0x1BFF;
	s21 =	sshll.u32 s9, $0x1;
	s6 =	sadd.s32 s19, s18  }
0xa4: {  	s10 =	simm.s32 $0x0;
	s20 =	sshll.u32 s8, $0x1;
	s8 =	sadd.s32 s21, s6  }
0xa5: {  	[timem:s10], [sflag:s22] =	dma.local [hbm:s8], s20  }
0xa6: {  	_ =	swait.ge [sflag:s22], s20  }
0xa7: {  	s7 =	ssub.s32 $0x0, s20;
	[sflag:s22] =	ssyncset.done $0x0  }
0xa8: {  	[sflag:s22] =	ssyncadd.s32 s7;
	_ =	sdelay $0x1  }
0xa9: {  	s23 =	simm.s32 $0x1B8B  }
0xaa: {  	_ =	swait.ge [sflag:s23], $0x1  }
0xab: {  	[sflag:s23] =	ssyncset.done $0x0  }
0xac: {  	s25 =	simm.s32 $0x1B8E;
	s24 =	sld [smem:$0x3FFE];
	[sflag:s23] =	ssyncadd.s32 $0xFFFFFFFF  }
0xad: {  	s26 =	simm.s32 $execute0_lowered;
	[smem:$0x3FD2] =	sst s25  }
0xae: {  	s8 =	sshll.u32 s26, $0x1;
	_ =	strace $0x80000046;
	[dreg:$0x1] =	wrdreg $0xFFFFFFFF  }
0xaf: {  	s28 =	simm.s32 $_size_execute0_lowered;
	s6 =	sadd.s32 s6, s8;
	[dreg:$0x0] =	wrdreg $0x0  }
0xb0: {  	s8 =	sshll.u32 s28, $0x1;
	[dreg:$0x2] =	wrdreg s6  }
0xb1: {  	[dreg:$0x3] =	wrdreg s8  }
0xb2: {  	[dreg:$0x4] =	wrdreg $0xC0  }
0xb3: {  	_ =	task [dreg:s10], $0x5FFFF  }
0xb4: {  	[dreg:$0x1] =	wrdreg $0xFFFFFFFF  }
0xb5: {  	[dreg:$0x0] =	wrdreg $0x60  }
0xb6: {  	[dreg:$0x2] =	wrdreg s15  }
0xb7: {  	[dreg:$0x3] =	wrdreg s4  }
0xb8: {  	[dreg:$0x4] =	wrdreg s5  }
0xb9: {  	[dreg:$0x5] =	wrdreg s16  }
0xba: {  	[dreg:$0x6] =	wrdreg s24  }
0xbb: {  	[dreg:$0x7] =	wrdreg $0x9  }
0xbc: {  	_ =	task.clear_ibuf [dreg:s10], $0x8FFFF;
	_ =	strace $0x90000046  }
0xbd: {  	s29 =	simm.s32 $0x9;
	_ =	strace $0x80000048  }
0xbe: {  	_ =	swait.ge [sflag:s29], $0x1  }
0xbf: {  	[sflag:s29] =	ssyncadd.s32 $0xFFFFFFFF  }
0xc0: {  	_ =	strace $0x90000048  }
0xc1: {  	_ =	sfence  }
0xc2: {  	s30 =	sld [smem:$0x0];
	_ =	sdelay $0x2  }
0xc3: {  	s31 =	sshll.u32 s1, $0xD;
	s1 =	sshrl.u32 s1, $0x2  }
0xc4: {  	s3 =	sand.u32 $0x4000, s31;
	s1 =	sadd.s32 s1, s30  }
0xc5: {  	s0 =	sor.u32 s3, s0;
	s1 =	sshll.u32 s1, $0x11  }
0xc6: {  	s0 =	sor.u32 s1, s0  }
0xc7: {  	s0 =	sadd.s32 $0x8F2B, s0  }
0xc8: {  	[sflag:s0] =	ssyncadd.remote.s32 $0x1  }
0xc9: {  	_ =	sfence.sel $0xFFFF  }
0xca: {  	[dreg:$0x0] =	wrdreg $0xFFFFFFFF;
	(pc) =	sbr.abs _section_cstart, $3  }
0xcb: {  	[dreg:$0x1] =	wrdreg $0xFFFFFFFF  }
0xcc: {  	_ =	task.clear_ibuf [dreg:s10], $0x2FFFF;
	_ =	strace $0x9FFFFFFF  }
0xcd: {  	(tm) =	ssettm $0x7FFFFFFF  }
tec
execute0_lowered:
.L_overlay_start_1:
0x0: {  	(tag) =	ssettag $0x1  }
0x1: {  	s2 =	rddreg [dreg:$0x0]  }
0x2: {  	s0 =	rddreg [dreg:$0x1]  }
0x3: {  	s1 =	rddreg [dreg:$0x2]  }
0x4: {  	s8 =	rddreg [dreg:$0x3]  }
0x5: {  	s3 =	srdreg.scid;
	s6 =	rddreg [dreg:$0x4]  }
0x6: {  	s4 =	simm.s32 $0x0;
	s14 =	simm.s32 $0x900;
	s15 =	simm.s32 $0xD80  }
0x7: {  	s16 =	simm.s32 $0x80;
	s17 =	simm.s32 $0x400;
	s18 =	simm.s32 $0x1200  }
0x8: {  	s19 =	simm.s32 $0xD580;
	s20 =	simm.s32 $0x0;
	s5 =	sand.u32 $0x1, s3  }
0x9: {  	s3 =	stileid.u32;
	[smem:$0x7FF] =	sst s4;
	s7 =	sshll.u32 s5, $0x4  }
0xa: {  	s10 =	sshll.u32 s3, $0x7;
	_ =	strace $0x80000047;
	s5 =	ssub.s32 $0x2, s5  }
0xb: {  	s7 =	sor.u32 s3, s7;
	s10 =	sand.u32 $0x380, s10;
	s31 =	sshrl.u32 s5, $0x1  }
0xc: {  	s9 =	sshrl.u32 s7, $0x3;
	s12 =	smul.u32 $0x7A10, s7;
	s13 =	smax.u32 s7, $0x18  }
0xd: {  	p0 =	sgt.u32 s7, $0x17;
	s7 =	simm.s32 $0x7A18;
	s11 =	sshll.u32 s9, $0xC  }
0xe: {  	s9 =	sshll.u32 s9, $0xA;
	s13 =	sshll.u32 s13, $0x3;
	s7 =	simm.s32 @!p0 $0x7A10  }
0xf: {  	s11 =	sor.u32 s10, s11;
	s12 =	sadd.s32 s13, s12;
	s9 =	sor.u32 s10, s9  }
0x10: {  	s13 =	simm.s32 $0x5B00;
	s11 =	sshrl.u32 s11, $0x3;
	s30 =	sadd.s32 $0xFFFFFF40, s12  }
.Ltmp0:
0x11: {  	v2 =	vimm.s32 $0x0;
	v3 =	vlaneseq.u32;
	vm11 =	vmmov $0x1;
	s9 =	sshrl.u32 s9, $0x3;
	s12 =	simm.s32 $0x480;
	(pc) =	sbr.rel .LBB2_1-.Ltmp0, $4  }
0x12: {  	vm4 =	vcmask $0x704;
	vm5 =	vcmask $0xB08;
	vm6 =	vcmask $0xF0C;
	s7 =	sadd.s32 s7, s30;
	s11 =	sadd.s32 s11, s6;
	s6 =	sadd.s32 s9, s6  }
0x13: {  	vm7 =	vcmask $0x1310;
	vm8 =	vcmask $0x1714;
	vm3 =	vcmask $0x2320;
	s9 =	ssub.s32 s5, s31;
	s10 =	sshrl.u32 s30, $0x3;
	s5 =	sadd.s32 $0xE00, s11  }
0x14: {  	vm13 =	vcmask $0x2724;
	vm12 =	vcmask $0x2F2C;
	v1 =	vmov s7;
	s6 =	sadd.s32 $0x1600, s6;
	s7 =	sadd.s32 s2, s10;
	s8 =	sadd.s32 s8, s10  }
0x15: {  	vm14 =	vcmask $0x3330;
	vm15 =	vcmask $0x3734;
	v0 =	vmov s30;
	s9 =	smax.u32 s9, $0x1;
	s10 =	simm.s32 $0x1B00;
	s11 =	simm.s32 $0x1  }
.LBB2_25:
0x16: {  	s30 =	simm.s32 $0x1680  }
.LBB2_29:
0x17: {  	v6 =	vor.u32 s29, v3;
	s2 =	sadd.s32 @p1 $0x10, s30  }
0x18: {  	vm1 =	vlt.s32 v6, v4;
	s21 =	smov.u32 @p1 s2  }
0x19: {  	v4 =	vld [tilespmem:s21+$0x0];
	_ =	sdelay $0x4  }
0x1a: {  	[tilespmem:v5+s13+$0x0] =	vst.idx.msk vm1, v4  }
.LBB2_30:
0x1b: {  	[hbm4b:s8+s22] =	stream.linear.scatter @p0 [tilespmem:s24], [sflag:$0x1], $0x7A18, $0x38;
	[tilespmem:$0xD600] =	vst v63  }
0x1c: {  	s20 =	sadd.s32 $0x1, s20;
	_ =	swait.ge @p0 [sflag:s23], $0x7A18  }
0x1d: {  	p1 =	sne.s32 s20, s9;
	[sflag:s23] =	ssyncset.done @p0 $0x0  }
.Ltmp1:
0x1e: {  	[sflag:s23] =	ssyncadd.s32 @p0 $0xFFFF85E8;
	(pc) =	sbr.rel @!p1 .LBB2_31-.Ltmp1, $4  }
0x1f: {  	[hbm4b:s8+s26] =	stream.linear.scatter @!p0 [tilespmem:s28], [sflag:$0x1], $0x7A10, $0x38;
	[tilespmem:$0xD600] =	vst v63  }
0x20: {  	_ =	swait.ge @!p0 [sflag:s25], $0x7A10  }
0x21: {  	[sflag:s25] =	ssyncset.done @!p0 $0x0  }
0x22: {  	[sflag:s25] =	ssyncadd.s32 @!p0 $0xFFFF85F0  }
.LBB2_1:
0x23: {  	[tilespmem:s10], [sflag:$0x1] =	stream.linear.gather [hbm4b:s1+s4], $0x4000, $0x38;
	[tilespmem:$0xD600] =	vst v63  }
0x24: {  	_ =	swait.ge [sflag:s11], $0x4000  }
0x25: {  	[sflag:s11] =	ssyncset.done $0x0  }
0x26: {  	s2 =	simm.s32 $0x0;
	[sflag:s11] =	ssyncadd.s32 $0xFFFFC000  }
.LBB2_2:
0x27: {  	p1 =	sne.s32 s2, $0x1040  }
.Ltmp2:
0x28: {  	_ = 	snop;
	(pc) =	sbr.rel @p1 .LBB2_2-.Ltmp2, $4  }
0x29: {  	_ = 	snop  }
0x2a: {  	s21 =	sshra.s32 s2, $0x2  }
0x2b: {  	[tilespmem:s21+$0x0] =	vst v2  }
0x2c: {  	s2 =	sadd.s32 $0x40, s2;
	[tilespmem:s21+$0x480] =	vst v2  }
0x2d: {  	s2 =	simm.s32 $0x1B00  }
0x2e: {  	v4 =	vld [tilespmem:s2+$0x0];
	_ =	sdelay $0x4  }
0x2f: {  	vm1 =	vge.s32 v4, v0;
	vm2 =	vlt.s32 v4, v1  }
0x30: {  	vm1 =	vmand vm1, vm2  }
0x31: {  	v5 =	vsel vm1, $0x1, v2  }
0x32: {  	(xrf0) =	vadd.scan.msk.s32 $0xffff, v5;
	_ =	sdelay $0x4  }
0x33: {  	s22 =	simm.s32 $0x0;
	v5 =	vsel vm1, $0xFFFFFFFF, v2  }
0x34: {  	v5 =	vadd.s32 s22, v5;
	v6, _, _ =	vpop (xrf0)  }
0x35: {  	v5 =	vadd.s32 v6, v5;
	(v2sf) =	vpush v6, $0xF;
	_ =	sdelay $0x3  }
0x36: {  	v4 =	vsub.s32 v4, v0  }
0x37: {  	[tilespmem:v5+s4+$0x0] =	vst.idx.msk vm1, v4;
	v4 =	vor.u32 s22, v3  }
0x38: {  	s23 =	simm.s32 $0x1B10;
	[tilespmem:v5+s12+$0x0] =	vst.idx.msk vm1, v4  }
0x39: {  	s21 =	simm.s32 $0x10;
	s24 =	simm.s32 $0x20;
	v4 =	vld [tilespmem:s23+$0x0]  }
.LBB2_4:
0x3a: {  	p1 =	sne.s32 s24, $0x3FF0;
	_ =	sdelay $0x3  }
0x3b: {  	vm1 =	vge.s32 v4, v0;
	vm2 =	vlt.s32 v4, v1;
	v4 =	vsub.s32 v4, v0  }
0x3c: {  	vm1 =	vmand vm1, vm2  }
0x3d: {  	v5 =	vsel vm1, $0xFFFFFFFF, v2;
	v6 =	vsel vm1, $0x1, v2  }
0x3e: {  	(xrf0) =	vadd.scan.msk.s32 $0xffff, v6;
	s2 =	spop (v2sf)  }
0x3f: {  	s22 =	sadd.s32 s22, s2  }
0x40: {  	p2 =	slt.s32 s22, $0x400  }
0x41: {  	s22 =	simm.s32 @!p2 $0x400  }
0x42: {  	v5 =	vadd.s32 s22, v5;
	_ =	sdelay $0x1  }
0x43: {  	v6, _, _ =	vpop (xrf0)  }
0x44: {  	v5 =	vadd.s32 v6, v5;
	(v2sf) =	vpush v6, $0xF;
	_ =	sdelay $0x2  }
.Ltmp3:
0x45: {  	(pc) =	sbr.rel @p1 .LBB2_4-.Ltmp3, $4  }
0x46: {  	_ = 	snop  }
0x47: {  	v6 =	vor.u32 s21, v3;
	s21 =	smov.u32 s24;
	[tilespmem:v5+s4+$0x0] =	vst.idx.msk vm1, v4  }
0x48: {  	s23 =	sadd.s32 $0x10, s23;
	[tilespmem:v5+s12+$0x0] =	vst.idx.msk vm1, v6  }
0x49: {  	s24 =	sadd.s32 $0x10, s24;
	v4 =	vld [tilespmem:s23+$0x0]  }
0x4a: {  	_ =	sdelay $0x3  }
0x4b: {  	vm1 =	vge.s32 v4, v0;
	vm2 =	vlt.s32 v4, v1  }
0x4c: {  	vm1 =	vmand vm1, vm2  }
0x4d: {  	v5 =	vsel vm1, $0x1, v2  }
0x4e: {  	(xrf0) =	vadd.scan.msk.s32 $0xffff, v5;
	_ =	sdelay $0x5  }
0x4f: {  	v5, _, _ =	vpop (xrf0)  }
0x50: {  	(v2sf) =	vpush v5, $0xF;
	_ =	sdelay $0xb  }
0x51: {  	s2 =	spop (v2sf)  }
0x52: {  	s2 =	sadd.s32 s22, s2  }
0x53: {  	p1 =	slt.s32 s2, $0x400  }
0x54: {  	s2 =	simm.s32 @!p1 $0x400;
	s28 =	spop (v2sf)  }
0x55: {  	s23 =	sadd.s32 s2, s28  }
0x56: {  	p1 =	slt.s32 s23, $0x400  }
0x57: {  	p2 =	slt.s32 s23, $0xFFFFFFF2;
	s23 =	simm.s32 @!p1 $0x400  }
0x58: {  	s29 =	sadd.s32 $0xF, s23  }
0x59: {  	s30 =	sand.u32 $0xF, s29  }
0x5a: {  	v6 =	vsel vm1, $0xFFFFFFFF, v2;
	s31 =	sshra.s32 s29, $0x1F;
	p6 =	sne.s32 s30, $0x0  }
0x5b: {  	v6 =	vadd.s32 s2, v6;
	s2 =	sshrl.u32 s31, $0x1C;
	p1 =	por !p2, !p6  }
0x5c: {  	s22 =	simm.s32 $0x1;
	s2 =	sadd.s32 s2, s29;
	p1 =	por !p1, !p1  }
0x5d: {  	s2 =	sshra.s32 s2, $0x4;
	s22 =	simm.s32 @!p1 $0x0  }
0x5e: {  	v5 =	vadd.s32 v5, v6;
	s22 =	ssub.s32 s2, s22  }
0x5f: {  	p2 =	slt.s32 s22, $0x1  }
.Ltmp4:
0x60: {  	_ = 	snop;
	(pc) =	sbr.rel @p2 .LBB2_23-.Ltmp4, $4  }
0x61: {  	_ = 	snop  }
0x62: {  	v4 =	vsub.s32 v4, v0  }
0x63: {  	v63 =	vor.u32 s21, v3;
	[tilespmem:v5+s4+$0x0] =	vst.idx.msk vm1, v4  }
0x64: {  	s21 =	simm.s32 $0x0;
	[tilespmem:v5+s12+$0x0] =	vst.idx.msk vm1, v63;
	p1 =	por $0x0, $0x0  }
0x65: {  	v4 =	vmov s23;
	v6 =	vor.u32 s21, v3  }
0x66: {  	vm1 =	vlt.s32 v6, v4  }
0x67: {  	v7 =	vimm.s32 $0x0;
	vm0 =	vmand vm1, vm4  }
0x68: {  	v7 =	vsel vm0, $0xFFFFFFFF, v7  }
0x69: {  	vm0 =	vmand vm1, vm5;
	[tilespmem:$0x1FF90] =	vst v7;
	v7 =	vimm.s32 $0x0  }
0x6a: {  	v7 =	vsel vm0, $0xFFFFFFFF, v7  }
0x6b: {  	vm0 =	vmand vm1, vm6;
	[tilespmem:$0x1FFA0] =	vst v7;
	v7 =	vimm.s32 $0x0  }
0x6c: {  	v7 =	vsel vm0, $0xFFFFFFFF, v7  }
0x6d: {  	vm0 =	vmand vm1, vm7;
	[tilespmem:$0x1FFB0] =	vst v7;
	v7 =	vimm.s32 $0x0  }
0x6e: {  	v7 =	vsel vm0, $0xFFFFFFFF, v7  }
0x6f: {  	vm0 =	vmand vm1, vm8;
	[tilespmem:$0x1FFC0] =	vst v7;
	v7 =	vimm.s32 $0x0  }
0x70: {  	v7 =	vsel vm0, $0xFFFFFFFF, v7  }
0x71: {  	[tilespmem:$0x1FFD0] =	vst v7;
	v7 =	vld [tilespmem:$0x1FF90];
	_ =	sdelay $0x1  }
0x72: {  	v5 =	vld [tilespmem:s21+$0x0];
	_ =	sdelay $0x1  }
0x73: {  	s23 =	simm.s32 $0x480;
	vm2 =	vmand vm1, vm11;
	vm0 =	vcmask $0x1B18  }
0x74: {  	v6 =	vld [tilespmem:s23+$0x0];
	vm9 =	vmand vm1, vm0;
	vm0 =	vnez.u8 v7  }
0x75: {  	v7 =	vld [tilespmem:$0x1FFA0];
	_ =	sdelay $0x3  }
0x76: {  	[tilespmem:v5+s13+$0x0] =	vst.idx.msk vm2, v6  }
0x77: {  	[tilespmem:v5+s13+$0x0] =	vst.idx.msk vm0, v6;
	vm0 =	vnez.u8 v7  }
0x78: {  	v7 =	vld [tilespmem:$0x1FFB0];
	_ =	sdelay $0x4  }
0x79: {  	[tilespmem:v5+s13+$0x0] =	vst.idx.msk vm0, v6;
	vm0 =	vnez.u8 v7  }
0x7a: {  	v7 =	vld [tilespmem:$0x1FFC0];
	_ =	sdelay $0x4  }
0x7b: {  	[tilespmem:v5+s13+$0x0] =	vst.idx.msk vm0, v6;
	vm0 =	vnez.u8 v7;
	_ =	sdelay $0x1  }
0x7c: {  	v7 =	vld [tilespmem:$0x1FFD0];
	_ =	sdelay $0x3  }
0x7d: {  	vm10 =	vmand vm1, vm3;
	[tilespmem:v5+s13+$0x0] =	vst.idx.msk vm0, v6;
	vm0 =	vcmask $0x2B28  }
0x7e: {  	vm3 =	vmmov vm12;
	vm12 =	vmand vm1, vm0;
	vm0 =	vnez.u8 v7;
	_ =	sdelay $0x5  }
0x7f: {  	v7 =	vimm.s32 $0x0;
	[tilespmem:v5+s13+$0x0] =	vst.idx.msk vm0, v6;
	vm0 =	vmand vm1, vm3  }
0x80: {  	v7 =	vsel vm0, $0xFFFFFFFF, v7  }
0x81: {  	vm2 =	vcmask $0x1F1C;
	vm0 =	vmand vm1, vm14;
	[tilespmem:$0x1FFE0] =	vst v7;
	v7 =	vimm.s32 $0x0  }
0x82: {  	vm2 =	vmand vm1, vm2;
	v7 =	vsel vm0, $0xFFFFFFFF, v7  }
0x83: {  	[tilespmem:$0x1FFF0] =	vst v7;
	v7 =	vld [tilespmem:$0x1FFE0];
	_ =	sdelay $0x2  }
0x84: {  	vm13 =	vmand vm1, vm13  }
0x85: {  	[tilespmem:v5+s13+$0x0] =	vst.idx.msk vm9, v6;
	vm0 =	vcmask $0x3B38  }
0x86: {  	[tilespmem:v5+s13+$0x0] =	vst.idx.msk vm2, v6;
	vm2 =	vmand vm1, vm0;
	vm0 =	vnez.u8 v7  }
0x87: {  	v7 =	vld [tilespmem:$0x1FFF0];
	_ =	sdelay $0x1  }
0x88: {  	[tilespmem:v5+s13+$0x0] =	vst.idx.msk vm10, v6  }
0x89: {  	[tilespmem:v5+s13+$0x0] =	vst.idx.msk vm13, v6  }
0x8a: {  	[tilespmem:v5+s13+$0x0] =	vst.idx.msk vm12, v6  }
0x8b: {  	[tilespmem:v5+s13+$0x0] =	vst.idx.msk vm0, v6;
	vm0 =	vnez.u8 v7  }
0x8c: {  	vm9 =	vmand vm1, vm15;
	_ =	sdelay $0x4  }
0x8d: {  	[tilespmem:v5+s13+$0x0] =	vst.idx.msk vm0, v6  }
0x8e: {  	vm0 =	vcmask $0x3F3C;
	[tilespmem:v5+s13+$0x0] =	vst.idx.msk vm9, v6  }
0x8f: {  	p2 =	sne.s32 s22, $0x1;
	[tilespmem:v5+s13+$0x0] =	vst.idx.msk vm2, v6;
	vm2 =	vmand vm1, vm0  }
.Ltmp5:
0x90: {  	_ = 	snop;
	(pc) =	sbr.rel @!p2 .LBB2_8-.Ltmp5, $3  }
0x91: {  	_ =	sdelay $0x1  }
0x92: {  	s24 =	sadd.s32 $0xFFFFFFFF, s22  }
0x93: {  	s25 =	simm.s32 $0x0;
	s26 =	simm.s32 $0x480;
	s28 =	simm.s32 $0x0;
	vm15 =	vmmov vm14;
	vm0 =	vmmov vm3  }
.LBB2_7:
0x94: {  	[tilespmem:v5+s13+$0x0] =	vst.idx.msk vm2, v6;
	s25 =	sadd.s32 $0x10, s25;
	s26 =	sadd.s32 $0x10, s26;
	s28 =	sadd.s32 $0x10, s28  }
0x95: {  	p3 =	sne.s32 s24, $0x1;
	s24 =	sadd.s32 $0xFFFFFFFF, s24;
	v6 =	vor.u32 s28, v3;
	v5 =	vld [tilespmem:s25+$0x0]  }
0x96: {  	vm2 =	vlt.s32 v6, v4  }
0x97: {  	vm3 =	vmand vm2, vm11  }
0x98: {  	vm9 =	vmmov vm4;
	vm4 =	vmand vm2, vm4;
	v6 =	vld [tilespmem:s26+$0x0]  }
0x99: {  	vm10 =	vmmov vm5;
	vm5 =	vmand vm2, vm5  }
0x9a: {  	vm14 =	vmmov vm11;
	vm11 =	vmand vm2, vm6  }
0x9b: {  	vm12 =	vmand vm2, vm7  }
0x9c: {  	vm13 =	vmand vm2, vm8  }
0x9d: {  	[tilespmem:v5+s13+$0x0] =	vst.idx.msk vm3, v6;
	vm3 =	vcmask $0x1B18  }
0x9e: {  	vm3 =	vmand vm2, vm3  }
0x9f: {  	[tilespmem:v5+s13+$0x0] =	vst.idx.msk vm4, v6;
	vm4 =	vcmask $0x1F1C  }
0xa0: {  	vm4 =	vmand vm2, vm4  }
0xa1: {  	[tilespmem:v5+s13+$0x0] =	vst.idx.msk vm5, v6;
	vm5 =	vcmask $0x2320  }
0xa2: {  	vm5 =	vmand vm2, vm5  }
0xa3: {  	[tilespmem:v5+s13+$0x0] =	vst.idx.msk vm11, v6;
	vm11 =	vcmask $0x2724  }
0xa4: {  	vm11 =	vmand vm2, vm11  }
0xa5: {  	[tilespmem:v5+s13+$0x0] =	vst.idx.msk vm12, v6;
	vm12 =	vcmask $0x2B28  }
0xa6: {  	vm12 =	vmand vm2, vm12  }
0xa7: {  	[tilespmem:v5+s13+$0x0] =	vst.idx.msk vm13, v6;
	vm13 =	vmand vm2, vm0  }
0xa8: {  	[tilespmem:v5+s13+$0x0] =	vst.idx.msk vm3, v6;
	vm3 =	vmand vm2, vm15  }
0xa9: {  	[tilespmem:v5+s13+$0x0] =	vst.idx.msk vm4, v6;
	vm4 =	vcmask $0x3734  }
0xaa: {  	vm4 =	vmand vm2, vm4  }
0xab: {  	[tilespmem:v5+s13+$0x0] =	vst.idx.msk vm5, v6;
	vm5 =	vcmask $0x3B38  }
0xac: {  	vm5 =	vmand vm2, vm5  }
0xad: {  	[tilespmem:v5+s13+$0x0] =	vst.idx.msk vm11, v6;
	vm11 =	vmmov vm14;
	vm14 =	vcmask $0x3F3C  }
0xae: {  	vm2 =	vmand vm2, vm14  }
.Ltmp6:
0xaf: {  	[tilespmem:v5+s13+$0x0] =	vst.idx.msk vm12, v6;
	(pc) =	sbr.rel @p3 .LBB2_7-.Ltmp6, $4  }
0xb0: {  	[tilespmem:v5+s13+$0x0] =	vst.idx.msk vm13, v6  }
0xb1: {  	[tilespmem:v5+s13+$0x0] =	vst.idx.msk vm3, v6  }
0xb2: {  	[tilespmem:v5+s13+$0x0] =	vst.idx.msk vm4, v6;
	vm4 =	vmmov vm9  }
0xb3: {  	[tilespmem:v5+s13+$0x0] =	vst.idx.msk vm5, v6;
	vm5 =	vmmov vm10  }
.LBB2_8:
0xb4: {  	_ =	sdelay $0x4  }
0xb5: {  	[tilespmem:v5+s13+$0x0] =	vst.idx.msk vm2, v6  }
0xb6: {  	v5 =	vld [tilespmem:s21+$0x0];
	_ =	sdelay $0x3  }
.Ltmp7:
0xb7: {  	_ = 	snop;
	(pc) =	sbr.rel @!p2 .LBB2_9-.Ltmp7, $3  }
0xb8: {  	_ =	sdelay $0x1  }
0xb9: {  	v6 =	vld [tilespmem:s23+$0x0]  }
0xba: {  	vm14 =	vcmask $0x2724;
	vm10 =	vcmask $0x2320;
	s2 =	sadd.s32 $0xFFFFFFFF, s22;
	p3 =	por $0x0, $0x0;
	v7 =	vld.idx.msk [tilespmem:v5+s13+$0x0], vm1  }
0xbb: {  	_ =	sdelay $0x3  }
0xbc: {  	vm2 =	veq.s32 v7, v6  }
0xbd: {  	vm1 =	vmand vm1, vm2  }
0xbe: {  	v7 =	vsel vm1, $0x1, v2  }
0xbf: {  	(xrf0) =	vadd.scan.msk.s32 $0xffff, v7;
	_ =	sdelay $0x5  }
0xc0: {  	v7 =	vsel vm1, $0xFFFFFFFF, v2;
	v8, _, _ =	vpop (xrf0)  }
0xc1: {  	v7 =	vadd.s32 s21, v7;
	(v2sf) =	vpush v8, $0xF  }
0xc2: {  	v7 =	vadd.s32 v8, v7;
	_ =	sdelay $0x4  }
0xc3: {  	[tilespmem:v7+s14+$0x0] =	vst.idx.msk vm1, v5  }
0xc4: {  	s23 =	simm.s32 $0x10;
	[tilespmem:v7+s15+$0x0] =	vst.idx.msk vm1, v6  }
0xc5: {  	v5 =	vld [tilespmem:s23+$0x0]  }
0xc6: {  	v6 =	vor.u32 s23, v3  }
0xc7: {  	vm1 =	vlt.s32 v6, v4;
	_ =	sdelay $0x1  }
0xc8: {  	p2 =	sne.s32 s2, $0x1  }
.Ltmp8:
0xc9: {  	_ = 	snop;
	(pc) =	sbr.rel @!p2 .LBB2_11-.Ltmp8, $4  }
0xca: {  	s25 =	simm.s32 $0x490  }
0xcb: {  	v6 =	vld [tilespmem:s25+$0x0];
	s22 =	spop (v2sf)  }
0xcc: {  	s24 =	sadd.s32 $0xFFFFFFFF, s2;
	v7 =	vld.idx.msk [tilespmem:v5+s13+$0x0], vm1;
	s22 =	sadd.s32 $0x0, s22  }
0xcd: {  	p3 =	por $0x1, $0x1;
	s26 =	simm.s32 $0x10;
	vm3 =	vmmov vm10;
	vm13 =	vmmov vm14;
	vm14 =	vmmov vm15;
	p4 =	slt.s32 s22, $0x200  }
.LBB2_12:
0xce: {  	p2 =	sne.s32 s24, $0x1;
	s24 =	sadd.s32 $0xFFFFFFFF, s24;
	s22 =	simm.s32 @!p4 $0x200  }
0xcf: {  	_ =	sdelay $0x1  }
0xd0: {  	vm2 =	veq.s32 v7, v6  }
0xd1: {  	vm1 =	vmand vm1, vm2  }
0xd2: {  	v7 =	vsel vm1, $0xFFFFFFFF, v2;
	v8 =	vsel vm1, $0x1, v2  }
0xd3: {  	(xrf0) =	vadd.scan.msk.s32 $0xffff, v8;
	_ =	sdelay $0x5  }
0xd4: {  	v7 =	vadd.s32 s22, v7;
	v8, _, _ =	vpop (xrf0)  }
0xd5: {  	v7 =	vadd.s32 v8, v7;
	(v2sf) =	vpush v8, $0xF;
	_ =	sdelay $0x4  }
0xd6: {  	[tilespmem:v7+s14+$0x0] =	vst.idx.msk vm1, v5  }
0xd7: {  	s23 =	sadd.s32 $0x10, s23;
	[tilespmem:v7+s15+$0x0] =	vst.idx.msk vm1, v6  }
0xd8: {  	s26 =	sadd.s32 $0x10, s26;
	v5 =	vld [tilespmem:s23+$0x0]  }
0xd9: {  	v6 =	vor.u32 s26, v3  }
0xda: {  	vm1 =	vlt.s32 v6, v4;
	_ =	sdelay $0x3  }
.Ltmp9:
0xdb: {  	(pc) =	sbr.rel @p2 .LBB2_12-.Ltmp9, $4  }
0xdc: {  	_ = 	snop  }
0xdd: {  	s25 =	sadd.s32 $0x10, s25;
	v7 =	vld.idx.msk [tilespmem:v5+s13+$0x0], vm1;
	s2 =	spop (v2sf)  }
0xde: {  	v6 =	vld [tilespmem:s25+$0x0];
	s22 =	sadd.s32 s22, s2  }
0xdf: {  	p4 =	slt.s32 s22, $0x200  }
0xe0: {  	vm12 =	vmmov vm0;
	vm15 =	vcmask $0x3734  }
.LBB2_14:
0xe1: {  	_ =	sdelay $0x1  }
0xe2: {  	vm2 =	veq.s32 v7, v6  }
0xe3: {  	vm1 =	vmand vm1, vm2  }
0xe4: {  	v4 =	vsel vm1, $0x1, v2  }
0xe5: {  	(xrf0) =	vadd.scan.msk.s32 $0xffff, v4;
	_ =	sdelay $0x5  }
0xe6: {  	v4, _, _ =	vpop (xrf0)  }
0xe7: {  	(v2sf) =	vpush v4, $0xF;
	_ =	sdelay $0xb  }
0xe8: {  	p2 =	por !p4, !p3  }
0xe9: {  	s22 =	simm.s32 @p2 $0x200  }
0xea: {  	s21 =	smov.u32 @p3 s22;
	v63 =	vsel vm1, $0xFFFFFFFF, v2  }
0xeb: {  	v7 =	vadd.s32 s21, v63;
	s2 =	spop (v2sf)  }
0xec: {  	v4 =	vadd.s32 v4, v7;
	s21 =	sadd.s32 s21, s2  }
0xed: {  	p3 =	slt.s32 s21, $0x1  }
.Ltmp10:
0xee: {  	_ = 	snop;
	(pc) =	sbr.rel @p3 .LBB2_23-.Ltmp10, $3  }
0xef: {  	_ =	sdelay $0x1  }
0xf0: {  	[tilespmem:v4+s14+$0x0] =	vst.idx.msk vm1, v5;
	p2 =	slt.s32 s21, $0x200  }
0xf1: {  	[tilespmem:v4+s15+$0x0] =	vst.idx.msk vm1, v6;
	s21 =	simm.s32 @!p2 $0x200  }
0xf2: {  	s2 =	sadd.s32 $0xF, s21  }
0xf3: {  	s22 =	sshrl.u32 s2, $0x4  }
0xf4: {  	p2 =	sne.s32 s22, $0x1  }
.Ltmp11:
0xf5: {  	_ = 	snop;
	(pc) =	sbr.rel @!p2 .LBB2_16-.Ltmp11, $3  }
0xf6: {  	_ =	sdelay $0x1  }
0xf7: {  	s31 =	simm.s32 $0x900;
	s23 =	simm.s32 $0xD80  }
0xf8: {  	s24 =	simm.s32 $0x1200;
	p1 =	por $0x0, $0x0;
	v4 =	vld [tilespmem:s31+$0x0];
	s2 =	sadd.s32 $0xFFFFFFFF, s22  }
0xf9: {  	v5 =	vld [tilespmem:s23+$0x0];
	_ =	sdelay $0x1  }
0xfa: {  	p2 =	sne.s32 s2, $0x1  }
.Ltmp12:
0xfb: {  	_ = 	snop;
	(pc) =	sbr.rel @!p2 .LBB2_18-.Ltmp12, $4  }
0xfc: {  	v4 =	vshll.u32 v4, $0xE  }
0xfd: {  	v4 =	vor.u32 v5, v4  }
0xfe: {  	s28 =	simm.s32 $0x910;
	s2 =	sadd.s32 $0xFFFFFFFF, s2;
	[tilespmem:s24+$0x0] =	vst v4  }
0xff: {  	s25 =	simm.s32 $0xD90;
	p1 =	por $0x1, $0x1;
	s26 =	simm.s32 $0x1200;
	v4 =	vld [tilespmem:s28+$0x0]  }
.LBB2_19:
0x100: {  	p2 =	sne.s32 s2, $0x1;
	v5 =	vld [tilespmem:s25+$0x0];
	_ =	sdelay $0x2  }
.Ltmp13:
0x101: {  	(pc) =	sbr.rel @p2 .LBB2_19-.Ltmp13, $4  }
0x102: {  	v4 =	vshll.u32 v4, $0xE  }
0x103: {  	s26 =	sadd.s32 $0x10, s26;
	v4 =	vor.u32 v5, v4  }
0x104: {  	s28 =	sadd.s32 $0x10, s28;
	[tilespmem:s26+$0x0] =	vst v4  }
0x105: {  	s2 =	sadd.s32 $0xFFFFFFFF, s2;
	s25 =	sadd.s32 $0x10, s25;
	v4 =	vld [tilespmem:s28+$0x0]  }
.LBB2_20:
0x106: {  	v5 =	vld [tilespmem:s25+$0x0];
	_ =	sdelay $0x3  }
0x107: {  	s2 =	sadd.s32 @p1 $0x10, s26;
	v4 =	vshll.u32 v4, $0xE  }
0x108: {  	s24 =	smov.u32 @p1 s2;
	v4 =	vor.u32 v5, v4  }
0x109: {  	s2 =	simm.s32 $0x0;
	[tilespmem:s24+$0x0] =	vst v4  }
0x10a: {  	[tilespmem:s10], [sflag:$0x1] =	stream.linear.gather [hbm4b:s0+s2], $0x4000, $0x38;
	[tilespmem:$0xD600] =	vst v63  }
0x10b: {  	_ =	swait.ge [sflag:s11], $0x4000  }
0x10c: {  	[sflag:s11] =	ssyncset.done $0x0  }
0x10d: {  	v4 =	vmov s21;
	s24 =	simm.s32 $0x1680;
	[sflag:s11] =	ssyncadd.s32 $0xFFFFC000  }
.LBB2_21:
0x10e: {  	v5 =	vld [tilespmem:s23+$0x0]  }
0x10f: {  	v6 =	vor.u32 s2, v3  }
0x110: {  	vm1 =	vlt.s32 v6, v4;
	_ =	sdelay $0x5  }
0x111: {  	p1 =	sne.s32 s22, $0x1;
	v5 =	vld.idx.msk [tilespmem:v5+s10+$0x0], vm1  }
.Ltmp14:
0x112: {  	_ = 	snop;
	(pc) =	sbr.rel @p1 .LBB2_21-.Ltmp14, $3  }
0x113: {  	_ =	sdelay $0x1  }
0x114: {  	s23 =	sadd.s32 $0x10, s23  }
0x115: {  	s2 =	sadd.s32 $0x10, s2;
	s22 =	sadd.s32 $0xFFFFFFFF, s22;
	[tilespmem:s24+$0x0] =	vst v5;
	s24 =	sadd.s32 $0x10, s24  }
0x116: {  	p1 =	por $0x1, $0x1  }
.LBB2_23:
0x117: {  	[hbm4b:s5+s16] =	stream.strided.scatter [tilespmem:s18], [sflag:$0x1], $0x200, s17, s16, $0x38;
	[tilespmem:$0xD600] =	vst v63  }
0x118: {  	_ =	swait.ge [sflag:s11], $0x200  }
0x119: {  	v4 =	vmov s21;
	vm0 =	vcmask $0x300;
	[sflag:s11] =	ssyncset.done $0x0  }
0x11a: {  	v5 =	vnsel vm0, $0x0, v4;
	[sflag:s11] =	ssyncadd.s32 $0xFFFFFE00  }
0x11b: {  	[tilespmem:$0xD580] =	vst v5  }
0x11c: {  	[hbm4b:s6+s4] =	stream.linear.scatter [tilespmem:s19], [sflag:$0x1], $0x80, $0x38;
	[tilespmem:$0xD600] =	vst v63  }
0x11d: {  	_ =	swait.ge [sflag:s11], $0x80  }
0x11e: {  	s22 =	simm.s32 @p0 $0x0;
	[sflag:s11] =	ssyncset.done $0x0  }
0x11f: {  	s24 =	simm.s32 @p0 $0x5B00;
	s23 =	simm.s32 @p0 $0x1;
	[sflag:s11] =	ssyncadd.s32 $0xFFFFFF80  }
0x120: {  	[tilespmem:s24], [sflag:$0x1] =	stream.linear.gather @p0 [hbm4b:s7+s22], $0x7A18, $0x38;
	[tilespmem:$0xD600] =	vst v63  }
0x121: {  	_ =	swait.ge @p0 [sflag:s23], $0x7A18  }
0x122: {  	s26 =	simm.s32 @!p0 $0x0;
	s28 =	simm.s32 @!p0 $0x5B00;
	[sflag:s23] =	ssyncset.done @p0 $0x0  }
.Ltmp15:
0x123: {  	s25 =	simm.s32 @!p0 $0x1;
	[sflag:s23] =	ssyncadd.s32 @p0 $0xFFFF85E8;
	(pc) =	sbr.rel @!p1 .LBB2_30-.Ltmp15, $4  }
0x124: {  	[tilespmem:s28], [sflag:$0x1] =	stream.linear.gather @!p0 [hbm4b:s7+s26], $0x7A10, $0x38;
	[tilespmem:$0xD600] =	vst v63  }
0x125: {  	_ =	swait.ge @!p0 [sflag:s25], $0x7A10  }
0x126: {  	[sflag:s25] =	ssyncset.done @!p0 $0x0  }
0x127: {  	[sflag:s25] =	ssyncadd.s32 @!p0 $0xFFFF85F0  }
0x128: {  	s2 =	sadd.s32 $0xF, s21  }
0x129: {  	s2 =	sshrl.u32 s2, $0x4  }
0x12a: {  	p2 =	sne.s32 s2, $0x1  }
.Ltmp16:
0x12b: {  	_ = 	snop;
	(pc) =	sbr.rel @!p2 .LBB2_25-.Ltmp16, $3  }
0x12c: {  	_ =	sdelay $0x1  }
0x12d: {  	s30 =	simm.s32 $0x900;
	s21 =	simm.s32 $0x1680  }
0x12e: {  	s29 =	simm.s32 $0x0;
	p1 =	por $0x0, $0x0;
	v5 =	vld [tilespmem:s30+$0x0];
	s2 =	sadd.s32 $0xFFFFFFFF, s2  }
0x12f: {  	_ = 	snop  }
0x130: {  	v6 =	vor.u32 s29, v3  }
0x131: {  	vm1 =	vlt.s32 v6, v4  }
0x132: {  	v6 =	vld [tilespmem:s21+$0x0]  }
0x133: {  	p2 =	sne.s32 s2, $0x1  }
.Ltmp17:
0x134: {  	_ = 	snop;
	(pc) =	sbr.rel @!p2 .LBB2_27-.Ltmp17, $3  }
0x135: {  	_ =	sdelay $0x1  }
0x136: {  	s31 =	simm.s32 $0x910;
	s2 =	sadd.s32 $0xFFFFFFFF, s2;
	[tilespmem:v5+s13+$0x0] =	vst.idx.msk vm1, v6  }
0x137: {  	s29 =	simm.s32 $0x10;
	p1 =	por $0x1, $0x1;
	s30 =	simm.s32 $0x1680;
	v5 =	vld [tilespmem:s31+$0x0]  }
.LBB2_28:
0x138: {  	p2 =	sne.s32 s2, $0x1;
	v6 =	vor.u32 s29, v3  }
0x139: {  	s30 =	sadd.s32 $0x10, s30;
	vm1 =	vlt.s32 v6, v4  }
0x13a: {  	v6 =	vld [tilespmem:s30+$0x0];
	_ =	sdelay $0x1  }
.Ltmp18:
0x13b: {  	(pc) =	sbr.rel @p2 .LBB2_28-.Ltmp18, $3  }
0x13c: {  	_ =	sdelay $0x1  }
0x13d: {  	s31 =	sadd.s32 $0x10, s31;
	[tilespmem:v5+s13+$0x0] =	vst.idx.msk vm1, v6  }
0x13e: {  	s2 =	sadd.s32 $0xFFFFFFFF, s2;
	s29 =	sadd.s32 $0x10, s29;
	v5 =	vld [tilespmem:s31+$0x0]  }
.Ltmp19:
0x13f: {  	_ = 	snop;
	(pc) =	sbr.rel .LBB2_29-.Ltmp19, $1  }
0x140: {  	_ =	sdelay $0x3  }
.LBB2_9:
.Ltmp20:
0x141: {  	(pc) =	sbr.rel .LBB2_14-.Ltmp20, $3  }
0x142: {  	_ =	sdelay $0x1  }
0x143: {  	vm3 =	vmmov vm10;
	vm13 =	vmmov vm14  }
0x144: {  	vm12 =	vmmov vm0;
	vm14 =	vmmov vm15;
	vm15 =	vcmask $0x3734  }
.LBB2_11:
.Ltmp21:
0x145: {  	(pc) =	sbr.rel .LBB2_14-.Ltmp21, $2  }
0x146: {  	_ =	sdelay $0x2  }
0x147: {  	vm12 =	vmmov vm0;
	vm15 =	vcmask $0x3734  }
.LBB2_27:
.Ltmp22:
0x148: {  	(pc) =	sbr.rel .LBB2_29-.Ltmp22, $2  }
0x149: {  	_ =	sdelay $0x2  }
0x14a: {  	s30 =	simm.s32 $0x1680  }
.LBB2_16:
.Ltmp23:
0x14b: {  	(pc) =	sbr.rel .LBB2_20-.Ltmp23, $2  }
0x14c: {  	_ =	sdelay $0x2  }
0x14d: {  	s25 =	simm.s32 $0xD80;
	s26 =	simm.s32 $0x1200  }
.LBB2_18:
.Ltmp24:
0x14e: {  	(pc) =	sbr.rel .LBB2_20-.Ltmp24, $2  }
0x14f: {  	_ =	sdelay $0x2  }
0x150: {  	s26 =	simm.s32 $0x1200  }
.LBB2_31:
0x151: {  	_ =	sfence.sel $0x180000  }
0x152: {  	[bflag:$0x0] =	sbarrier.arrive $0xFFFF  }
0x153: {  	_ =	strace $0x90000047  }
0x154: {  	[bflag:$0x2] =	sbarrier.arrive $0xFFFF  }
0x155: {  	p0 =	sne.s32 s3, $0x0;
	s0 =	rddreg [dreg:$0x5]  }
0x156: {  	s0 =	sadd.s32 @!p0 $0x100000, s0  }
0x157: {  	[sflag:s0] =	ssyncadd.tile.s32 @!p0 $0x1;
	_ =	shalt  }
.Lfunc_end2:
_tile_overlayer_lowered:
.L_overlay_start_2:
0x158: {  	(tag) =	ssettag $0x2  }
0x159: {  	s0 =	rddreg [dreg:$0x0];
	s2 =	stileid.u32  }
0x15a: {  	s1 =	rddreg [dreg:$0x1];
	p0 =	sne.s32 s2, $0x0  }
0x15b: {  	s3 =	rddreg [dreg:$0x2];
	[bflag:$0x3] =	sbarrier.arrive $0xFFFF;
	s2 =	simm.s32 @!p0 $0x1C01  }
0x15c: {  	[timem:s3], [sflag:s2] =	dma.local @!p0 [hbm:s0], s1  }
0x15d: {  	s0 =	simm.s32 @!p0 $0x1  }
0x15e: {  	_ =	swait.ge @!p0 [sflag:s0], s1  }
0x15f: {  	s1 =	ssub.s32 @!p0 $0x0, s1;
	[sflag:s0] =	ssyncset.done @!p0 $0x0  }
0x160: {  	[sflag:s0] =	ssyncadd.s32 @!p0 s1  }
0x161: {  	[bflag:$0x3] =	sbarrier.arrive $0xFFFF  }
0x162: {  	_ =	shalt  }

</sc_bundles>
